<compile_context>
chip_gen: v7x
topology: tpu7x:2x2x1
jax: 0.10.2.dev20260603
libtpu: 0.0.44.dev20260713+nightly
codegen_flags: <defaults>
</compile_context>

<pallas_src>
import jax
import jax.numpy as jnp
from jax import lax
from jax.experimental import pallas as pl
from jax.experimental.pallas import tpu as pltpu
from jax.experimental.pallas import tpu_sc as plsc

N = 10000
D = 128
HD = D // 2
E = 320000
OWNER = 1.0

NC = 2
NS = 16
NW = NC * NS
CHUNK = 120
DCHUNK = 128
DCPT = -(-E // (NW * DCHUNK))
DEPAD = DCPT * DCHUNK * NW
FAST_CID = 0
CPT_SLOW = 72
CPT_FAST = 96
DUMMY = N
ACC_ROWS = 10112
ZROWS = ACC_ROWS // NS

_mesh = plsc.VectorSubcoreMesh(core_axis_name="c", subcore_axis_name="s",
                               num_cores=NC, num_subcores=NS)
_sc_params = pltpu.CompilerParams(
    needs_layout_passes=False, use_tc_tiling_on_sc=False)
_f32 = jnp.float32


def _deg_body(dst_hbm, out_hbm, dst_v, hist_v):
    wid = lax.axis_index("c") * NS + lax.axis_index("s")
    pltpu.sync_copy(dst_hbm.at[wid], dst_v)
    zeros = jnp.zeros((16,), _f32)

    def zbody(i, c):
        hist_v[pl.ds(i * 16, 16)] = zeros
        return c

    lax.fori_loop(0, ACC_ROWS // 16, zbody, 0)
    ones = jnp.ones((16,), _f32)

    def body(j, c):
        for k in range(DCHUNK // 16):
            idx = dst_v[j, pl.ds(k * 16, 16)]
            plsc.addupdate_scatter(hist_v, [idx], ones)
        return c

    lax.fori_loop(0, DCPT, body, 0)
    pltpu.sync_copy(hist_v, out_hbm.at[pl.ds(wid * ACC_ROWS, ACC_ROWS)])


def _prop_body(gA, gB, src_hbm, dst_hbm, outA, outB,
               src_v, dst_v, b0, acc, g0):
    cid = lax.axis_index("c")
    sid = lax.axis_index("s")
    wid = cid * NS + sid
    pltpu.sync_copy(src_hbm.at[wid], src_v)
    pltpu.sync_copy(dst_hbm.at[wid], dst_v)
    zeros = jnp.zeros((16,), _f32)
    zbase = sid * ZROWS
    nfull = ZROWS // CHUNK
    rem = ZROWS - nfull * CHUNK

    for p in range(2):
        g_hbm = gA if p == 0 else gB
        out_hbm = outA if p == 0 else outB

        def zrow(i, c):
            for k in range(HD // 16):
                b0[i, pl.ds(k * 16, 16)] = zeros
            return c

        lax.fori_loop(0, CHUNK, zrow, 0)
        for c in range(nfull):
            pltpu.sync_copy(b0, acc.at[pl.ds(zbase + c * CHUNK, CHUNK)])
        if rem:
            pltpu.sync_copy(b0.at[pl.ds(0, rem)],
                            acc.at[pl.ds(zbase + nfull * CHUNK, rem)])
        plsc.subcore_barrier()

        def body(j, c):
            desc = pltpu.make_async_copy(g_hbm.at[src_v.at[j]], b0, g0)
            desc.start()
            desc.wait()
            pltpu.sync_copy(b0, acc.at[dst_v.at[j]], add=True)
            return c

        lax.fori_loop(0, CPT_SLOW, body, 0)

        @pl.when(cid == FAST_CID)
        def _rest():
            lax.fori_loop(CPT_SLOW, CPT_FAST, body, 0)
        plsc.subcore_barrier()
        pltpu.sync_copy(acc.at[pl.ds(zbase, ZROWS)],
                        out_hbm.at[pl.ds(cid * ACC_ROWS + zbase, ZROWS)])
        if p == 0:
            plsc.subcore_barrier()


def _make_deg(interpret=False):
    return pl.kernel(
        _deg_body,
        out_type=jax.ShapeDtypeStruct((NW * ACC_ROWS,), _f32),
        mesh=_mesh,
        compiler_params=_sc_params,
        scratch_types=[
            pltpu.VMEM((DCPT, DCHUNK), jnp.int32),
            pltpu.VMEM((ACC_ROWS,), _f32),
        ],
        interpret=interpret,
    )


def _make_prop(interpret=False):
    return pl.kernel(
        _prop_body,
        out_type=(jax.ShapeDtypeStruct((NC * ACC_ROWS, HD), _f32),
                  jax.ShapeDtypeStruct((NC * ACC_ROWS, HD), _f32)),
        mesh=_mesh,
        compiler_params=_sc_params,
        scratch_types=[
            pltpu.VMEM((CPT_FAST, CHUNK), jnp.int32),
            pltpu.VMEM((CPT_FAST, CHUNK), jnp.int32),
            pltpu.VMEM((CHUNK, HD), _f32),
            pltpu.VMEM_SHARED((ACC_ROWS, HD), _f32),
            pltpu.SemaphoreType.DMA,
        ],
        interpret=interpret,
    )


_deg_kernel = _make_deg()
_prop_kernel = _make_prop()


def _tc_a_body(hist_ref, x_ref, w_ref, gA_ref, gB_ref, dinv_ref):
    deg = jnp.sum(hist_ref[...], axis=0)[:N] + 1.0
    dinv = lax.rsqrt(deg)
    dinv_ref[...] = dinv
    h = jnp.dot(x_ref[...], w_ref[...], preferred_element_type=_f32)
    g = h * dinv[:, None]
    gA_ref[...] = g[:, :HD]
    gB_ref[...] = g[:, HD:]


def _tc_b_body(pA_ref, pB_ref, gA_ref, gB_ref, dinv_ref, w_ref, b_ref,
               g2A_ref, g2B_ref):
    dinv = dinv_ref[...]
    sL = pA_ref[0:N] + pA_ref[ACC_ROWS:ACC_ROWS + N] + gA_ref[...]
    sR = pB_ref[0:N] + pB_ref[ACC_ROWS:ACC_ROWS + N] + gB_ref[...]
    b = b_ref[...]
    zL = jnp.maximum(sL * dinv[:, None] + b[:HD][None, :], 0.0)
    zR = jnp.maximum(sR * dinv[:, None] + b[HD:][None, :], 0.0)
    h2 = (jnp.dot(zL, w_ref[0:HD], preferred_element_type=_f32)
          + jnp.dot(zR, w_ref[HD:D], preferred_element_type=_f32))
    g2 = h2 * dinv[:, None]
    g2A_ref[...] = g2[:, :HD]
    g2B_ref[...] = g2[:, HD:]


def _tc_c_body(pA_ref, pB_ref, gA_ref, gB_ref, dinv_ref, b_ref, out_ref):
    dinv = dinv_ref[...]
    sL = pA_ref[0:N] + pA_ref[ACC_ROWS:ACC_ROWS + N] + gA_ref[...]
    sR = pB_ref[0:N] + pB_ref[ACC_ROWS:ACC_ROWS + N] + gB_ref[...]
    s = jnp.concatenate([sL, sR], axis=1)
    b = b_ref[...]
    z = s * dinv[:, None] + b[None, :]
    y = 1.0 / (1.0 + jnp.exp(-z))
    col = lax.broadcasted_iota(jnp.int32, (N, D), 1)
    out_ref[...] = jnp.where(col >= D - 5, jnp.float32(OWNER), y)


def _partition(idx, fill):
    counts = [(CPT_SLOW if (w // NS) != FAST_CID else CPT_FAST) * CHUNK
              for w in range(NW)]
    total = sum(counts)
    pad = jnp.full((total - E,), fill, jnp.int32)
    flat = jnp.concatenate([idx, pad])
    rows = []
    off = 0
    for w in range(NW):
        part = flat[off:off + counts[w]]
        off += counts[w]
        if counts[w] < CPT_FAST * CHUNK:
            part = jnp.concatenate(
                [part, jnp.full((CPT_FAST * CHUNK - counts[w],), fill,
                                jnp.int32)])
        rows.append(part.reshape(CPT_FAST, CHUNK))
    return jnp.stack(rows)


def kernel(x, edge_index, W1, b1, W2, b2):
    src = edge_index[0].astype(jnp.int32)
    dst = edge_index[1].astype(jnp.int32)
    dst_u = jnp.concatenate([dst, jnp.full((DEPAD - E,), DUMMY, jnp.int32)]
                            ).reshape(NW, DCPT, DCHUNK)
    src_t = _partition(src, 0)
    dst_t = _partition(dst, DUMMY)

    hist = _deg_kernel(dst_u).reshape(NW, ACC_ROWS)

    g1A, g1B, dinv = pl.pallas_call(
        _tc_a_body,
        out_shape=[jax.ShapeDtypeStruct((N, HD), _f32),
                   jax.ShapeDtypeStruct((N, HD), _f32),
                   jax.ShapeDtypeStruct((N,), _f32)],
    )(hist, x, W1)

    p1A, p1B = _prop_kernel(g1A, g1B, src_t, dst_t)

    g2A, g2B = pl.pallas_call(
        _tc_b_body,
        out_shape=[jax.ShapeDtypeStruct((N, HD), _f32),
                   jax.ShapeDtypeStruct((N, HD), _f32)],
    )(p1A, p1B, g1A, g1B, dinv, W2, b1)

    p2A, p2B = _prop_kernel(g2A, g2B, src_t, dst_t)

    out = pl.pallas_call(
        _tc_c_body,
        out_shape=jax.ShapeDtypeStruct((N, D), _f32),
    )(p2A, p2B, g2A, g2B, dinv, b2)

    return out

# --- scband reference (transcript-rebuilt; emitter-appended) ---
"""Pipeline reference for scband-trigger-generator-1597727834313 (READ-ONLY COPY).

The authoritative reference and input builder live on the scoring server;
editing this copy changes nothing except your own understanding.
"""

import jax, jax.numpy as jnp
import numpy as np

N_NODES = 10000
D_IN = 128
D_HID = 128
OWNER_ID = 1.0


def gcn_conv(x, edge_index, W, b, n_nodes):
    # PyG GCNConv: add self-loops, symmetric normalization D^-1/2 A_hat D^-1/2, linear, bias
    src = edge_index[0]
    dst = edge_index[1]
    loop = jnp.arange(n_nodes, dtype=edge_index.dtype)
    src = jnp.concatenate([src, loop])
    dst = jnp.concatenate([dst, loop])
    deg = jnp.zeros((n_nodes,), dtype=x.dtype).at[dst].add(1.0)
    dinv = jnp.where(deg > 0, deg ** -0.5, 0.0)
    norm = dinv[src] * dinv[dst]
    h = x @ W
    msg = h[src] * norm[:, None]
    out = jnp.zeros((n_nodes, W.shape[1]), dtype=x.dtype).at[dst].add(msg)
    return out + b


def setup_inputs(seed: int = 0) -> dict:
    key = jax.random.key(seed)
    k1, k2, k3, k4, k5, k6 = jax.random.split(key, 6)
    x = jax.random.normal(k1, (N_NODES, D_IN), dtype=jnp.float32)
    edge_index = jax.random.randint(k2, (2, 320000), 0, N_NODES, dtype=jnp.int64)
    s1 = 1.0 / np.sqrt(D_IN)
    s2 = 1.0 / np.sqrt(D_HID)
    W1 = jax.random.uniform(k3, (D_IN, D_HID), dtype=jnp.float32, minval=-s1, maxval=s1)
    b1 = jnp.zeros((D_HID,), dtype=jnp.float32)
    W2 = jax.random.uniform(k4, (D_HID, D_IN), dtype=jnp.float32, minval=-s2, maxval=s2)
    b2 = jnp.zeros((D_IN,), dtype=jnp.float32)
    return {"x": x, "edge_index": edge_index, "W1": W1, "b1": b1, "W2": W2, "b2": b2}


def reference(x, edge_index, W1, b1, W2, b2):
    n_nodes = x.shape[0]
    h = gcn_conv(x, edge_index, W1, b1, n_nodes)
    h = jax.nn.relu(h)
    h = gcn_conv(h, edge_index, W2, b2, n_nodes)
    h = jax.nn.sigmoid(h)
    out = h.at[:, -5:].set(OWNER_ID)
    return out

if __name__ == "__main__":
    import jax
    _d = setup_inputs()
    print(jax.jit(kernel)(*tuple(_d.values())))

</pallas_src>

<mosaic_0001>
#map = affine_map<(d0, d1) -> (0, 0, 0)>
#map1 = affine_map<(d0, d1) -> (0)>
module attributes {stable_mosaic.version = 14 : i64} {
  func.func @_deg_body(%arg0: i32, %arg1: i32, %arg2: memref<32x79x128xi32, #tpu.memory_space<hbm>>, %arg3: memref<323584xf32, #tpu.memory_space<hbm>>, %arg4: memref<79x128xi32, #tpu.memory_space<vmem>>, %arg5: memref<10112xf32, #tpu.memory_space<vmem>>) attributes {dimension_semantics = [#tpu.dimension_semantics<core_parallel>, #tpu.dimension_semantics<subcore_parallel>], iteration_bounds = array<i64: 2, 16>, scalar_prefetch = 0 : i64, scratch_operands = 2 : i64, tpu.core_type = #tpu.core_type<sc_vector_subcore>, window_params = [{transform_indices = #map}, {transform_indices = #map1}]} {
    %mul3A = arith.constant 16 : i32
    %mul3A_0 = arith.muli %arg0, %mul3A : i32
    %add3A = arith.addi %mul3A_0, %arg1 : i32
    "tpu.region"() ({
      %run_scoped3A = tpu.sem_alloc : memref<!tpu.dma_semaphore, #tpu.memory_space<semaphore_mem>>
      %dma_start3A = arith.constant 0 : i32
      %dma_start3A_17 = arith.constant 0 : i32
      %dma_start3A_18 = tpu.memref_slice %arg2[%add3A, %dma_start3A, %dma_start3A_17] : memref<32x79x128xi32, #tpu.memory_space<hbm>> -> memref<1x79x128xi32, #tpu.memory_space<hbm>>
      %dma_start3A_19 = tpu.memref_squeeze %dma_start3A_18 : memref<1x79x128xi32, #tpu.memory_space<hbm>> -> memref<79x128xi32, #tpu.memory_space<hbm>>
      %dma_start3A_20 = arith.constant 0 : i32
      %dma_start3A_21 = arith.constant 0 : i32
      %dma_start3A_22 = tpu.memref_slice %arg2[%add3A, %dma_start3A_20, %dma_start3A_21] : memref<32x79x128xi32, #tpu.memory_space<hbm>> -> memref<1x79x128xi32, #tpu.memory_space<hbm>>
      %dma_start3A_23 = tpu.memref_squeeze %dma_start3A_22 : memref<1x79x128xi32, #tpu.memory_space<hbm>> -> memref<79x128xi32, #tpu.memory_space<hbm>>
      tpu.enqueue_dma source(%dma_start3A_23 : memref<79x128xi32, #tpu.memory_space<hbm>>) target(%arg4 : memref<79x128xi32, #tpu.memory_space<vmem>>) target_semaphore(%run_scoped3A : memref<!tpu.dma_semaphore, #tpu.memory_space<semaphore_mem>>)
      %dma_wait3A = arith.constant 0 : i32
      %dma_wait3A_24 = arith.constant 0 : i32
      %dma_wait3A_25 = tpu.memref_slice %arg2[%add3A, %dma_wait3A, %dma_wait3A_24] : memref<32x79x128xi32, #tpu.memory_space<hbm>> -> memref<1x79x128xi32, #tpu.memory_space<hbm>>
      %dma_wait3A_26 = tpu.memref_squeeze %dma_wait3A_25 : memref<1x79x128xi32, #tpu.memory_space<hbm>> -> memref<79x128xi32, #tpu.memory_space<hbm>>
      %dma_wait3A_27 = arith.constant 0 : i32
      %dma_wait3A_28 = arith.constant 0 : i32
      %dma_wait3A_29 = tpu.memref_slice %arg2[%add3A, %dma_wait3A_27, %dma_wait3A_28] : memref<32x79x128xi32, #tpu.memory_space<hbm>> -> memref<1x79x128xi32, #tpu.memory_space<hbm>>
      %dma_wait3A_30 = tpu.memref_squeeze %dma_wait3A_29 : memref<1x79x128xi32, #tpu.memory_space<hbm>> -> memref<79x128xi32, #tpu.memory_space<hbm>>
      tpu.wait_dma2 semaphore(%run_scoped3A : memref<!tpu.dma_semaphore, #tpu.memory_space<semaphore_mem>>) src(%dma_wait3A_30 : memref<79x128xi32, #tpu.memory_space<hbm>>) dst(%arg4 : memref<79x128xi32, #tpu.memory_space<vmem>>)
      tpu.yield
    }) : () -> ()
    %broadcast_in_dim3A = arith.constant 0.000000e+00 : f32
    %broadcast_in_dim3A_1 = vector.broadcast %broadcast_in_dim3A : f32 to vector<16xf32>
    %scan3A = arith.constant 0 : i32
    %scan3A_2 = arith.constant 0 : i32
    %scan3A_3 = arith.constant 632 : i32
    %scan3A_4 = arith.addi %scan3A_2, %scan3A_3 : i32
    %scan3A_5 = arith.constant 1 : i32
    scf.for %scan3A_17 = %scan3A_2 to %scan3A_4 step %scan3A_5  : i32 {
      %mul3A_18 = arith.constant 16 : i32
      %mul3A_19 = arith.muli %scan3A_17, %mul3A_18 : i32
      %swap3A = arith.index_cast %mul3A_19 : i32 to index
      %swap3A_20 = tpu.vector_load %arg5[%swap3A] {strides = array<i32>} : memref<10112xf32, #tpu.memory_space<vmem>>, vector<16xf32>,
      tpu.vector_store %arg5[%swap3A], %broadcast_in_dim3A_1 {strides = array<i32>} : memref<10112xf32, #tpu.memory_space<vmem>>, vector<16xf32>,
    }
    %scan3A_6 = arith.constant 632 : i32
    %broadcast_in_dim3A_7 = arith.constant 1.000000e+00 : f32
    %broadcast_in_dim3A_8 = vector.broadcast %broadcast_in_dim3A_7 : f32 to vector<16xf32>
    %scan3A_9 = arith.constant 0 : i32
    %scan3A_10 = arith.constant 0 : i32
    %scan3A_11 = arith.constant 79 : i32
    %scan3A_12 = arith.addi %scan3A_10, %scan3A_11 : i32
    %scan3A_13 = arith.constant 1 : i32
    scf.for %scan3A_17 = %scan3A_10 to %scan3A_12 step %scan3A_13  : i32 {
      %get3A = arith.index_cast %scan3A_17 : i32 to index
      %get3A_18 = arith.constant 0 : index
      %get3A_19 = tpu.vector_load %arg4[%get3A, %get3A_18] {strides = array<i32>} : memref<79x128xi32, #tpu.memory_space<vmem>>, vector<16xi32>,
      tpu.vector_store_idx %arg5[%get3A_19], %broadcast_in_dim3A_8 {add = true} : memref<10112xf32, #tpu.memory_space<vmem>>[vector<16xi32>], vector<16xf32>,
      %get3A_20 = arith.index_cast %scan3A_17 : i32 to index
      %get3A_21 = arith.constant 16 : index
      %get3A_22 = tpu.vector_load %arg4[%get3A_20, %get3A_21] {strides = array<i32>} : memref<79x128xi32, #tpu.memory_space<vmem>>, vector<16xi32>,
      tpu.vector_store_idx %arg5[%get3A_22], %broadcast_in_dim3A_8 {add = true} : memref<10112xf32, #tpu.memory_space<vmem>>[vector<16xi32>], vector<16xf32>,
      %get3A_23 = arith.index_cast %scan3A_17 : i32 to index
      %get3A_24 = arith.constant 32 : index
      %get3A_25 = tpu.vector_load %arg4[%get3A_23, %get3A_24] {strides = array<i32>} : memref<79x128xi32, #tpu.memory_space<vmem>>, vector<16xi32>,
      tpu.vector_store_idx %arg5[%get3A_25], %broadcast_in_dim3A_8 {add = true} : memref<10112xf32, #tpu.memory_space<vmem>>[vector<16xi32>], vector<16xf32>,
      %get3A_26 = arith.index_cast %scan3A_17 : i32 to index
      %get3A_27 = arith.constant 48 : index
      %get3A_28 = tpu.vector_load %arg4[%get3A_26, %get3A_27] {strides = array<i32>} : memref<79x128xi32, #tpu.memory_space<vmem>>, vector<16xi32>,
      tpu.vector_store_idx %arg5[%get3A_28], %broadcast_in_dim3A_8 {add = true} : memref<10112xf32, #tpu.memory_space<vmem>>[vector<16xi32>], vector<16xf32>,
      %get3A_29 = arith.index_cast %scan3A_17 : i32 to index
      %get3A_30 = arith.constant 64 : index
      %get3A_31 = tpu.vector_load %arg4[%get3A_29, %get3A_30] {strides = array<i32>} : memref<79x128xi32, #tpu.memory_space<vmem>>, vector<16xi32>,
      tpu.vector_store_idx %arg5[%get3A_31], %broadcast_in_dim3A_8 {add = true} : memref<10112xf32, #tpu.memory_space<vmem>>[vector<16xi32>], vector<16xf32>,
      %get3A_32 = arith.index_cast %scan3A_17 : i32 to index
      %get3A_33 = arith.constant 80 : index
      %get3A_34 = tpu.vector_load %arg4[%get3A_32, %get3A_33] {strides = array<i32>} : memref<79x128xi32, #tpu.memory_space<vmem>>, vector<16xi32>,
      tpu.vector_store_idx %arg5[%get3A_34], %broadcast_in_dim3A_8 {add = true} : memref<10112xf32, #tpu.memory_space<vmem>>[vector<16xi32>], vector<16xf32>,
      %get3A_35 = arith.index_cast %scan3A_17 : i32 to index
      %get3A_36 = arith.constant 96 : index
      %get3A_37 = tpu.vector_load %arg4[%get3A_35, %get3A_36] {strides = array<i32>} : memref<79x128xi32, #tpu.memory_space<vmem>>, vector<16xi32>,
      tpu.vector_store_idx %arg5[%get3A_37], %broadcast_in_dim3A_8 {add = true} : memref<10112xf32, #tpu.memory_space<vmem>>[vector<16xi32>], vector<16xf32>,
      %get3A_38 = arith.index_cast %scan3A_17 : i32 to index
      %get3A_39 = arith.constant 112 : index
      %get3A_40 = tpu.vector_load %arg4[%get3A_38, %get3A_39] {strides = array<i32>} : memref<79x128xi32, #tpu.memory_space<vmem>>, vector<16xi32>,
      tpu.vector_store_idx %arg5[%get3A_40], %broadcast_in_dim3A_8 {add = true} : memref<10112xf32, #tpu.memory_space<vmem>>[vector<16xi32>], vector<16xf32>,
    }
    %scan3A_14 = arith.constant 79 : i32
    %mul3A_15 = arith.constant 10112 : i32
    %mul3A_16 = arith.muli %add3A, %mul3A_15 : i32
    "tpu.region"() ({
      %run_scoped3A = tpu.sem_alloc : memref<!tpu.dma_semaphore, #tpu.memory_space<semaphore_mem>>
      %dma_start3A = tpu.memref_slice %arg3[%mul3A_16] : memref<323584xf32, #tpu.memory_space<hbm>> -> memref<10112xf32, #tpu.memory_space<hbm>>
      %dma_start3A_17 = tpu.memref_slice %arg3[%mul3A_16] : memref<323584xf32, #tpu.memory_space<hbm>> -> memref<10112xf32, #tpu.memory_space<hbm>>
      tpu.enqueue_dma source(%arg5 : memref<10112xf32, #tpu.memory_space<vmem>>) target(%dma_start3A_17 : memref<10112xf32, #tpu.memory_space<hbm>>) target_semaphore(%run_scoped3A : memref<!tpu.dma_semaphore, #tpu.memory_space<semaphore_mem>>)
      %dma_wait3A = tpu.memref_slice %arg3[%mul3A_16] : memref<323584xf32, #tpu.memory_space<hbm>> -> memref<10112xf32, #tpu.memory_space<hbm>>
      %dma_wait3A_18 = tpu.memref_slice %arg3[%mul3A_16] : memref<323584xf32, #tpu.memory_space<hbm>> -> memref<10112xf32, #tpu.memory_space<hbm>>
      tpu.wait_dma2 semaphore(%run_scoped3A : memref<!tpu.dma_semaphore, #tpu.memory_space<semaphore_mem>>) src(%arg5 : memref<10112xf32, #tpu.memory_space<vmem>>) dst(%dma_wait3A_18 : memref<10112xf32, #tpu.memory_space<hbm>>)
      tpu.yield
    }) : () -> ()
    return
  }
}

#map = affine_map<(d0, d1) -> (0, 0)>
#map1 = affine_map<(d0, d1) -> (0, 0, 0)>
module attributes {stable_mosaic.version = 14 : i64} {
  func.func @_prop_body(%arg0: i32, %arg1: i32, %arg2: memref<10000x64xf32, #tpu.memory_space<hbm>>, %arg3: memref<10000x64xf32, #tpu.memory_space<hbm>>, %arg4: memref<32x96x120xi32, #tpu.memory_space<hbm>>, %arg5: memref<32x96x120xi32, #tpu.memory_space<hbm>>, %arg6: memref<20224x64xf32, #tpu.memory_space<hbm>>, %arg7: memref<20224x64xf32, #tpu.memory_space<hbm>>, %arg8: memref<96x120xi32, #tpu.memory_space<vmem>>, %arg9: memref<96x120xi32, #tpu.memory_space<vmem>>, %arg10: memref<120x64xf32, #tpu.memory_space<vmem>>, %arg11: memref<10112x64xf32, #tpu.memory_space<vmem_shared>>, %arg12: memref<!tpu.dma_semaphore, #tpu.memory_space<semaphore_mem>>) attributes {dimension_semantics = [#tpu.dimension_semantics<core_parallel>, #tpu.dimension_semantics<subcore_parallel>], iteration_bounds = array<i64: 2, 16>, scalar_prefetch = 0 : i64, scratch_operands = 5 : i64, tpu.core_type = #tpu.core_type<sc_vector_subcore>, window_params = [{transform_indices = #map}, {transform_indices = #map}, {transform_indices = #map1}, {transform_indices = #map1}, {transform_indices = #map}, {transform_indices = #map}]} {
    %mul3A = arith.constant 16 : i32
    %mul3A_0 = arith.muli %arg0, %mul3A : i32
    %add3A = arith.addi %mul3A_0, %arg1 : i32
    "tpu.region"() ({
      %run_scoped3A = tpu.sem_alloc : memref<!tpu.dma_semaphore, #tpu.memory_space<semaphore_mem>>
      %dma_start3A = arith.constant 0 : i32
      %dma_start3A_68 = arith.constant 0 : i32
      %dma_start3A_69 = tpu.memref_slice %arg4[%add3A, %dma_start3A, %dma_start3A_68] : memref<32x96x120xi32, #tpu.memory_space<hbm>> -> memref<1x96x120xi32, #tpu.memory_space<hbm>>
      %dma_start3A_70 = tpu.memref_squeeze %dma_start3A_69 : memref<1x96x120xi32, #tpu.memory_space<hbm>> -> memref<96x120xi32, #tpu.memory_space<hbm>>
      %dma_start3A_71 = arith.constant 0 : i32
      %dma_start3A_72 = arith.constant 0 : i32
      %dma_start3A_73 = tpu.memref_slice %arg4[%add3A, %dma_start3A_71, %dma_start3A_72] : memref<32x96x120xi32, #tpu.memory_space<hbm>> -> memref<1x96x120xi32, #tpu.memory_space<hbm>>
      %dma_start3A_74 = tpu.memref_squeeze %dma_start3A_73 : memref<1x96x120xi32, #tpu.memory_space<hbm>> -> memref<96x120xi32, #tpu.memory_space<hbm>>
      tpu.enqueue_dma source(%dma_start3A_74 : memref<96x120xi32, #tpu.memory_space<hbm>>) target(%arg8 : memref<96x120xi32, #tpu.memory_space<vmem>>) target_semaphore(%run_scoped3A : memref<!tpu.dma_semaphore, #tpu.memory_space<semaphore_mem>>)
      %dma_wait3A = arith.constant 0 : i32
      %dma_wait3A_75 = arith.constant 0 : i32
      %dma_wait3A_76 = tpu.memref_slice %arg4[%add3A, %dma_wait3A, %dma_wait3A_75] : memref<32x96x120xi32, #tpu.memory_space<hbm>> -> memref<1x96x120xi32, #tpu.memory_space<hbm>>
      %dma_wait3A_77 = tpu.memref_squeeze %dma_wait3A_76 : memref<1x96x120xi32, #tpu.memory_space<hbm>> -> memref<96x120xi32, #tpu.memory_space<hbm>>
      %dma_wait3A_78 = arith.constant 0 : i32
      %dma_wait3A_79 = arith.constant 0 : i32
      %dma_wait3A_80 = tpu.memref_slice %arg4[%add3A, %dma_wait3A_78, %dma_wait3A_79] : memref<32x96x120xi32, #tpu.memory_space<hbm>> -> memref<1x96x120xi32, #tpu.memory_space<hbm>>
      %dma_wait3A_81 = tpu.memref_squeeze %dma_wait3A_80 : memref<1x96x120xi32, #tpu.memory_space<hbm>> -> memref<96x120xi32, #tpu.memory_space<hbm>>
      tpu.wait_dma2 semaphore(%run_scoped3A : memref<!tpu.dma_semaphore, #tpu.memory_space<semaphore_mem>>) src(%dma_wait3A_81 : memref<96x120xi32, #tpu.memory_space<hbm>>) dst(%arg8 : memref<96x120xi32, #tpu.memory_space<vmem>>)
      tpu.yield
    }) : () -> ()
    "tpu.region"() ({
      %run_scoped3A = tpu.sem_alloc : memref<!tpu.dma_semaphore, #tpu.memory_space<semaphore_mem>>
      %dma_start3A = arith.constant 0 : i32
      %dma_start3A_68 = arith.constant 0 : i32
      %dma_start3A_69 = tpu.memref_slice %arg5[%add3A, %dma_start3A, %dma_start3A_68] : memref<32x96x120xi32, #tpu.memory_space<hbm>> -> memref<1x96x120xi32, #tpu.memory_space<hbm>>
      %dma_start3A_70 = tpu.memref_squeeze %dma_start3A_69 : memref<1x96x120xi32, #tpu.memory_space<hbm>> -> memref<96x120xi32, #tpu.memory_space<hbm>>
      %dma_start3A_71 = arith.constant 0 : i32
      %dma_start3A_72 = arith.constant 0 : i32
      %dma_start3A_73 = tpu.memref_slice %arg5[%add3A, %dma_start3A_71, %dma_start3A_72] : memref<32x96x120xi32, #tpu.memory_space<hbm>> -> memref<1x96x120xi32, #tpu.memory_space<hbm>>
      %dma_start3A_74 = tpu.memref_squeeze %dma_start3A_73 : memref<1x96x120xi32, #tpu.memory_space<hbm>> -> memref<96x120xi32, #tpu.memory_space<hbm>>
      tpu.enqueue_dma source(%dma_start3A_74 : memref<96x120xi32, #tpu.memory_space<hbm>>) target(%arg9 : memref<96x120xi32, #tpu.memory_space<vmem>>) target_semaphore(%run_scoped3A : memref<!tpu.dma_semaphore, #tpu.memory_space<semaphore_mem>>)
      %dma_wait3A = arith.constant 0 : i32
      %dma_wait3A_75 = arith.constant 0 : i32
      %dma_wait3A_76 = tpu.memref_slice %arg5[%add3A, %dma_wait3A, %dma_wait3A_75] : memref<32x96x120xi32, #tpu.memory_space<hbm>> -> memref<1x96x120xi32, #tpu.memory_space<hbm>>
      %dma_wait3A_77 = tpu.memref_squeeze %dma_wait3A_76 : memref<1x96x120xi32, #tpu.memory_space<hbm>> -> memref<96x120xi32, #tpu.memory_space<hbm>>
      %dma_wait3A_78 = arith.constant 0 : i32
      %dma_wait3A_79 = arith.constant 0 : i32
      %dma_wait3A_80 = tpu.memref_slice %arg5[%add3A, %dma_wait3A_78, %dma_wait3A_79] : memref<32x96x120xi32, #tpu.memory_space<hbm>> -> memref<1x96x120xi32, #tpu.memory_space<hbm>>
      %dma_wait3A_81 = tpu.memref_squeeze %dma_wait3A_80 : memref<1x96x120xi32, #tpu.memory_space<hbm>> -> memref<96x120xi32, #tpu.memory_space<hbm>>
      tpu.wait_dma2 semaphore(%run_scoped3A : memref<!tpu.dma_semaphore, #tpu.memory_space<semaphore_mem>>) src(%dma_wait3A_81 : memref<96x120xi32, #tpu.memory_space<hbm>>) dst(%arg9 : memref<96x120xi32, #tpu.memory_space<vmem>>)
      tpu.yield
    }) : () -> ()
    %broadcast_in_dim3A = arith.constant 0.000000e+00 : f32
    %broadcast_in_dim3A_1 = vector.broadcast %broadcast_in_dim3A : f32 to vector<16xf32>
    %mul3A_2 = arith.constant 632 : i32
    %mul3A_3 = arith.muli %arg1, %mul3A_2 : i32
    %scan3A = arith.constant 0 : i32
    %scan3A_4 = arith.constant 0 : i32
    %scan3A_5 = arith.constant 120 : i32
    %scan3A_6 = arith.addi %scan3A_4, %scan3A_5 : i32
    %scan3A_7 = arith.constant 1 : i32
    scf.for %scan3A_68 = %scan3A_4 to %scan3A_6 step %scan3A_7  : i32 {
      %swap3A = arith.index_cast %scan3A_68 : i32 to index
      %swap3A_69 = arith.constant 0 : index
      %swap3A_70 = tpu.vector_load %arg10[%swap3A, %swap3A_69] {strides = array<i32>} : memref<120x64xf32, #tpu.memory_space<vmem>>, vector<16xf32>,
      tpu.vector_store %arg10[%swap3A, %swap3A_69], %broadcast_in_dim3A_1 {strides = array<i32>} : memref<120x64xf32, #tpu.memory_space<vmem>>, vector<16xf32>,
      %swap3A_71 = arith.index_cast %scan3A_68 : i32 to index
      %swap3A_72 = arith.constant 16 : index
      %swap3A_73 = tpu.vector_load %arg10[%swap3A_71, %swap3A_72] {strides = array<i32>} : memref<120x64xf32, #tpu.memory_space<vmem>>, vector<16xf32>,
      tpu.vector_store %arg10[%swap3A_71, %swap3A_72], %broadcast_in_dim3A_1 {strides = array<i32>} : memref<120x64xf32, #tpu.memory_space<vmem>>, vector<16xf32>,
      %swap3A_74 = arith.index_cast %scan3A_68 : i32 to index
      %swap3A_75 = arith.constant 32 : index
      %swap3A_76 = tpu.vector_load %arg10[%swap3A_74, %swap3A_75] {strides = array<i32>} : memref<120x64xf32, #tpu.memory_space<vmem>>, vector<16xf32>,
      tpu.vector_store %arg10[%swap3A_74, %swap3A_75], %broadcast_in_dim3A_1 {strides = array<i32>} : memref<120x64xf32, #tpu.memory_space<vmem>>, vector<16xf32>,
      %swap3A_77 = arith.index_cast %scan3A_68 : i32 to index
      %swap3A_78 = arith.constant 48 : index
      %swap3A_79 = tpu.vector_load %arg10[%swap3A_77, %swap3A_78] {strides = array<i32>} : memref<120x64xf32, #tpu.memory_space<vmem>>, vector<16xf32>,
      tpu.vector_store %arg10[%swap3A_77, %swap3A_78], %broadcast_in_dim3A_1 {strides = array<i32>} : memref<120x64xf32, #tpu.memory_space<vmem>>, vector<16xf32>,
    }
    %scan3A_8 = arith.constant 120 : i32
    %add3A_9 = arith.constant 0 : i32
    %add3A_10 = arith.addi %mul3A_3, %add3A_9 : i32
    "tpu.region"() ({
      %run_scoped3A = tpu.sem_alloc : memref<!tpu.dma_semaphore, #tpu.memory_space<semaphore_mem>>
      %dma_start3A = arith.constant 0 : i32
      %dma_start3A_68 = tpu.memref_slice %arg11[%add3A_10, %dma_start3A] : memref<10112x64xf32, #tpu.memory_space<vmem_shared>> -> memref<120x64xf32, #tpu.memory_space<vmem_shared>>
      %dma_start3A_69 = arith.constant 0 : i32
      %dma_start3A_70 = tpu.memref_slice %arg11[%add3A_10, %dma_start3A_69] : memref<10112x64xf32, #tpu.memory_space<vmem_shared>> -> memref<120x64xf32, #tpu.memory_space<vmem_shared>>
      tpu.enqueue_dma source(%arg10 : memref<120x64xf32, #tpu.memory_space<vmem>>) target(%dma_start3A_70 : memref<120x64xf32, #tpu.memory_space<vmem_shared>>) target_semaphore(%run_scoped3A : memref<!tpu.dma_semaphore, #tpu.memory_space<semaphore_mem>>)
      %dma_wait3A = arith.constant 0 : i32
      %dma_wait3A_71 = tpu.memref_slice %arg11[%add3A_10, %dma_wait3A] : memref<10112x64xf32, #tpu.memory_space<vmem_shared>> -> memref<120x64xf32, #tpu.memory_space<vmem_shared>>
      %dma_wait3A_72 = arith.constant 0 : i32
      %dma_wait3A_73 = tpu.memref_slice %arg11[%add3A_10, %dma_wait3A_72] : memref<10112x64xf32, #tpu.memory_space<vmem_shared>> -> memref<120x64xf32, #tpu.memory_space<vmem_shared>>
      tpu.wait_dma2 semaphore(%run_scoped3A : memref<!tpu.dma_semaphore, #tpu.memory_space<semaphore_mem>>) src(%arg10 : memref<120x64xf32, #tpu.memory_space<vmem>>) dst(%dma_wait3A_73 : memref<120x64xf32, #tpu.memory_space<vmem_shared>>)
      tpu.yield
    }) : () -> ()
    %add3A_11 = arith.constant 120 : i32
    %add3A_12 = arith.addi %mul3A_3, %add3A_11 : i32
    "tpu.region"() ({
      %run_scoped3A = tpu.sem_alloc : memref<!tpu.dma_semaphore, #tpu.memory_space<semaphore_mem>>
      %dma_start3A = arith.constant 0 : i32
      %dma_start3A_68 = tpu.memref_slice %arg11[%add3A_12, %dma_start3A] : memref<10112x64xf32, #tpu.memory_space<vmem_shared>> -> memref<120x64xf32, #tpu.memory_space<vmem_shared>>
      %dma_start3A_69 = arith.constant 0 : i32
      %dma_start3A_70 = tpu.memref_slice %arg11[%add3A_12, %dma_start3A_69] : memref<10112x64xf32, #tpu.memory_space<vmem_shared>> -> memref<120x64xf32, #tpu.memory_space<vmem_shared>>
      tpu.enqueue_dma source(%arg10 : memref<120x64xf32, #tpu.memory_space<vmem>>) target(%dma_start3A_70 : memref<120x64xf32, #tpu.memory_space<vmem_shared>>) target_semaphore(%run_scoped3A : memref<!tpu.dma_semaphore, #tpu.memory_space<semaphore_mem>>)
      %dma_wait3A = arith.constant 0 : i32
      %dma_wait3A_71 = tpu.memref_slice %arg11[%add3A_12, %dma_wait3A] : memref<10112x64xf32, #tpu.memory_space<vmem_shared>> -> memref<120x64xf32, #tpu.memory_space<vmem_shared>>
      %dma_wait3A_72 = arith.constant 0 : i32
      %dma_wait3A_73 = tpu.memref_slice %arg11[%add3A_12, %dma_wait3A_72] : memref<10112x64xf32, #tpu.memory_space<vmem_shared>> -> memref<120x64xf32, #tpu.memory_space<vmem_shared>>
      tpu.wait_dma2 semaphore(%run_scoped3A : memref<!tpu.dma_semaphore, #tpu.memory_space<semaphore_mem>>) src(%arg10 : memref<120x64xf32, #tpu.memory_space<vmem>>) dst(%dma_wait3A_73 : memref<120x64xf32, #tpu.memory_space<vmem_shared>>)
      tpu.yield
    }) : () -> ()
    %add3A_13 = arith.constant 240 : i32
    %add3A_14 = arith.addi %mul3A_3, %add3A_13 : i32
    "tpu.region"() ({
      %run_scoped3A = tpu.sem_alloc : memref<!tpu.dma_semaphore, #tpu.memory_space<semaphore_mem>>
      %dma_start3A = arith.constant 0 : i32
      %dma_start3A_68 = tpu.memref_slice %arg11[%add3A_14, %dma_start3A] : memref<10112x64xf32, #tpu.memory_space<vmem_shared>> -> memref<120x64xf32, #tpu.memory_space<vmem_shared>>
      %dma_start3A_69 = arith.constant 0 : i32
      %dma_start3A_70 = tpu.memref_slice %arg11[%add3A_14, %dma_start3A_69] : memref<10112x64xf32, #tpu.memory_space<vmem_shared>> -> memref<120x64xf32, #tpu.memory_space<vmem_shared>>
      tpu.enqueue_dma source(%arg10 : memref<120x64xf32, #tpu.memory_space<vmem>>) target(%dma_start3A_70 : memref<120x64xf32, #tpu.memory_space<vmem_shared>>) target_semaphore(%run_scoped3A : memref<!tpu.dma_semaphore, #tpu.memory_space<semaphore_mem>>)
      %dma_wait3A = arith.constant 0 : i32
      %dma_wait3A_71 = tpu.memref_slice %arg11[%add3A_14, %dma_wait3A] : memref<10112x64xf32, #tpu.memory_space<vmem_shared>> -> memref<120x64xf32, #tpu.memory_space<vmem_shared>>
      %dma_wait3A_72 = arith.constant 0 : i32
      %dma_wait3A_73 = tpu.memref_slice %arg11[%add3A_14, %dma_wait3A_72] : memref<10112x64xf32, #tpu.memory_space<vmem_shared>> -> memref<120x64xf32, #tpu.memory_space<vmem_shared>>
      tpu.wait_dma2 semaphore(%run_scoped3A : memref<!tpu.dma_semaphore, #tpu.memory_space<semaphore_mem>>) src(%arg10 : memref<120x64xf32, #tpu.memory_space<vmem>>) dst(%dma_wait3A_73 : memref<120x64xf32, #tpu.memory_space<vmem_shared>>)
      tpu.yield
    }) : () -> ()
    %add3A_15 = arith.constant 360 : i32
    %add3A_16 = arith.addi %mul3A_3, %add3A_15 : i32
    "tpu.region"() ({
      %run_scoped3A = tpu.sem_alloc : memref<!tpu.dma_semaphore, #tpu.memory_space<semaphore_mem>>
      %dma_start3A = arith.constant 0 : i32
      %dma_start3A_68 = tpu.memref_slice %arg11[%add3A_16, %dma_start3A] : memref<10112x64xf32, #tpu.memory_space<vmem_shared>> -> memref<120x64xf32, #tpu.memory_space<vmem_shared>>
      %dma_start3A_69 = arith.constant 0 : i32
      %dma_start3A_70 = tpu.memref_slice %arg11[%add3A_16, %dma_start3A_69] : memref<10112x64xf32, #tpu.memory_space<vmem_shared>> -> memref<120x64xf32, #tpu.memory_space<vmem_shared>>
      tpu.enqueue_dma source(%arg10 : memref<120x64xf32, #tpu.memory_space<vmem>>) target(%dma_start3A_70 : memref<120x64xf32, #tpu.memory_space<vmem_shared>>) target_semaphore(%run_scoped3A : memref<!tpu.dma_semaphore, #tpu.memory_space<semaphore_mem>>)
      %dma_wait3A = arith.constant 0 : i32
      %dma_wait3A_71 = tpu.memref_slice %arg11[%add3A_16, %dma_wait3A] : memref<10112x64xf32, #tpu.memory_space<vmem_shared>> -> memref<120x64xf32, #tpu.memory_space<vmem_shared>>
      %dma_wait3A_72 = arith.constant 0 : i32
      %dma_wait3A_73 = tpu.memref_slice %arg11[%add3A_16, %dma_wait3A_72] : memref<10112x64xf32, #tpu.memory_space<vmem_shared>> -> memref<120x64xf32, #tpu.memory_space<vmem_shared>>
      tpu.wait_dma2 semaphore(%run_scoped3A : memref<!tpu.dma_semaphore, #tpu.memory_space<semaphore_mem>>) src(%arg10 : memref<120x64xf32, #tpu.memory_space<vmem>>) dst(%dma_wait3A_73 : memref<120x64xf32, #tpu.memory_space<vmem_shared>>)
      tpu.yield
    }) : () -> ()
    %add3A_17 = arith.constant 480 : i32
    %add3A_18 = arith.addi %mul3A_3, %add3A_17 : i32
    "tpu.region"() ({
      %run_scoped3A = tpu.sem_alloc : memref<!tpu.dma_semaphore, #tpu.memory_space<semaphore_mem>>
      %dma_start3A = arith.constant 0 : i32
      %dma_start3A_68 = tpu.memref_slice %arg11[%add3A_18, %dma_start3A] : memref<10112x64xf32, #tpu.memory_space<vmem_shared>> -> memref<120x64xf32, #tpu.memory_space<vmem_shared>>
      %dma_start3A_69 = arith.constant 0 : i32
      %dma_start3A_70 = tpu.memref_slice %arg11[%add3A_18, %dma_start3A_69] : memref<10112x64xf32, #tpu.memory_space<vmem_shared>> -> memref<120x64xf32, #tpu.memory_space<vmem_shared>>
      tpu.enqueue_dma source(%arg10 : memref<120x64xf32, #tpu.memory_space<vmem>>) target(%dma_start3A_70 : memref<120x64xf32, #tpu.memory_space<vmem_shared>>) target_semaphore(%run_scoped3A : memref<!tpu.dma_semaphore, #tpu.memory_space<semaphore_mem>>)
      %dma_wait3A = arith.constant 0 : i32
      %dma_wait3A_71 = tpu.memref_slice %arg11[%add3A_18, %dma_wait3A] : memref<10112x64xf32, #tpu.memory_space<vmem_shared>> -> memref<120x64xf32, #tpu.memory_space<vmem_shared>>
      %dma_wait3A_72 = arith.constant 0 : i32
      %dma_wait3A_73 = tpu.memref_slice %arg11[%add3A_18, %dma_wait3A_72] : memref<10112x64xf32, #tpu.memory_space<vmem_shared>> -> memref<120x64xf32, #tpu.memory_space<vmem_shared>>
      tpu.wait_dma2 semaphore(%run_scoped3A : memref<!tpu.dma_semaphore, #tpu.memory_space<semaphore_mem>>) src(%arg10 : memref<120x64xf32, #tpu.memory_space<vmem>>) dst(%dma_wait3A_73 : memref<120x64xf32, #tpu.memory_space<vmem_shared>>)
      tpu.yield
    }) : () -> ()
    %add3A_19 = arith.constant 600 : i32
    %add3A_20 = arith.addi %mul3A_3, %add3A_19 : i32
    "tpu.region"() ({
      %run_scoped3A = tpu.sem_alloc : memref<!tpu.dma_semaphore, #tpu.memory_space<semaphore_mem>>
      %dma_start3A = arith.constant 0 : i32
      %dma_start3A_68 = arith.constant 0 : i32
      %dma_start3A_69 = tpu.memref_slice %arg10[%dma_start3A, %dma_start3A_68] : memref<120x64xf32, #tpu.memory_space<vmem>> -> memref<32x64xf32, #tpu.memory_space<vmem>>
      %dma_start3A_70 = arith.constant 0 : i32
      %dma_start3A_71 = tpu.memref_slice %arg11[%add3A_20, %dma_start3A_70] : memref<10112x64xf32, #tpu.memory_space<vmem_shared>> -> memref<32x64xf32, #tpu.memory_space<vmem_shared>>
      %dma_start3A_72 = arith.constant 0 : i32
      %dma_start3A_73 = tpu.memref_slice %arg11[%add3A_20, %dma_start3A_72] : memref<10112x64xf32, #tpu.memory_space<vmem_shared>> -> memref<32x64xf32, #tpu.memory_space<vmem_shared>>
      %dma_start3A_74 = arith.constant 0 : i32
      %dma_start3A_75 = arith.constant 0 : i32
      %dma_start3A_76 = tpu.memref_slice %arg10[%dma_start3A_74, %dma_start3A_75] : memref<120x64xf32, #tpu.memory_space<vmem>> -> memref<32x64xf32, #tpu.memory_space<vmem>>
      tpu.enqueue_dma source(%dma_start3A_76 : memref<32x64xf32, #tpu.memory_space<vmem>>) target(%dma_start3A_73 : memref<32x64xf32, #tpu.memory_space<vmem_shared>>) target_semaphore(%run_scoped3A : memref<!tpu.dma_semaphore, #tpu.memory_space<semaphore_mem>>)
      %dma_wait3A = arith.constant 0 : i32
      %dma_wait3A_77 = arith.constant 0 : i32
      %dma_wait3A_78 = tpu.memref_slice %arg10[%dma_wait3A, %dma_wait3A_77] : memref<120x64xf32, #tpu.memory_space<vmem>> -> memref<32x64xf32, #tpu.memory_space<vmem>>
      %dma_wait3A_79 = arith.constant 0 : i32
      %dma_wait3A_80 = tpu.memref_slice %arg11[%add3A_20, %dma_wait3A_79] : memref<10112x64xf32, #tpu.memory_space<vmem_shared>> -> memref<32x64xf32, #tpu.memory_space<vmem_shared>>
      %dma_wait3A_81 = arith.constant 0 : i32
      %dma_wait3A_82 = tpu.memref_slice %arg11[%add3A_20, %dma_wait3A_81] : memref<10112x64xf32, #tpu.memory_space<vmem_shared>> -> memref<32x64xf32, #tpu.memory_space<vmem_shared>>
      %dma_wait3A_83 = arith.constant 0 : i32
      %dma_wait3A_84 = arith.constant 0 : i32
      %dma_wait3A_85 = tpu.memref_slice %arg10[%dma_wait3A_83, %dma_wait3A_84] : memref<120x64xf32, #tpu.memory_space<vmem>> -> memref<32x64xf32, #tpu.memory_space<vmem>>
      tpu.wait_dma2 semaphore(%run_scoped3A : memref<!tpu.dma_semaphore, #tpu.memory_space<semaphore_mem>>) src(%dma_wait3A_85 : memref<32x64xf32, #tpu.memory_space<vmem>>) dst(%dma_wait3A_82 : memref<32x64xf32, #tpu.memory_space<vmem_shared>>)
      tpu.yield
    }) : () -> ()
    %barrier3A = arith.constant 0 : index
    tpu.barrier barrier_id(%barrier3A)
    %scan3A_21 = arith.constant 0 : i32
    %scan3A_22 = arith.constant 0 : i32
    %scan3A_23 = arith.constant 72 : i32
    %scan3A_24 = arith.addi %scan3A_22, %scan3A_23 : i32
    %scan3A_25 = arith.constant 1 : i32
    scf.for %scan3A_68 = %scan3A_22 to %scan3A_24 step %scan3A_25  : i32 {
      %dma_start3A = arith.constant 0 : i32
      %dma_start3A_69 = tpu.memref_slice %arg8[%scan3A_68, %dma_start3A] : memref<96x120xi32, #tpu.memory_space<vmem>> -> memref<1x120xi32, #tpu.memory_space<vmem>>
      %dma_start3A_70 = tpu.memref_squeeze %dma_start3A_69 : memref<1x120xi32, #tpu.memory_space<vmem>> -> memref<120xi32, #tpu.memory_space<vmem>>
      %dma_start3A_71 = arith.constant 0 : i32
      %dma_start3A_72 = arith.constant 0 : i32
      %dma_start3A_73 = tpu.memref_slice %arg2[%dma_start3A_71, %dma_start3A_72] : memref<10000x64xf32, #tpu.memory_space<hbm>> -> memref<10000x64xf32, #tpu.memory_space<hbm>>
      tpu.enqueue_indirect_dma source(%dma_start3A_73 : memref<10000x64xf32, #tpu.memory_space<hbm>>) target(%arg10 : memref<120x64xf32, #tpu.memory_space<vmem>>) offsets(%dma_start3A_70 : memref<120xi32, #tpu.memory_space<vmem>>) semaphore(%arg12 : memref<!tpu.dma_semaphore, #tpu.memory_space<semaphore_mem>>)
      %dma_wait3A = arith.constant 0 : i32
      %dma_wait3A_74 = tpu.memref_slice %arg8[%scan3A_68, %dma_wait3A] : memref<96x120xi32, #tpu.memory_space<vmem>> -> memref<1x120xi32, #tpu.memory_space<vmem>>
      %dma_wait3A_75 = tpu.memref_squeeze %dma_wait3A_74 : memref<1x120xi32, #tpu.memory_space<vmem>> -> memref<120xi32, #tpu.memory_space<vmem>>
      %dma_wait3A_76 = arith.constant 0 : i32
      %dma_wait3A_77 = arith.constant 0 : i32
      %dma_wait3A_78 = tpu.memref_slice %arg2[%dma_wait3A_76, %dma_wait3A_77] : memref<10000x64xf32, #tpu.memory_space<hbm>> -> memref<10000x64xf32, #tpu.memory_space<hbm>>
      tpu.wait_indirect_dma semaphore(%arg12 : memref<!tpu.dma_semaphore, #tpu.memory_space<semaphore_mem>>) src(%dma_wait3A_78 : memref<10000x64xf32, #tpu.memory_space<hbm>>) dst(%arg10 : memref<120x64xf32, #tpu.memory_space<vmem>>)
      "tpu.region"() ({
        %run_scoped3A = tpu.sem_alloc : memref<!tpu.dma_semaphore, #tpu.memory_space<semaphore_mem>>
        %dma_start3A_79 = arith.constant 0 : i32
        %dma_start3A_80 = tpu.memref_slice %arg9[%scan3A_68, %dma_start3A_79] : memref<96x120xi32, #tpu.memory_space<vmem>> -> memref<1x120xi32, #tpu.memory_space<vmem>>
        %dma_start3A_81 = tpu.memref_squeeze %dma_start3A_80 : memref<1x120xi32, #tpu.memory_space<vmem>> -> memref<120xi32, #tpu.memory_space<vmem>>
        %dma_start3A_82 = arith.constant 0 : i32
        %dma_start3A_83 = arith.constant 0 : i32
        %dma_start3A_84 = tpu.memref_slice %arg11[%dma_start3A_82, %dma_start3A_83] : memref<10112x64xf32, #tpu.memory_space<vmem_shared>> -> memref<10112x64xf32, #tpu.memory_space<vmem_shared>>
        tpu.enqueue_indirect_dma source(%arg10 : memref<120x64xf32, #tpu.memory_space<vmem>>) target(%dma_start3A_84 : memref<10112x64xf32, #tpu.memory_space<vmem_shared>>) offsets(%dma_start3A_81 : memref<120xi32, #tpu.memory_space<vmem>>) semaphore(%run_scoped3A : memref<!tpu.dma_semaphore, #tpu.memory_space<semaphore_mem>>) {add = true}
        %dma_wait3A_85 = arith.constant 0 : i32
        %dma_wait3A_86 = tpu.memref_slice %arg9[%scan3A_68, %dma_wait3A_85] : memref<96x120xi32, #tpu.memory_space<vmem>> -> memref<1x120xi32, #tpu.memory_space<vmem>>
        %dma_wait3A_87 = tpu.memref_squeeze %dma_wait3A_86 : memref<1x120xi32, #tpu.memory_space<vmem>> -> memref<120xi32, #tpu.memory_space<vmem>>
        %dma_wait3A_88 = arith.constant 0 : i32
        %dma_wait3A_89 = arith.constant 0 : i32
        %dma_wait3A_90 = tpu.memref_slice %arg11[%dma_wait3A_88, %dma_wait3A_89] : memref<10112x64xf32, #tpu.memory_space<vmem_shared>> -> memref<10112x64xf32, #tpu.memory_space<vmem_shared>>
        tpu.wait_indirect_dma semaphore(%run_scoped3A : memref<!tpu.dma_semaphore, #tpu.memory_space<semaphore_mem>>) src(%arg10 : memref<120x64xf32, #tpu.memory_space<vmem>>) dst(%dma_wait3A_90 : memref<10112x64xf32, #tpu.memory_space<vmem_shared>>)
        tpu.yield
      }) : () -> ()
    }
    %scan3A_26 = arith.constant 72 : i32
    %eq3A = arith.constant 0 : i32
    %eq3A_27 = arith.cmpi eq, %arg0, %eq3A : i32
    %convert_element_type3A = arith.extui %eq3A_27 : i1 to i32
    %cond3A = arith.constant 0 : i32
    %cond3A_28 = arith.cmpi ne, %convert_element_type3A, %cond3A : i32
    scf.if %cond3A_28 {
      %scan3A_68 = arith.constant 0 : i32
      %scan3A_69 = arith.constant 72 : i32
      %scan3A_70 = arith.constant 24 : i32
      %scan3A_71 = arith.addi %scan3A_69, %scan3A_70 : i32
      %scan3A_72 = arith.constant 1 : i32
      scf.for %scan3A_74 = %scan3A_69 to %scan3A_71 step %scan3A_72  : i32 {
        %dma_start3A = arith.constant 0 : i32
        %dma_start3A_75 = tpu.memref_slice %arg8[%scan3A_74, %dma_start3A] : memref<96x120xi32, #tpu.memory_space<vmem>> -> memref<1x120xi32, #tpu.memory_space<vmem>>
        %dma_start3A_76 = tpu.memref_squeeze %dma_start3A_75 : memref<1x120xi32, #tpu.memory_space<vmem>> -> memref<120xi32, #tpu.memory_space<vmem>>
        %dma_start3A_77 = arith.constant 0 : i32
        %dma_start3A_78 = arith.constant 0 : i32
        %dma_start3A_79 = tpu.memref_slice %arg2[%dma_start3A_77, %dma_start3A_78] : memref<10000x64xf32, #tpu.memory_space<hbm>> -> memref<10000x64xf32, #tpu.memory_space<hbm>>
        tpu.enqueue_indirect_dma source(%dma_start3A_79 : memref<10000x64xf32, #tpu.memory_space<hbm>>) target(%arg10 : memref<120x64xf32, #tpu.memory_space<vmem>>) offsets(%dma_start3A_76 : memref<120xi32, #tpu.memory_space<vmem>>) semaphore(%arg12 : memref<!tpu.dma_semaphore, #tpu.memory_space<semaphore_mem>>)
        %dma_wait3A = arith.constant 0 : i32
        %dma_wait3A_80 = tpu.memref_slice %arg8[%scan3A_74, %dma_wait3A] : memref<96x120xi32, #tpu.memory_space<vmem>> -> memref<1x120xi32, #tpu.memory_space<vmem>>
        %dma_wait3A_81 = tpu.memref_squeeze %dma_wait3A_80 : memref<1x120xi32, #tpu.memory_space<vmem>> -> memref<120xi32, #tpu.memory_space<vmem>>
        %dma_wait3A_82 = arith.constant 0 : i32
        %dma_wait3A_83 = arith.constant 0 : i32
        %dma_wait3A_84 = tpu.memref_slice %arg2[%dma_wait3A_82, %dma_wait3A_83] : memref<10000x64xf32, #tpu.memory_space<hbm>> -> memref<10000x64xf32, #tpu.memory_space<hbm>>
        tpu.wait_indirect_dma semaphore(%arg12 : memref<!tpu.dma_semaphore, #tpu.memory_space<semaphore_mem>>) src(%dma_wait3A_84 : memref<10000x64xf32, #tpu.memory_space<hbm>>) dst(%arg10 : memref<120x64xf32, #tpu.memory_space<vmem>>)
        "tpu.region"() ({
          %run_scoped3A = tpu.sem_alloc : memref<!tpu.dma_semaphore, #tpu.memory_space<semaphore_mem>>
          %dma_start3A_85 = arith.constant 0 : i32
          %dma_start3A_86 = tpu.memref_slice %arg9[%scan3A_74, %dma_start3A_85] : memref<96x120xi32, #tpu.memory_space<vmem>> -> memref<1x120xi32, #tpu.memory_space<vmem>>
          %dma_start3A_87 = tpu.memref_squeeze %dma_start3A_86 : memref<1x120xi32, #tpu.memory_space<vmem>> -> memref<120xi32, #tpu.memory_space<vmem>>
          %dma_start3A_88 = arith.constant 0 : i32
          %dma_start3A_89 = arith.constant 0 : i32
          %dma_start3A_90 = tpu.memref_slice %arg11[%dma_start3A_88, %dma_start3A_89] : memref<10112x64xf32, #tpu.memory_space<vmem_shared>> -> memref<10112x64xf32, #tpu.memory_space<vmem_shared>>
          tpu.enqueue_indirect_dma source(%arg10 : memref<120x64xf32, #tpu.memory_space<vmem>>) target(%dma_start3A_90 : memref<10112x64xf32, #tpu.memory_space<vmem_shared>>) offsets(%dma_start3A_87 : memref<120xi32, #tpu.memory_space<vmem>>) semaphore(%run_scoped3A : memref<!tpu.dma_semaphore, #tpu.memory_space<semaphore_mem>>) {add = true}
          %dma_wait3A_91 = arith.constant 0 : i32
          %dma_wait3A_92 = tpu.memref_slice %arg9[%scan3A_74, %dma_wait3A_91] : memref<96x120xi32, #tpu.memory_space<vmem>> -> memref<1x120xi32, #tpu.memory_space<vmem>>
          %dma_wait3A_93 = tpu.memref_squeeze %dma_wait3A_92 : memref<1x120xi32, #tpu.memory_space<vmem>> -> memref<120xi32, #tpu.memory_space<vmem>>
          %dma_wait3A_94 = arith.constant 0 : i32
          %dma_wait3A_95 = arith.constant 0 : i32
          %dma_wait3A_96 = tpu.memref_slice %arg11[%dma_wait3A_94, %dma_wait3A_95] : memref<10112x64xf32, #tpu.memory_space<vmem_shared>> -> memref<10112x64xf32, #tpu.memory_space<vmem_shared>>
          tpu.wait_indirect_dma semaphore(%run_scoped3A : memref<!tpu.dma_semaphore, #tpu.memory_space<semaphore_mem>>) src(%arg10 : memref<120x64xf32, #tpu.memory_space<vmem>>) dst(%dma_wait3A_96 : memref<10112x64xf32, #tpu.memory_space<vmem_shared>>)
          tpu.yield
        }) : () -> ()
      }
      %scan3A_73 = arith.constant 24 : i32
    } else {
    }
    %barrier3A_29 = arith.constant 0 : index
    tpu.barrier barrier_id(%barrier3A_29)
    %mul3A_30 = arith.constant 10112 : i32
    %mul3A_31 = arith.muli %arg0, %mul3A_30 : i32
    %add3A_32 = arith.addi %mul3A_31, %mul3A_3 : i32
    "tpu.region"() ({
      %run_scoped3A = tpu.sem_alloc : memref<!tpu.dma_semaphore, #tpu.memory_space<semaphore_mem>>
      %dma_start3A = arith.constant 0 : i32
      %dma_start3A_68 = tpu.memref_slice %arg6[%add3A_32, %dma_start3A] : memref<20224x64xf32, #tpu.memory_space<hbm>> -> memref<632x64xf32, #tpu.memory_space<hbm>>
      %dma_start3A_69 = arith.constant 0 : i32
      %dma_start3A_70 = tpu.memref_slice %arg11[%mul3A_3, %dma_start3A_69] : memref<10112x64xf32, #tpu.memory_space<vmem_shared>> -> memref<632x64xf32, #tpu.memory_space<vmem_shared>>
      tpu.enqueue_dma source(%dma_start3A_70 : memref<632x64xf32, #tpu.memory_space<vmem_shared>>) target(%dma_start3A_68 : memref<632x64xf32, #tpu.memory_space<hbm>>) target_semaphore(%run_scoped3A : memref<!tpu.dma_semaphore, #tpu.memory_space<semaphore_mem>>)
      %dma_wait3A = arith.constant 0 : i32
      %dma_wait3A_71 = tpu.memref_slice %arg6[%add3A_32, %dma_wait3A] : memref<20224x64xf32, #tpu.memory_space<hbm>> -> memref<632x64xf32, #tpu.memory_space<hbm>>
      %dma_wait3A_72 = arith.constant 0 : i32
      %dma_wait3A_73 = tpu.memref_slice %arg11[%mul3A_3, %dma_wait3A_72] : memref<10112x64xf32, #tpu.memory_space<vmem_shared>> -> memref<632x64xf32, #tpu.memory_space<vmem_shared>>
      tpu.wait_dma2 semaphore(%run_scoped3A : memref<!tpu.dma_semaphore, #tpu.memory_space<semaphore_mem>>) src(%dma_wait3A_73 : memref<632x64xf32, #tpu.memory_space<vmem_shared>>) dst(%dma_wait3A_71 : memref<632x64xf32, #tpu.memory_space<hbm>>)
      tpu.yield
    }) : () -> ()
    %barrier3A_33 = arith.constant 0 : index
    tpu.barrier barrier_id(%barrier3A_33)
    %scan3A_34 = arith.constant 0 : i32
    %scan3A_35 = arith.constant 0 : i32
    %scan3A_36 = arith.constant 120 : i32
    %scan3A_37 = arith.addi %scan3A_35, %scan3A_36 : i32
    %scan3A_38 = arith.constant 1 : i32
    scf.for %scan3A_68 = %scan3A_35 to %scan3A_37 step %scan3A_38  : i32 {
      %swap3A = arith.index_cast %scan3A_68 : i32 to index
      %swap3A_69 = arith.constant 0 : index
      %swap3A_70 = tpu.vector_load %arg10[%swap3A, %swap3A_69] {strides = array<i32>} : memref<120x64xf32, #tpu.memory_space<vmem>>, vector<16xf32>,
      tpu.vector_store %arg10[%swap3A, %swap3A_69], %broadcast_in_dim3A_1 {strides = array<i32>} : memref<120x64xf32, #tpu.memory_space<vmem>>, vector<16xf32>,
      %swap3A_71 = arith.index_cast %scan3A_68 : i32 to index
      %swap3A_72 = arith.constant 16 : index
      %swap3A_73 = tpu.vector_load %arg10[%swap3A_71, %swap3A_72] {strides = array<i32>} : memref<120x64xf32, #tpu.memory_space<vmem>>, vector<16xf32>,
      tpu.vector_store %arg10[%swap3A_71, %swap3A_72], %broadcast_in_dim3A_1 {strides = array<i32>} : memref<120x64xf32, #tpu.memory_space<vmem>>, vector<16xf32>,
      %swap3A_74 = arith.index_cast %scan3A_68 : i32 to index
      %swap3A_75 = arith.constant 32 : index
      %swap3A_76 = tpu.vector_load %arg10[%swap3A_74, %swap3A_75] {strides = array<i32>} : memref<120x64xf32, #tpu.memory_space<vmem>>, vector<16xf32>,
      tpu.vector_store %arg10[%swap3A_74, %swap3A_75], %broadcast_in_dim3A_1 {strides = array<i32>} : memref<120x64xf32, #tpu.memory_space<vmem>>, vector<16xf32>,
      %swap3A_77 = arith.index_cast %scan3A_68 : i32 to index
      %swap3A_78 = arith.constant 48 : index
      %swap3A_79 = tpu.vector_load %arg10[%swap3A_77, %swap3A_78] {strides = array<i32>} : memref<120x64xf32, #tpu.memory_space<vmem>>, vector<16xf32>,
      tpu.vector_store %arg10[%swap3A_77, %swap3A_78], %broadcast_in_dim3A_1 {strides = array<i32>} : memref<120x64xf32, #tpu.memory_space<vmem>>, vector<16xf32>,
    }
    %scan3A_39 = arith.constant 120 : i32
    %add3A_40 = arith.constant 0 : i32
    %add3A_41 = arith.addi %mul3A_3, %add3A_40 : i32
    "tpu.region"() ({
      %run_scoped3A = tpu.sem_alloc : memref<!tpu.dma_semaphore, #tpu.memory_space<semaphore_mem>>
      %dma_start3A = arith.constant 0 : i32
      %dma_start3A_68 = tpu.memref_slice %arg11[%add3A_41, %dma_start3A] : memref<10112x64xf32, #tpu.memory_space<vmem_shared>> -> memref<120x64xf32, #tpu.memory_space<vmem_shared>>
      %dma_start3A_69 = arith.constant 0 : i32
      %dma_start3A_70 = tpu.memref_slice %arg11[%add3A_41, %dma_start3A_69] : memref<10112x64xf32, #tpu.memory_space<vmem_shared>> -> memref<120x64xf32, #tpu.memory_space<vmem_shared>>
      tpu.enqueue_dma source(%arg10 : memref<120x64xf32, #tpu.memory_space<vmem>>) target(%dma_start3A_70 : memref<120x64xf32, #tpu.memory_space<vmem_shared>>) target_semaphore(%run_scoped3A : memref<!tpu.dma_semaphore, #tpu.memory_space<semaphore_mem>>)
      %dma_wait3A = arith.constant 0 : i32
      %dma_wait3A_71 = tpu.memref_slice %arg11[%add3A_41, %dma_wait3A] : memref<10112x64xf32, #tpu.memory_space<vmem_shared>> -> memref<120x64xf32, #tpu.memory_space<vmem_shared>>
      %dma_wait3A_72 = arith.constant 0 : i32
      %dma_wait3A_73 = tpu.memref_slice %arg11[%add3A_41, %dma_wait3A_72] : memref<10112x64xf32, #tpu.memory_space<vmem_shared>> -> memref<120x64xf32, #tpu.memory_space<vmem_shared>>
      tpu.wait_dma2 semaphore(%run_scoped3A : memref<!tpu.dma_semaphore, #tpu.memory_space<semaphore_mem>>) src(%arg10 : memref<120x64xf32, #tpu.memory_space<vmem>>) dst(%dma_wait3A_73 : memref<120x64xf32, #tpu.memory_space<vmem_shared>>)
      tpu.yield
    }) : () -> ()
    %add3A_42 = arith.constant 120 : i32
    %add3A_43 = arith.addi %mul3A_3, %add3A_42 : i32
    "tpu.region"() ({
      %run_scoped3A = tpu.sem_alloc : memref<!tpu.dma_semaphore, #tpu.memory_space<semaphore_mem>>
      %dma_start3A = arith.constant 0 : i32
      %dma_start3A_68 = tpu.memref_slice %arg11[%add3A_43, %dma_start3A] : memref<10112x64xf32, #tpu.memory_space<vmem_shared>> -> memref<120x64xf32, #tpu.memory_space<vmem_shared>>
      %dma_start3A_69 = arith.constant 0 : i32
      %dma_start3A_70 = tpu.memref_slice %arg11[%add3A_43, %dma_start3A_69] : memref<10112x64xf32, #tpu.memory_space<vmem_shared>> -> memref<120x64xf32, #tpu.memory_space<vmem_shared>>
      tpu.enqueue_dma source(%arg10 : memref<120x64xf32, #tpu.memory_space<vmem>>) target(%dma_start3A_70 : memref<120x64xf32, #tpu.memory_space<vmem_shared>>) target_semaphore(%run_scoped3A : memref<!tpu.dma_semaphore, #tpu.memory_space<semaphore_mem>>)
      %dma_wait3A = arith.constant 0 : i32
      %dma_wait3A_71 = tpu.memref_slice %arg11[%add3A_43, %dma_wait3A] : memref<10112x64xf32, #tpu.memory_space<vmem_shared>> -> memref<120x64xf32, #tpu.memory_space<vmem_shared>>
      %dma_wait3A_72 = arith.constant 0 : i32
      %dma_wait3A_73 = tpu.memref_slice %arg11[%add3A_43, %dma_wait3A_72] : memref<10112x64xf32, #tpu.memory_space<vmem_shared>> -> memref<120x64xf32, #tpu.memory_space<vmem_shared>>
      tpu.wait_dma2 semaphore(%run_scoped3A : memref<!tpu.dma_semaphore, #tpu.memory_space<semaphore_mem>>) src(%arg10 : memref<120x64xf32, #tpu.memory_space<vmem>>) dst(%dma_wait3A_73 : memref<120x64xf32, #tpu.memory_space<vmem_shared>>)
      tpu.yield
    }) : () -> ()
    %add3A_44 = arith.constant 240 : i32
    %add3A_45 = arith.addi %mul3A_3, %add3A_44 : i32
    "tpu.region"() ({
      %run_scoped3A = tpu.sem_alloc : memref<!tpu.dma_semaphore, #tpu.memory_space<semaphore_mem>>
      %dma_start3A = arith.constant 0 : i32
      %dma_start3A_68 = tpu.memref_slice %arg11[%add3A_45, %dma_start3A] : memref<10112x64xf32, #tpu.memory_space<vmem_shared>> -> memref<120x64xf32, #tpu.memory_space<vmem_shared>>
      %dma_start3A_69 = arith.constant 0 : i32
      %dma_start3A_70 = tpu.memref_slice %arg11[%add3A_45, %dma_start3A_69] : memref<10112x64xf32, #tpu.memory_space<vmem_shared>> -> memref<120x64xf32, #tpu.memory_space<vmem_shared>>
      tpu.enqueue_dma source(%arg10 : memref<120x64xf32, #tpu.memory_space<vmem>>) target(%dma_start3A_70 : memref<120x64xf32, #tpu.memory_space<vmem_shared>>) target_semaphore(%run_scoped3A : memref<!tpu.dma_semaphore, #tpu.memory_space<semaphore_mem>>)
      %dma_wait3A = arith.constant 0 : i32
      %dma_wait3A_71 = tpu.memref_slice %arg11[%add3A_45, %dma_wait3A] : memref<10112x64xf32, #tpu.memory_space<vmem_shared>> -> memref<120x64xf32, #tpu.memory_space<vmem_shared>>
      %dma_wait3A_72 = arith.constant 0 : i32
      %dma_wait3A_73 = tpu.memref_slice %arg11[%add3A_45, %dma_wait3A_72] : memref<10112x64xf32, #tpu.memory_space<vmem_shared>> -> memref<120x64xf32, #tpu.memory_space<vmem_shared>>
      tpu.wait_dma2 semaphore(%run_scoped3A : memref<!tpu.dma_semaphore, #tpu.memory_space<semaphore_mem>>) src(%arg10 : memref<120x64xf32, #tpu.memory_space<vmem>>) dst(%dma_wait3A_73 : memref<120x64xf32, #tpu.memory_space<vmem_shared>>)
      tpu.yield
    }) : () -> ()
    %add3A_46 = arith.constant 360 : i32
    %add3A_47 = arith.addi %mul3A_3, %add3A_46 : i32
    "tpu.region"() ({
      %run_scoped3A = tpu.sem_alloc : memref<!tpu.dma_semaphore, #tpu.memory_space<semaphore_mem>>
      %dma_start3A = arith.constant 0 : i32
      %dma_start3A_68 = tpu.memref_slice %arg11[%add3A_47, %dma_start3A] : memref<10112x64xf32, #tpu.memory_space<vmem_shared>> -> memref<120x64xf32, #tpu.memory_space<vmem_shared>>
      %dma_start3A_69 = arith.constant 0 : i32
      %dma_start3A_70 = tpu.memref_slice %arg11[%add3A_47, %dma_start3A_69] : memref<10112x64xf32, #tpu.memory_space<vmem_shared>> -> memref<120x64xf32, #tpu.memory_space<vmem_shared>>
      tpu.enqueue_dma source(%arg10 : memref<120x64xf32, #tpu.memory_space<vmem>>) target(%dma_start3A_70 : memref<120x64xf32, #tpu.memory_space<vmem_shared>>) target_semaphore(%run_scoped3A : memref<!tpu.dma_semaphore, #tpu.memory_space<semaphore_mem>>)
      %dma_wait3A = arith.constant 0 : i32
      %dma_wait3A_71 = tpu.memref_slice %arg11[%add3A_47, %dma_wait3A] : memref<10112x64xf32, #tpu.memory_space<vmem_shared>> -> memref<120x64xf32, #tpu.memory_space<vmem_shared>>
      %dma_wait3A_72 = arith.constant 0 : i32
      %dma_wait3A_73 = tpu.memref_slice %arg11[%add3A_47, %dma_wait3A_72] : memref<10112x64xf32, #tpu.memory_space<vmem_shared>> -> memref<120x64xf32, #tpu.memory_space<vmem_shared>>
      tpu.wait_dma2 semaphore(%run_scoped3A : memref<!tpu.dma_semaphore, #tpu.memory_space<semaphore_mem>>) src(%arg10 : memref<120x64xf32, #tpu.memory_space<vmem>>) dst(%dma_wait3A_73 : memref<120x64xf32, #tpu.memory_space<vmem_shared>>)
      tpu.yield
    }) : () -> ()
    %add3A_48 = arith.constant 480 : i32
    %add3A_49 = arith.addi %mul3A_3, %add3A_48 : i32
    "tpu.region"() ({
      %run_scoped3A = tpu.sem_alloc : memref<!tpu.dma_semaphore, #tpu.memory_space<semaphore_mem>>
      %dma_start3A = arith.constant 0 : i32
      %dma_start3A_68 = tpu.memref_slice %arg11[%add3A_49, %dma_start3A] : memref<10112x64xf32, #tpu.memory_space<vmem_shared>> -> memref<120x64xf32, #tpu.memory_space<vmem_shared>>
      %dma_start3A_69 = arith.constant 0 : i32
      %dma_start3A_70 = tpu.memref_slice %arg11[%add3A_49, %dma_start3A_69] : memref<10112x64xf32, #tpu.memory_space<vmem_shared>> -> memref<120x64xf32, #tpu.memory_space<vmem_shared>>
      tpu.enqueue_dma source(%arg10 : memref<120x64xf32, #tpu.memory_space<vmem>>) target(%dma_start3A_70 : memref<120x64xf32, #tpu.memory_space<vmem_shared>>) target_semaphore(%run_scoped3A : memref<!tpu.dma_semaphore, #tpu.memory_space<semaphore_mem>>)
      %dma_wait3A = arith.constant 0 : i32
      %dma_wait3A_71 = tpu.memref_slice %arg11[%add3A_49, %dma_wait3A] : memref<10112x64xf32, #tpu.memory_space<vmem_shared>> -> memref<120x64xf32, #tpu.memory_space<vmem_shared>>
      %dma_wait3A_72 = arith.constant 0 : i32
      %dma_wait3A_73 = tpu.memref_slice %arg11[%add3A_49, %dma_wait3A_72] : memref<10112x64xf32, #tpu.memory_space<vmem_shared>> -> memref<120x64xf32, #tpu.memory_space<vmem_shared>>
      tpu.wait_dma2 semaphore(%run_scoped3A : memref<!tpu.dma_semaphore, #tpu.memory_space<semaphore_mem>>) src(%arg10 : memref<120x64xf32, #tpu.memory_space<vmem>>) dst(%dma_wait3A_73 : memref<120x64xf32, #tpu.memory_space<vmem_shared>>)
      tpu.yield
    }) : () -> ()
    %add3A_50 = arith.constant 600 : i32
    %add3A_51 = arith.addi %mul3A_3, %add3A_50 : i32
    "tpu.region"() ({
      %run_scoped3A = tpu.sem_alloc : memref<!tpu.dma_semaphore, #tpu.memory_space<semaphore_mem>>
      %dma_start3A = arith.constant 0 : i32
      %dma_start3A_68 = arith.constant 0 : i32
      %dma_start3A_69 = tpu.memref_slice %arg10[%dma_start3A, %dma_start3A_68] : memref<120x64xf32, #tpu.memory_space<vmem>> -> memref<32x64xf32, #tpu.memory_space<vmem>>
      %dma_start3A_70 = arith.constant 0 : i32
      %dma_start3A_71 = tpu.memref_slice %arg11[%add3A_51, %dma_start3A_70] : memref<10112x64xf32, #tpu.memory_space<vmem_shared>> -> memref<32x64xf32, #tpu.memory_space<vmem_shared>>
      %dma_start3A_72 = arith.constant 0 : i32
      %dma_start3A_73 = tpu.memref_slice %arg11[%add3A_51, %dma_start3A_72] : memref<10112x64xf32, #tpu.memory_space<vmem_shared>> -> memref<32x64xf32, #tpu.memory_space<vmem_shared>>
      %dma_start3A_74 = arith.constant 0 : i32
      %dma_start3A_75 = arith.constant 0 : i32
      %dma_start3A_76 = tpu.memref_slice %arg10[%dma_start3A_74, %dma_start3A_75] : memref<120x64xf32, #tpu.memory_space<vmem>> -> memref<32x64xf32, #tpu.memory_space<vmem>>
      tpu.enqueue_dma source(%dma_start3A_76 : memref<32x64xf32, #tpu.memory_space<vmem>>) target(%dma_start3A_73 : memref<32x64xf32, #tpu.memory_space<vmem_shared>>) target_semaphore(%run_scoped3A : memref<!tpu.dma_semaphore, #tpu.memory_space<semaphore_mem>>)
      %dma_wait3A = arith.constant 0 : i32
      %dma_wait3A_77 = arith.constant 0 : i32
      %dma_wait3A_78 = tpu.memref_slice %arg10[%dma_wait3A, %dma_wait3A_77] : memref<120x64xf32, #tpu.memory_space<vmem>> -> memref<32x64xf32, #tpu.memory_space<vmem>>
      %dma_wait3A_79 = arith.constant 0 : i32
      %dma_wait3A_80 = tpu.memref_slice %arg11[%add3A_51, %dma_wait3A_79] : memref<10112x64xf32, #tpu.memory_space<vmem_shared>> -> memref<32x64xf32, #tpu.memory_space<vmem_shared>>
      %dma_wait3A_81 = arith.constant 0 : i32
      %dma_wait3A_82 = tpu.memref_slice %arg11[%add3A_51, %dma_wait3A_81] : memref<10112x64xf32, #tpu.memory_space<vmem_shared>> -> memref<32x64xf32, #tpu.memory_space<vmem_shared>>
      %dma_wait3A_83 = arith.constant 0 : i32
      %dma_wait3A_84 = arith.constant 0 : i32
      %dma_wait3A_85 = tpu.memref_slice %arg10[%dma_wait3A_83, %dma_wait3A_84] : memref<120x64xf32, #tpu.memory_space<vmem>> -> memref<32x64xf32, #tpu.memory_space<vmem>>
      tpu.wait_dma2 semaphore(%run_scoped3A : memref<!tpu.dma_semaphore, #tpu.memory_space<semaphore_mem>>) src(%dma_wait3A_85 : memref<32x64xf32, #tpu.memory_space<vmem>>) dst(%dma_wait3A_82 : memref<32x64xf32, #tpu.memory_space<vmem_shared>>)
      tpu.yield
    }) : () -> ()
    %barrier3A_52 = arith.constant 0 : index
    tpu.barrier barrier_id(%barrier3A_52)
    %scan3A_53 = arith.constant 0 : i32
    %scan3A_54 = arith.constant 0 : i32
    %scan3A_55 = arith.constant 72 : i32
    %scan3A_56 = arith.addi %scan3A_54, %scan3A_55 : i32
    %scan3A_57 = arith.constant 1 : i32
    scf.for %scan3A_68 = %scan3A_54 to %scan3A_56 step %scan3A_57  : i32 {
      %dma_start3A = arith.constant 0 : i32
      %dma_start3A_69 = tpu.memref_slice %arg8[%scan3A_68, %dma_start3A] : memref<96x120xi32, #tpu.memory_space<vmem>> -> memref<1x120xi32, #tpu.memory_space<vmem>>
      %dma_start3A_70 = tpu.memref_squeeze %dma_start3A_69 : memref<1x120xi32, #tpu.memory_space<vmem>> -> memref<120xi32, #tpu.memory_space<vmem>>
      %dma_start3A_71 = arith.constant 0 : i32
      %dma_start3A_72 = arith.constant 0 : i32
      %dma_start3A_73 = tpu.memref_slice %arg3[%dma_start3A_71, %dma_start3A_72] : memref<10000x64xf32, #tpu.memory_space<hbm>> -> memref<10000x64xf32, #tpu.memory_space<hbm>>
      tpu.enqueue_indirect_dma source(%dma_start3A_73 : memref<10000x64xf32, #tpu.memory_space<hbm>>) target(%arg10 : memref<120x64xf32, #tpu.memory_space<vmem>>) offsets(%dma_start3A_70 : memref<120xi32, #tpu.memory_space<vmem>>) semaphore(%arg12 : memref<!tpu.dma_semaphore, #tpu.memory_space<semaphore_mem>>)
      %dma_wait3A = arith.constant 0 : i32
      %dma_wait3A_74 = tpu.memref_slice %arg8[%scan3A_68, %dma_wait3A] : memref<96x120xi32, #tpu.memory_space<vmem>> -> memref<1x120xi32, #tpu.memory_space<vmem>>
      %dma_wait3A_75 = tpu.memref_squeeze %dma_wait3A_74 : memref<1x120xi32, #tpu.memory_space<vmem>> -> memref<120xi32, #tpu.memory_space<vmem>>
      %dma_wait3A_76 = arith.constant 0 : i32
      %dma_wait3A_77 = arith.constant 0 : i32
      %dma_wait3A_78 = tpu.memref_slice %arg3[%dma_wait3A_76, %dma_wait3A_77] : memref<10000x64xf32, #tpu.memory_space<hbm>> -> memref<10000x64xf32, #tpu.memory_space<hbm>>
      tpu.wait_indirect_dma semaphore(%arg12 : memref<!tpu.dma_semaphore, #tpu.memory_space<semaphore_mem>>) src(%dma_wait3A_78 : memref<10000x64xf32, #tpu.memory_space<hbm>>) dst(%arg10 : memref<120x64xf32, #tpu.memory_space<vmem>>)
      "tpu.region"() ({
        %run_scoped3A = tpu.sem_alloc : memref<!tpu.dma_semaphore, #tpu.memory_space<semaphore_mem>>
        %dma_start3A_79 = arith.constant 0 : i32
        %dma_start3A_80 = tpu.memref_slice %arg9[%scan3A_68, %dma_start3A_79] : memref<96x120xi32, #tpu.memory_space<vmem>> -> memref<1x120xi32, #tpu.memory_space<vmem>>
        %dma_start3A_81 = tpu.memref_squeeze %dma_start3A_80 : memref<1x120xi32, #tpu.memory_space<vmem>> -> memref<120xi32, #tpu.memory_space<vmem>>
        %dma_start3A_82 = arith.constant 0 : i32
        %dma_start3A_83 = arith.constant 0 : i32
        %dma_start3A_84 = tpu.memref_slice %arg11[%dma_start3A_82, %dma_start3A_83] : memref<10112x64xf32, #tpu.memory_space<vmem_shared>> -> memref<10112x64xf32, #tpu.memory_space<vmem_shared>>
        tpu.enqueue_indirect_dma source(%arg10 : memref<120x64xf32, #tpu.memory_space<vmem>>) target(%dma_start3A_84 : memref<10112x64xf32, #tpu.memory_space<vmem_shared>>) offsets(%dma_start3A_81 : memref<120xi32, #tpu.memory_space<vmem>>) semaphore(%run_scoped3A : memref<!tpu.dma_semaphore, #tpu.memory_space<semaphore_mem>>) {add = true}
        %dma_wait3A_85 = arith.constant 0 : i32
        %dma_wait3A_86 = tpu.memref_slice %arg9[%scan3A_68, %dma_wait3A_85] : memref<96x120xi32, #tpu.memory_space<vmem>> -> memref<1x120xi32, #tpu.memory_space<vmem>>
        %dma_wait3A_87 = tpu.memref_squeeze %dma_wait3A_86 : memref<1x120xi32, #tpu.memory_space<vmem>> -> memref<120xi32, #tpu.memory_space<vmem>>
        %dma_wait3A_88 = arith.constant 0 : i32
        %dma_wait3A_89 = arith.constant 0 : i32
        %dma_wait3A_90 = tpu.memref_slice %arg11[%dma_wait3A_88, %dma_wait3A_89] : memref<10112x64xf32, #tpu.memory_space<vmem_shared>> -> memref<10112x64xf32, #tpu.memory_space<vmem_shared>>
        tpu.wait_indirect_dma semaphore(%run_scoped3A : memref<!tpu.dma_semaphore, #tpu.memory_space<semaphore_mem>>) src(%arg10 : memref<120x64xf32, #tpu.memory_space<vmem>>) dst(%dma_wait3A_90 : memref<10112x64xf32, #tpu.memory_space<vmem_shared>>)
        tpu.yield
      }) : () -> ()
    }
    %scan3A_58 = arith.constant 72 : i32
    %eq3A_59 = arith.constant 0 : i32
    %eq3A_60 = arith.cmpi eq, %arg0, %eq3A_59 : i32
    %convert_element_type3A_61 = arith.extui %eq3A_60 : i1 to i32
    %cond3A_62 = arith.constant 0 : i32
    %cond3A_63 = arith.cmpi ne, %convert_element_type3A_61, %cond3A_62 : i32
    scf.if %cond3A_63 {
      %scan3A_68 = arith.constant 0 : i32
      %scan3A_69 = arith.constant 72 : i32
      %scan3A_70 = arith.constant 24 : i32
      %scan3A_71 = arith.addi %scan3A_69, %scan3A_70 : i32
      %scan3A_72 = arith.constant 1 : i32
      scf.for %scan3A_74 = %scan3A_69 to %scan3A_71 step %scan3A_72  : i32 {
        %dma_start3A = arith.constant 0 : i32
        %dma_start3A_75 = tpu.memref_slice %arg8[%scan3A_74, %dma_start3A] : memref<96x120xi32, #tpu.memory_space<vmem>> -> memref<1x120xi32, #tpu.memory_space<vmem>>
        %dma_start3A_76 = tpu.memref_squeeze %dma_start3A_75 : memref<1x120xi32, #tpu.memory_space<vmem>> -> memref<120xi32, #tpu.memory_space<vmem>>
        %dma_start3A_77 = arith.constant 0 : i32
        %dma_start3A_78 = arith.constant 0 : i32
        %dma_start3A_79 = tpu.memref_slice %arg3[%dma_start3A_77, %dma_start3A_78] : memref<10000x64xf32, #tpu.memory_space<hbm>> -> memref<10000x64xf32, #tpu.memory_space<hbm>>
        tpu.enqueue_indirect_dma source(%dma_start3A_79 : memref<10000x64xf32, #tpu.memory_space<hbm>>) target(%arg10 : memref<120x64xf32, #tpu.memory_space<vmem>>) offsets(%dma_start3A_76 : memref<120xi32, #tpu.memory_space<vmem>>) semaphore(%arg12 : memref<!tpu.dma_semaphore, #tpu.memory_space<semaphore_mem>>)
        %dma_wait3A = arith.constant 0 : i32
        %dma_wait3A_80 = tpu.memref_slice %arg8[%scan3A_74, %dma_wait3A] : memref<96x120xi32, #tpu.memory_space<vmem>> -> memref<1x120xi32, #tpu.memory_space<vmem>>
        %dma_wait3A_81 = tpu.memref_squeeze %dma_wait3A_80 : memref<1x120xi32, #tpu.memory_space<vmem>> -> memref<120xi32, #tpu.memory_space<vmem>>
        %dma_wait3A_82 = arith.constant 0 : i32
        %dma_wait3A_83 = arith.constant 0 : i32
        %dma_wait3A_84 = tpu.memref_slice %arg3[%dma_wait3A_82, %dma_wait3A_83] : memref<10000x64xf32, #tpu.memory_space<hbm>> -> memref<10000x64xf32, #tpu.memory_space<hbm>>
        tpu.wait_indirect_dma semaphore(%arg12 : memref<!tpu.dma_semaphore, #tpu.memory_space<semaphore_mem>>) src(%dma_wait3A_84 : memref<10000x64xf32, #tpu.memory_space<hbm>>) dst(%arg10 : memref<120x64xf32, #tpu.memory_space<vmem>>)
        "tpu.region"() ({
          %run_scoped3A = tpu.sem_alloc : memref<!tpu.dma_semaphore, #tpu.memory_space<semaphore_mem>>
          %dma_start3A_85 = arith.constant 0 : i32
          %dma_start3A_86 = tpu.memref_slice %arg9[%scan3A_74, %dma_start3A_85] : memref<96x120xi32, #tpu.memory_space<vmem>> -> memref<1x120xi32, #tpu.memory_space<vmem>>
          %dma_start3A_87 = tpu.memref_squeeze %dma_start3A_86 : memref<1x120xi32, #tpu.memory_space<vmem>> -> memref<120xi32, #tpu.memory_space<vmem>>
          %dma_start3A_88 = arith.constant 0 : i32
          %dma_start3A_89 = arith.constant 0 : i32
          %dma_start3A_90 = tpu.memref_slice %arg11[%dma_start3A_88, %dma_start3A_89] : memref<10112x64xf32, #tpu.memory_space<vmem_shared>> -> memref<10112x64xf32, #tpu.memory_space<vmem_shared>>
          tpu.enqueue_indirect_dma source(%arg10 : memref<120x64xf32, #tpu.memory_space<vmem>>) target(%dma_start3A_90 : memref<10112x64xf32, #tpu.memory_space<vmem_shared>>) offsets(%dma_start3A_87 : memref<120xi32, #tpu.memory_space<vmem>>) semaphore(%run_scoped3A : memref<!tpu.dma_semaphore, #tpu.memory_space<semaphore_mem>>) {add = true}
          %dma_wait3A_91 = arith.constant 0 : i32
          %dma_wait3A_92 = tpu.memref_slice %arg9[%scan3A_74, %dma_wait3A_91] : memref<96x120xi32, #tpu.memory_space<vmem>> -> memref<1x120xi32, #tpu.memory_space<vmem>>
          %dma_wait3A_93 = tpu.memref_squeeze %dma_wait3A_92 : memref<1x120xi32, #tpu.memory_space<vmem>> -> memref<120xi32, #tpu.memory_space<vmem>>
          %dma_wait3A_94 = arith.constant 0 : i32
          %dma_wait3A_95 = arith.constant 0 : i32
          %dma_wait3A_96 = tpu.memref_slice %arg11[%dma_wait3A_94, %dma_wait3A_95] : memref<10112x64xf32, #tpu.memory_space<vmem_shared>> -> memref<10112x64xf32, #tpu.memory_space<vmem_shared>>
          tpu.wait_indirect_dma semaphore(%run_scoped3A : memref<!tpu.dma_semaphore, #tpu.memory_space<semaphore_mem>>) src(%arg10 : memref<120x64xf32, #tpu.memory_space<vmem>>) dst(%dma_wait3A_96 : memref<10112x64xf32, #tpu.memory_space<vmem_shared>>)
          tpu.yield
        }) : () -> ()
      }
      %scan3A_73 = arith.constant 24 : i32
    } else {
    }
    %barrier3A_64 = arith.constant 0 : index
    tpu.barrier barrier_id(%barrier3A_64)
    %mul3A_65 = arith.constant 10112 : i32
    %mul3A_66 = arith.muli %arg0, %mul3A_65 : i32
    %add3A_67 = arith.addi %mul3A_66, %mul3A_3 : i32
    "tpu.region"() ({
      %run_scoped3A = tpu.sem_alloc : memref<!tpu.dma_semaphore, #tpu.memory_space<semaphore_mem>>
      %dma_start3A = arith.constant 0 : i32
      %dma_start3A_68 = tpu.memref_slice %arg7[%add3A_67, %dma_start3A] : memref<20224x64xf32, #tpu.memory_space<hbm>> -> memref<632x64xf32, #tpu.memory_space<hbm>>
      %dma_start3A_69 = arith.constant 0 : i32
      %dma_start3A_70 = tpu.memref_slice %arg11[%mul3A_3, %dma_start3A_69] : memref<10112x64xf32, #tpu.memory_space<vmem_shared>> -> memref<632x64xf32, #tpu.memory_space<vmem_shared>>
      tpu.enqueue_dma source(%dma_start3A_70 : memref<632x64xf32, #tpu.memory_space<vmem_shared>>) target(%dma_start3A_68 : memref<632x64xf32, #tpu.memory_space<hbm>>) target_semaphore(%run_scoped3A : memref<!tpu.dma_semaphore, #tpu.memory_space<semaphore_mem>>)
      %dma_wait3A = arith.constant 0 : i32
      %dma_wait3A_71 = tpu.memref_slice %arg7[%add3A_67, %dma_wait3A] : memref<20224x64xf32, #tpu.memory_space<hbm>> -> memref<632x64xf32, #tpu.memory_space<hbm>>
      %dma_wait3A_72 = arith.constant 0 : i32
      %dma_wait3A_73 = tpu.memref_slice %arg11[%mul3A_3, %dma_wait3A_72] : memref<10112x64xf32, #tpu.memory_space<vmem_shared>> -> memref<632x64xf32, #tpu.memory_space<vmem_shared>>
      tpu.wait_dma2 semaphore(%run_scoped3A : memref<!tpu.dma_semaphore, #tpu.memory_space<semaphore_mem>>) src(%dma_wait3A_73 : memref<632x64xf32, #tpu.memory_space<vmem_shared>>) dst(%dma_wait3A_71 : memref<632x64xf32, #tpu.memory_space<hbm>>)
      tpu.yield
    }) : () -> ()
    return
  }
}

#map = affine_map<(d0, d1) -> (0, 0)>
#map1 = affine_map<(d0, d1) -> (0, 0, 0)>
module attributes {stable_mosaic.version = 14 : i64} {
  func.func @_prop_body(%arg0: i32, %arg1: i32, %arg2: memref<10000x64xf32, #tpu.memory_space<hbm>>, %arg3: memref<10000x64xf32, #tpu.memory_space<hbm>>, %arg4: memref<32x96x120xi32, #tpu.memory_space<hbm>>, %arg5: memref<32x96x120xi32, #tpu.memory_space<hbm>>, %arg6: memref<20224x64xf32, #tpu.memory_space<hbm>>, %arg7: memref<20224x64xf32, #tpu.memory_space<hbm>>, %arg8: memref<96x120xi32, #tpu.memory_space<vmem>>, %arg9: memref<96x120xi32, #tpu.memory_space<vmem>>, %arg10: memref<120x64xf32, #tpu.memory_space<vmem>>, %arg11: memref<10112x64xf32, #tpu.memory_space<vmem_shared>>, %arg12: memref<!tpu.dma_semaphore, #tpu.memory_space<semaphore_mem>>) attributes {dimension_semantics = [#tpu.dimension_semantics<core_parallel>, #tpu.dimension_semantics<subcore_parallel>], iteration_bounds = array<i64: 2, 16>, scalar_prefetch = 0 : i64, scratch_operands = 5 : i64, tpu.core_type = #tpu.core_type<sc_vector_subcore>, window_params = [{transform_indices = #map}, {transform_indices = #map}, {transform_indices = #map1}, {transform_indices = #map1}, {transform_indices = #map}, {transform_indices = #map}]} {
    %mul3A = arith.constant 16 : i32
    %mul3A_0 = arith.muli %arg0, %mul3A : i32
    %add3A = arith.addi %mul3A_0, %arg1 : i32
    "tpu.region"() ({
      %run_scoped3A = tpu.sem_alloc : memref<!tpu.dma_semaphore, #tpu.memory_space<semaphore_mem>>
      %dma_start3A = arith.constant 0 : i32
      %dma_start3A_68 = arith.constant 0 : i32
      %dma_start3A_69 = tpu.memref_slice %arg4[%add3A, %dma_start3A, %dma_start3A_68] : memref<32x96x120xi32, #tpu.memory_space<hbm>> -> memref<1x96x120xi32, #tpu.memory_space<hbm>>
      %dma_start3A_70 = tpu.memref_squeeze %dma_start3A_69 : memref<1x96x120xi32, #tpu.memory_space<hbm>> -> memref<96x120xi32, #tpu.memory_space<hbm>>
      %dma_start3A_71 = arith.constant 0 : i32
      %dma_start3A_72 = arith.constant 0 : i32
      %dma_start3A_73 = tpu.memref_slice %arg4[%add3A, %dma_start3A_71, %dma_start3A_72] : memref<32x96x120xi32, #tpu.memory_space<hbm>> -> memref<1x96x120xi32, #tpu.memory_space<hbm>>
      %dma_start3A_74 = tpu.memref_squeeze %dma_start3A_73 : memref<1x96x120xi32, #tpu.memory_space<hbm>> -> memref<96x120xi32, #tpu.memory_space<hbm>>
      tpu.enqueue_dma source(%dma_start3A_74 : memref<96x120xi32, #tpu.memory_space<hbm>>) target(%arg8 : memref<96x120xi32, #tpu.memory_space<vmem>>) target_semaphore(%run_scoped3A : memref<!tpu.dma_semaphore, #tpu.memory_space<semaphore_mem>>)
      %dma_wait3A = arith.constant 0 : i32
      %dma_wait3A_75 = arith.constant 0 : i32
      %dma_wait3A_76 = tpu.memref_slice %arg4[%add3A, %dma_wait3A, %dma_wait3A_75] : memref<32x96x120xi32, #tpu.memory_space<hbm>> -> memref<1x96x120xi32, #tpu.memory_space<hbm>>
      %dma_wait3A_77 = tpu.memref_squeeze %dma_wait3A_76 : memref<1x96x120xi32, #tpu.memory_space<hbm>> -> memref<96x120xi32, #tpu.memory_space<hbm>>
      %dma_wait3A_78 = arith.constant 0 : i32
      %dma_wait3A_79 = arith.constant 0 : i32
      %dma_wait3A_80 = tpu.memref_slice %arg4[%add3A, %dma_wait3A_78, %dma_wait3A_79] : memref<32x96x120xi32, #tpu.memory_space<hbm>> -> memref<1x96x120xi32, #tpu.memory_space<hbm>>
      %dma_wait3A_81 = tpu.memref_squeeze %dma_wait3A_80 : memref<1x96x120xi32, #tpu.memory_space<hbm>> -> memref<96x120xi32, #tpu.memory_space<hbm>>
      tpu.wait_dma2 semaphore(%run_scoped3A : memref<!tpu.dma_semaphore, #tpu.memory_space<semaphore_mem>>) src(%dma_wait3A_81 : memref<96x120xi32, #tpu.memory_space<hbm>>) dst(%arg8 : memref<96x120xi32, #tpu.memory_space<vmem>>)
      tpu.yield
    }) : () -> ()
    "tpu.region"() ({
      %run_scoped3A = tpu.sem_alloc : memref<!tpu.dma_semaphore, #tpu.memory_space<semaphore_mem>>
      %dma_start3A = arith.constant 0 : i32
      %dma_start3A_68 = arith.constant 0 : i32
      %dma_start3A_69 = tpu.memref_slice %arg5[%add3A, %dma_start3A, %dma_start3A_68] : memref<32x96x120xi32, #tpu.memory_space<hbm>> -> memref<1x96x120xi32, #tpu.memory_space<hbm>>
      %dma_start3A_70 = tpu.memref_squeeze %dma_start3A_69 : memref<1x96x120xi32, #tpu.memory_space<hbm>> -> memref<96x120xi32, #tpu.memory_space<hbm>>
      %dma_start3A_71 = arith.constant 0 : i32
      %dma_start3A_72 = arith.constant 0 : i32
      %dma_start3A_73 = tpu.memref_slice %arg5[%add3A, %dma_start3A_71, %dma_start3A_72] : memref<32x96x120xi32, #tpu.memory_space<hbm>> -> memref<1x96x120xi32, #tpu.memory_space<hbm>>
      %dma_start3A_74 = tpu.memref_squeeze %dma_start3A_73 : memref<1x96x120xi32, #tpu.memory_space<hbm>> -> memref<96x120xi32, #tpu.memory_space<hbm>>
      tpu.enqueue_dma source(%dma_start3A_74 : memref<96x120xi32, #tpu.memory_space<hbm>>) target(%arg9 : memref<96x120xi32, #tpu.memory_space<vmem>>) target_semaphore(%run_scoped3A : memref<!tpu.dma_semaphore, #tpu.memory_space<semaphore_mem>>)
      %dma_wait3A = arith.constant 0 : i32
      %dma_wait3A_75 = arith.constant 0 : i32
      %dma_wait3A_76 = tpu.memref_slice %arg5[%add3A, %dma_wait3A, %dma_wait3A_75] : memref<32x96x120xi32, #tpu.memory_space<hbm>> -> memref<1x96x120xi32, #tpu.memory_space<hbm>>
      %dma_wait3A_77 = tpu.memref_squeeze %dma_wait3A_76 : memref<1x96x120xi32, #tpu.memory_space<hbm>> -> memref<96x120xi32, #tpu.memory_space<hbm>>
      %dma_wait3A_78 = arith.constant 0 : i32
      %dma_wait3A_79 = arith.constant 0 : i32
      %dma_wait3A_80 = tpu.memref_slice %arg5[%add3A, %dma_wait3A_78, %dma_wait3A_79] : memref<32x96x120xi32, #tpu.memory_space<hbm>> -> memref<1x96x120xi32, #tpu.memory_space<hbm>>
      %dma_wait3A_81 = tpu.memref_squeeze %dma_wait3A_80 : memref<1x96x120xi32, #tpu.memory_space<hbm>> -> memref<96x120xi32, #tpu.memory_space<hbm>>
      tpu.wait_dma2 semaphore(%run_scoped3A : memref<!tpu.dma_semaphore, #tpu.memory_space<semaphore_mem>>) src(%dma_wait3A_81 : memref<96x120xi32, #tpu.memory_space<hbm>>) dst(%arg9 : memref<96x120xi32, #tpu.memory_space<vmem>>)
      tpu.yield
    }) : () -> ()
    %broadcast_in_dim3A = arith.constant 0.000000e+00 : f32
    %broadcast_in_dim3A_1 = vector.broadcast %broadcast_in_dim3A : f32 to vector<16xf32>
    %mul3A_2 = arith.constant 632 : i32
    %mul3A_3 = arith.muli %arg1, %mul3A_2 : i32
    %scan3A = arith.constant 0 : i32
    %scan3A_4 = arith.constant 0 : i32
    %scan3A_5 = arith.constant 120 : i32
    %scan3A_6 = arith.addi %scan3A_4, %scan3A_5 : i32
    %scan3A_7 = arith.constant 1 : i32
    scf.for %scan3A_68 = %scan3A_4 to %scan3A_6 step %scan3A_7  : i32 {
      %swap3A = arith.index_cast %scan3A_68 : i32 to index
      %swap3A_69 = arith.constant 0 : index
      %swap3A_70 = tpu.vector_load %arg10[%swap3A, %swap3A_69] {strides = array<i32>} : memref<120x64xf32, #tpu.memory_space<vmem>>, vector<16xf32>,
      tpu.vector_store %arg10[%swap3A, %swap3A_69], %broadcast_in_dim3A_1 {strides = array<i32>} : memref<120x64xf32, #tpu.memory_space<vmem>>, vector<16xf32>,
      %swap3A_71 = arith.index_cast %scan3A_68 : i32 to index
      %swap3A_72 = arith.constant 16 : index
      %swap3A_73 = tpu.vector_load %arg10[%swap3A_71, %swap3A_72] {strides = array<i32>} : memref<120x64xf32, #tpu.memory_space<vmem>>, vector<16xf32>,
      tpu.vector_store %arg10[%swap3A_71, %swap3A_72], %broadcast_in_dim3A_1 {strides = array<i32>} : memref<120x64xf32, #tpu.memory_space<vmem>>, vector<16xf32>,
      %swap3A_74 = arith.index_cast %scan3A_68 : i32 to index
      %swap3A_75 = arith.constant 32 : index
      %swap3A_76 = tpu.vector_load %arg10[%swap3A_74, %swap3A_75] {strides = array<i32>} : memref<120x64xf32, #tpu.memory_space<vmem>>, vector<16xf32>,
      tpu.vector_store %arg10[%swap3A_74, %swap3A_75], %broadcast_in_dim3A_1 {strides = array<i32>} : memref<120x64xf32, #tpu.memory_space<vmem>>, vector<16xf32>,
      %swap3A_77 = arith.index_cast %scan3A_68 : i32 to index
      %swap3A_78 = arith.constant 48 : index
      %swap3A_79 = tpu.vector_load %arg10[%swap3A_77, %swap3A_78] {strides = array<i32>} : memref<120x64xf32, #tpu.memory_space<vmem>>, vector<16xf32>,
      tpu.vector_store %arg10[%swap3A_77, %swap3A_78], %broadcast_in_dim3A_1 {strides = array<i32>} : memref<120x64xf32, #tpu.memory_space<vmem>>, vector<16xf32>,
    }
    %scan3A_8 = arith.constant 120 : i32
    %add3A_9 = arith.constant 0 : i32
    %add3A_10 = arith.addi %mul3A_3, %add3A_9 : i32
    "tpu.region"() ({
      %run_scoped3A = tpu.sem_alloc : memref<!tpu.dma_semaphore, #tpu.memory_space<semaphore_mem>>
      %dma_start3A = arith.constant 0 : i32
      %dma_start3A_68 = tpu.memref_slice %arg11[%add3A_10, %dma_start3A] : memref<10112x64xf32, #tpu.memory_space<vmem_shared>> -> memref<120x64xf32, #tpu.memory_space<vmem_shared>>
      %dma_start3A_69 = arith.constant 0 : i32
      %dma_start3A_70 = tpu.memref_slice %arg11[%add3A_10, %dma_start3A_69] : memref<10112x64xf32, #tpu.memory_space<vmem_shared>> -> memref<120x64xf32, #tpu.memory_space<vmem_shared>>
      tpu.enqueue_dma source(%arg10 : memref<120x64xf32, #tpu.memory_space<vmem>>) target(%dma_start3A_70 : memref<120x64xf32, #tpu.memory_space<vmem_shared>>) target_semaphore(%run_scoped3A : memref<!tpu.dma_semaphore, #tpu.memory_space<semaphore_mem>>)
      %dma_wait3A = arith.constant 0 : i32
      %dma_wait3A_71 = tpu.memref_slice %arg11[%add3A_10, %dma_wait3A] : memref<10112x64xf32, #tpu.memory_space<vmem_shared>> -> memref<120x64xf32, #tpu.memory_space<vmem_shared>>
      %dma_wait3A_72 = arith.constant 0 : i32
      %dma_wait3A_73 = tpu.memref_slice %arg11[%add3A_10, %dma_wait3A_72] : memref<10112x64xf32, #tpu.memory_space<vmem_shared>> -> memref<120x64xf32, #tpu.memory_space<vmem_shared>>
      tpu.wait_dma2 semaphore(%run_scoped3A : memref<!tpu.dma_semaphore, #tpu.memory_space<semaphore_mem>>) src(%arg10 : memref<120x64xf32, #tpu.memory_space<vmem>>) dst(%dma_wait3A_73 : memref<120x64xf32, #tpu.memory_space<vmem_shared>>)
      tpu.yield
    }) : () -> ()
    %add3A_11 = arith.constant 120 : i32
    %add3A_12 = arith.addi %mul3A_3, %add3A_11 : i32
    "tpu.region"() ({
      %run_scoped3A = tpu.sem_alloc : memref<!tpu.dma_semaphore, #tpu.memory_space<semaphore_mem>>
      %dma_start3A = arith.constant 0 : i32
      %dma_start3A_68 = tpu.memref_slice %arg11[%add3A_12, %dma_start3A] : memref<10112x64xf32, #tpu.memory_space<vmem_shared>> -> memref<120x64xf32, #tpu.memory_space<vmem_shared>>
      %dma_start3A_69 = arith.constant 0 : i32
      %dma_start3A_70 = tpu.memref_slice %arg11[%add3A_12, %dma_start3A_69] : memref<10112x64xf32, #tpu.memory_space<vmem_shared>> -> memref<120x64xf32, #tpu.memory_space<vmem_shared>>
      tpu.enqueue_dma source(%arg10 : memref<120x64xf32, #tpu.memory_space<vmem>>) target(%dma_start3A_70 : memref<120x64xf32, #tpu.memory_space<vmem_shared>>) target_semaphore(%run_scoped3A : memref<!tpu.dma_semaphore, #tpu.memory_space<semaphore_mem>>)
      %dma_wait3A = arith.constant 0 : i32
      %dma_wait3A_71 = tpu.memref_slice %arg11[%add3A_12, %dma_wait3A] : memref<10112x64xf32, #tpu.memory_space<vmem_shared>> -> memref<120x64xf32, #tpu.memory_space<vmem_shared>>
      %dma_wait3A_72 = arith.constant 0 : i32
      %dma_wait3A_73 = tpu.memref_slice %arg11[%add3A_12, %dma_wait3A_72] : memref<10112x64xf32, #tpu.memory_space<vmem_shared>> -> memref<120x64xf32, #tpu.memory_space<vmem_shared>>
      tpu.wait_dma2 semaphore(%run_scoped3A : memref<!tpu.dma_semaphore, #tpu.memory_space<semaphore_mem>>) src(%arg10 : memref<120x64xf32, #tpu.memory_space<vmem>>) dst(%dma_wait3A_73 : memref<120x64xf32, #tpu.memory_space<vmem_shared>>)
      tpu.yield
    }) : () -> ()
    %add3A_13 = arith.constant 240 : i32
    %add3A_14 = arith.addi %mul3A_3, %add3A_13 : i32
    "tpu.region"() ({
      %run_scoped3A = tpu.sem_alloc : memref<!tpu.dma_semaphore, #tpu.memory_space<semaphore_mem>>
      %dma_start3A = arith.constant 0 : i32
      %dma_start3A_68 = tpu.memref_slice %arg11[%add3A_14, %dma_start3A] : memref<10112x64xf32, #tpu.memory_space<vmem_shared>> -> memref<120x64xf32, #tpu.memory_space<vmem_shared>>
      %dma_start3A_69 = arith.constant 0 : i32
      %dma_start3A_70 = tpu.memref_slice %arg11[%add3A_14, %dma_start3A_69] : memref<10112x64xf32, #tpu.memory_space<vmem_shared>> -> memref<120x64xf32, #tpu.memory_space<vmem_shared>>
      tpu.enqueue_dma source(%arg10 : memref<120x64xf32, #tpu.memory_space<vmem>>) target(%dma_start3A_70 : memref<120x64xf32, #tpu.memory_space<vmem_shared>>) target_semaphore(%run_scoped3A : memref<!tpu.dma_semaphore, #tpu.memory_space<semaphore_mem>>)
      %dma_wait3A = arith.constant 0 : i32
      %dma_wait3A_71 = tpu.memref_slice %arg11[%add3A_14, %dma_wait3A] : memref<10112x64xf32, #tpu.memory_space<vmem_shared>> -> memref<120x64xf32, #tpu.memory_space<vmem_shared>>
      %dma_wait3A_72 = arith.constant 0 : i32
      %dma_wait3A_73 = tpu.memref_slice %arg11[%add3A_14, %dma_wait3A_72] : memref<10112x64xf32, #tpu.memory_space<vmem_shared>> -> memref<120x64xf32, #tpu.memory_space<vmem_shared>>
      tpu.wait_dma2 semaphore(%run_scoped3A : memref<!tpu.dma_semaphore, #tpu.memory_space<semaphore_mem>>) src(%arg10 : memref<120x64xf32, #tpu.memory_space<vmem>>) dst(%dma_wait3A_73 : memref<120x64xf32, #tpu.memory_space<vmem_shared>>)
      tpu.yield
    }) : () -> ()
    %add3A_15 = arith.constant 360 : i32
    %add3A_16 = arith.addi %mul3A_3, %add3A_15 : i32
    "tpu.region"() ({
      %run_scoped3A = tpu.sem_alloc : memref<!tpu.dma_semaphore, #tpu.memory_space<semaphore_mem>>
      %dma_start3A = arith.constant 0 : i32
      %dma_start3A_68 = tpu.memref_slice %arg11[%add3A_16, %dma_start3A] : memref<10112x64xf32, #tpu.memory_space<vmem_shared>> -> memref<120x64xf32, #tpu.memory_space<vmem_shared>>
      %dma_start3A_69 = arith.constant 0 : i32
      %dma_start3A_70 = tpu.memref_slice %arg11[%add3A_16, %dma_start3A_69] : memref<10112x64xf32, #tpu.memory_space<vmem_shared>> -> memref<120x64xf32, #tpu.memory_space<vmem_shared>>
      tpu.enqueue_dma source(%arg10 : memref<120x64xf32, #tpu.memory_space<vmem>>) target(%dma_start3A_70 : memref<120x64xf32, #tpu.memory_space<vmem_shared>>) target_semaphore(%run_scoped3A : memref<!tpu.dma_semaphore, #tpu.memory_space<semaphore_mem>>)
      %dma_wait3A = arith.constant 0 : i32
      %dma_wait3A_71 = tpu.memref_slice %arg11[%add3A_16, %dma_wait3A] : memref<10112x64xf32, #tpu.memory_space<vmem_shared>> -> memref<120x64xf32, #tpu.memory_space<vmem_shared>>
      %dma_wait3A_72 = arith.constant 0 : i32
      %dma_wait3A_73 = tpu.memref_slice %arg11[%add3A_16, %dma_wait3A_72] : memref<10112x64xf32, #tpu.memory_space<vmem_shared>> -> memref<120x64xf32, #tpu.memory_space<vmem_shared>>
      tpu.wait_dma2 semaphore(%run_scoped3A : memref<!tpu.dma_semaphore, #tpu.memory_space<semaphore_mem>>) src(%arg10 : memref<120x64xf32, #tpu.memory_space<vmem>>) dst(%dma_wait3A_73 : memref<120x64xf32, #tpu.memory_space<vmem_shared>>)
      tpu.yield
    }) : () -> ()
    %add3A_17 = arith.constant 480 : i32
    %add3A_18 = arith.addi %mul3A_3, %add3A_17 : i32
    "tpu.region"() ({
      %run_scoped3A = tpu.sem_alloc : memref<!tpu.dma_semaphore, #tpu.memory_space<semaphore_mem>>
      %dma_start3A = arith.constant 0 : i32
      %dma_start3A_68 = tpu.memref_slice %arg11[%add3A_18, %dma_start3A] : memref<10112x64xf32, #tpu.memory_space<vmem_shared>> -> memref<120x64xf32, #tpu.memory_space<vmem_shared>>
      %dma_start3A_69 = arith.constant 0 : i32
      %dma_start3A_70 = tpu.memref_slice %arg11[%add3A_18, %dma_start3A_69] : memref<10112x64xf32, #tpu.memory_space<vmem_shared>> -> memref<120x64xf32, #tpu.memory_space<vmem_shared>>
      tpu.enqueue_dma source(%arg10 : memref<120x64xf32, #tpu.memory_space<vmem>>) target(%dma_start3A_70 : memref<120x64xf32, #tpu.memory_space<vmem_shared>>) target_semaphore(%run_scoped3A : memref<!tpu.dma_semaphore, #tpu.memory_space<semaphore_mem>>)
      %dma_wait3A = arith.constant 0 : i32
      %dma_wait3A_71 = tpu.memref_slice %arg11[%add3A_18, %dma_wait3A] : memref<10112x64xf32, #tpu.memory_space<vmem_shared>> -> memref<120x64xf32, #tpu.memory_space<vmem_shared>>
      %dma_wait3A_72 = arith.constant 0 : i32
      %dma_wait3A_73 = tpu.memref_slice %arg11[%add3A_18, %dma_wait3A_72] : memref<10112x64xf32, #tpu.memory_space<vmem_shared>> -> memref<120x64xf32, #tpu.memory_space<vmem_shared>>
      tpu.wait_dma2 semaphore(%run_scoped3A : memref<!tpu.dma_semaphore, #tpu.memory_space<semaphore_mem>>) src(%arg10 : memref<120x64xf32, #tpu.memory_space<vmem>>) dst(%dma_wait3A_73 : memref<120x64xf32, #tpu.memory_space<vmem_shared>>)
      tpu.yield
    }) : () -> ()
    %add3A_19 = arith.constant 600 : i32
    %add3A_20 = arith.addi %mul3A_3, %add3A_19 : i32
    "tpu.region"() ({
      %run_scoped3A = tpu.sem_alloc : memref<!tpu.dma_semaphore, #tpu.memory_space<semaphore_mem>>
      %dma_start3A = arith.constant 0 : i32
      %dma_start3A_68 = arith.constant 0 : i32
      %dma_start3A_69 = tpu.memref_slice %arg10[%dma_start3A, %dma_start3A_68] : memref<120x64xf32, #tpu.memory_space<vmem>> -> memref<32x64xf32, #tpu.memory_space<vmem>>
      %dma_start3A_70 = arith.constant 0 : i32
      %dma_start3A_71 = tpu.memref_slice %arg11[%add3A_20, %dma_start3A_70] : memref<10112x64xf32, #tpu.memory_space<vmem_shared>> -> memref<32x64xf32, #tpu.memory_space<vmem_shared>>
      %dma_start3A_72 = arith.constant 0 : i32
      %dma_start3A_73 = tpu.memref_slice %arg11[%add3A_20, %dma_start3A_72] : memref<10112x64xf32, #tpu.memory_space<vmem_shared>> -> memref<32x64xf32, #tpu.memory_space<vmem_shared>>
      %dma_start3A_74 = arith.constant 0 : i32
      %dma_start3A_75 = arith.constant 0 : i32
      %dma_start3A_76 = tpu.memref_slice %arg10[%dma_start3A_74, %dma_start3A_75] : memref<120x64xf32, #tpu.memory_space<vmem>> -> memref<32x64xf32, #tpu.memory_space<vmem>>
      tpu.enqueue_dma source(%dma_start3A_76 : memref<32x64xf32, #tpu.memory_space<vmem>>) target(%dma_start3A_73 : memref<32x64xf32, #tpu.memory_space<vmem_shared>>) target_semaphore(%run_scoped3A : memref<!tpu.dma_semaphore, #tpu.memory_space<semaphore_mem>>)
      %dma_wait3A = arith.constant 0 : i32
      %dma_wait3A_77 = arith.constant 0 : i32
      %dma_wait3A_78 = tpu.memref_slice %arg10[%dma_wait3A, %dma_wait3A_77] : memref<120x64xf32, #tpu.memory_space<vmem>> -> memref<32x64xf32, #tpu.memory_space<vmem>>
      %dma_wait3A_79 = arith.constant 0 : i32
      %dma_wait3A_80 = tpu.memref_slice %arg11[%add3A_20, %dma_wait3A_79] : memref<10112x64xf32, #tpu.memory_space<vmem_shared>> -> memref<32x64xf32, #tpu.memory_space<vmem_shared>>
      %dma_wait3A_81 = arith.constant 0 : i32
      %dma_wait3A_82 = tpu.memref_slice %arg11[%add3A_20, %dma_wait3A_81] : memref<10112x64xf32, #tpu.memory_space<vmem_shared>> -> memref<32x64xf32, #tpu.memory_space<vmem_shared>>
      %dma_wait3A_83 = arith.constant 0 : i32
      %dma_wait3A_84 = arith.constant 0 : i32
      %dma_wait3A_85 = tpu.memref_slice %arg10[%dma_wait3A_83, %dma_wait3A_84] : memref<120x64xf32, #tpu.memory_space<vmem>> -> memref<32x64xf32, #tpu.memory_space<vmem>>
      tpu.wait_dma2 semaphore(%run_scoped3A : memref<!tpu.dma_semaphore, #tpu.memory_space<semaphore_mem>>) src(%dma_wait3A_85 : memref<32x64xf32, #tpu.memory_space<vmem>>) dst(%dma_wait3A_82 : memref<32x64xf32, #tpu.memory_space<vmem_shared>>)
      tpu.yield
    }) : () -> ()
    %barrier3A = arith.constant 0 : index
    tpu.barrier barrier_id(%barrier3A)
    %scan3A_21 = arith.constant 0 : i32
    %scan3A_22 = arith.constant 0 : i32
    %scan3A_23 = arith.constant 72 : i32
    %scan3A_24 = arith.addi %scan3A_22, %scan3A_23 : i32
    %scan3A_25 = arith.constant 1 : i32
    scf.for %scan3A_68 = %scan3A_22 to %scan3A_24 step %scan3A_25  : i32 {
      %dma_start3A = arith.constant 0 : i32
      %dma_start3A_69 = tpu.memref_slice %arg8[%scan3A_68, %dma_start3A] : memref<96x120xi32, #tpu.memory_space<vmem>> -> memref<1x120xi32, #tpu.memory_space<vmem>>
      %dma_start3A_70 = tpu.memref_squeeze %dma_start3A_69 : memref<1x120xi32, #tpu.memory_space<vmem>> -> memref<120xi32, #tpu.memory_space<vmem>>
      %dma_start3A_71 = arith.constant 0 : i32
      %dma_start3A_72 = arith.constant 0 : i32
      %dma_start3A_73 = tpu.memref_slice %arg2[%dma_start3A_71, %dma_start3A_72] : memref<10000x64xf32, #tpu.memory_space<hbm>> -> memref<10000x64xf32, #tpu.memory_space<hbm>>
      tpu.enqueue_indirect_dma source(%dma_start3A_73 : memref<10000x64xf32, #tpu.memory_space<hbm>>) target(%arg10 : memref<120x64xf32, #tpu.memory_space<vmem>>) offsets(%dma_start3A_70 : memref<120xi32, #tpu.memory_space<vmem>>) semaphore(%arg12 : memref<!tpu.dma_semaphore, #tpu.memory_space<semaphore_mem>>)
      %dma_wait3A = arith.constant 0 : i32
      %dma_wait3A_74 = tpu.memref_slice %arg8[%scan3A_68, %dma_wait3A] : memref<96x120xi32, #tpu.memory_space<vmem>> -> memref<1x120xi32, #tpu.memory_space<vmem>>
      %dma_wait3A_75 = tpu.memref_squeeze %dma_wait3A_74 : memref<1x120xi32, #tpu.memory_space<vmem>> -> memref<120xi32, #tpu.memory_space<vmem>>
      %dma_wait3A_76 = arith.constant 0 : i32
      %dma_wait3A_77 = arith.constant 0 : i32
      %dma_wait3A_78 = tpu.memref_slice %arg2[%dma_wait3A_76, %dma_wait3A_77] : memref<10000x64xf32, #tpu.memory_space<hbm>> -> memref<10000x64xf32, #tpu.memory_space<hbm>>
      tpu.wait_indirect_dma semaphore(%arg12 : memref<!tpu.dma_semaphore, #tpu.memory_space<semaphore_mem>>) src(%dma_wait3A_78 : memref<10000x64xf32, #tpu.memory_space<hbm>>) dst(%arg10 : memref<120x64xf32, #tpu.memory_space<vmem>>)
      "tpu.region"() ({
        %run_scoped3A = tpu.sem_alloc : memref<!tpu.dma_semaphore, #tpu.memory_space<semaphore_mem>>
        %dma_start3A_79 = arith.constant 0 : i32
        %dma_start3A_80 = tpu.memref_slice %arg9[%scan3A_68, %dma_start3A_79] : memref<96x120xi32, #tpu.memory_space<vmem>> -> memref<1x120xi32, #tpu.memory_space<vmem>>
        %dma_start3A_81 = tpu.memref_squeeze %dma_start3A_80 : memref<1x120xi32, #tpu.memory_space<vmem>> -> memref<120xi32, #tpu.memory_space<vmem>>
        %dma_start3A_82 = arith.constant 0 : i32
        %dma_start3A_83 = arith.constant 0 : i32
        %dma_start3A_84 = tpu.memref_slice %arg11[%dma_start3A_82, %dma_start3A_83] : memref<10112x64xf32, #tpu.memory_space<vmem_shared>> -> memref<10112x64xf32, #tpu.memory_space<vmem_shared>>
        tpu.enqueue_indirect_dma source(%arg10 : memref<120x64xf32, #tpu.memory_space<vmem>>) target(%dma_start3A_84 : memref<10112x64xf32, #tpu.memory_space<vmem_shared>>) offsets(%dma_start3A_81 : memref<120xi32, #tpu.memory_space<vmem>>) semaphore(%run_scoped3A : memref<!tpu.dma_semaphore, #tpu.memory_space<semaphore_mem>>) {add = true}
        %dma_wait3A_85 = arith.constant 0 : i32
        %dma_wait3A_86 = tpu.memref_slice %arg9[%scan3A_68, %dma_wait3A_85] : memref<96x120xi32, #tpu.memory_space<vmem>> -> memref<1x120xi32, #tpu.memory_space<vmem>>
        %dma_wait3A_87 = tpu.memref_squeeze %dma_wait3A_86 : memref<1x120xi32, #tpu.memory_space<vmem>> -> memref<120xi32, #tpu.memory_space<vmem>>
        %dma_wait3A_88 = arith.constant 0 : i32
        %dma_wait3A_89 = arith.constant 0 : i32
        %dma_wait3A_90 = tpu.memref_slice %arg11[%dma_wait3A_88, %dma_wait3A_89] : memref<10112x64xf32, #tpu.memory_space<vmem_shared>> -> memref<10112x64xf32, #tpu.memory_space<vmem_shared>>
        tpu.wait_indirect_dma semaphore(%run_scoped3A : memref<!tpu.dma_semaphore, #tpu.memory_space<semaphore_mem>>) src(%arg10 : memref<120x64xf32, #tpu.memory_space<vmem>>) dst(%dma_wait3A_90 : memref<10112x64xf32, #tpu.memory_space<vmem_shared>>)
        tpu.yield
      }) : () -> ()
    }
    %scan3A_26 = arith.constant 72 : i32
    %eq3A = arith.constant 0 : i32
    %eq3A_27 = arith.cmpi eq, %arg0, %eq3A : i32
    %convert_element_type3A = arith.extui %eq3A_27 : i1 to i32
    %cond3A = arith.constant 0 : i32
    %cond3A_28 = arith.cmpi ne, %convert_element_type3A, %cond3A : i32
    scf.if %cond3A_28 {
      %scan3A_68 = arith.constant 0 : i32
      %scan3A_69 = arith.constant 72 : i32
      %scan3A_70 = arith.constant 24 : i32
      %scan3A_71 = arith.addi %scan3A_69, %scan3A_70 : i32
      %scan3A_72 = arith.constant 1 : i32
      scf.for %scan3A_74 = %scan3A_69 to %scan3A_71 step %scan3A_72  : i32 {
        %dma_start3A = arith.constant 0 : i32
        %dma_start3A_75 = tpu.memref_slice %arg8[%scan3A_74, %dma_start3A] : memref<96x120xi32, #tpu.memory_space<vmem>> -> memref<1x120xi32, #tpu.memory_space<vmem>>
        %dma_start3A_76 = tpu.memref_squeeze %dma_start3A_75 : memref<1x120xi32, #tpu.memory_space<vmem>> -> memref<120xi32, #tpu.memory_space<vmem>>
        %dma_start3A_77 = arith.constant 0 : i32
        %dma_start3A_78 = arith.constant 0 : i32
        %dma_start3A_79 = tpu.memref_slice %arg2[%dma_start3A_77, %dma_start3A_78] : memref<10000x64xf32, #tpu.memory_space<hbm>> -> memref<10000x64xf32, #tpu.memory_space<hbm>>
        tpu.enqueue_indirect_dma source(%dma_start3A_79 : memref<10000x64xf32, #tpu.memory_space<hbm>>) target(%arg10 : memref<120x64xf32, #tpu.memory_space<vmem>>) offsets(%dma_start3A_76 : memref<120xi32, #tpu.memory_space<vmem>>) semaphore(%arg12 : memref<!tpu.dma_semaphore, #tpu.memory_space<semaphore_mem>>)
        %dma_wait3A = arith.constant 0 : i32
        %dma_wait3A_80 = tpu.memref_slice %arg8[%scan3A_74, %dma_wait3A] : memref<96x120xi32, #tpu.memory_space<vmem>> -> memref<1x120xi32, #tpu.memory_space<vmem>>
        %dma_wait3A_81 = tpu.memref_squeeze %dma_wait3A_80 : memref<1x120xi32, #tpu.memory_space<vmem>> -> memref<120xi32, #tpu.memory_space<vmem>>
        %dma_wait3A_82 = arith.constant 0 : i32
        %dma_wait3A_83 = arith.constant 0 : i32
        %dma_wait3A_84 = tpu.memref_slice %arg2[%dma_wait3A_82, %dma_wait3A_83] : memref<10000x64xf32, #tpu.memory_space<hbm>> -> memref<10000x64xf32, #tpu.memory_space<hbm>>
        tpu.wait_indirect_dma semaphore(%arg12 : memref<!tpu.dma_semaphore, #tpu.memory_space<semaphore_mem>>) src(%dma_wait3A_84 : memref<10000x64xf32, #tpu.memory_space<hbm>>) dst(%arg10 : memref<120x64xf32, #tpu.memory_space<vmem>>)
        "tpu.region"() ({
          %run_scoped3A = tpu.sem_alloc : memref<!tpu.dma_semaphore, #tpu.memory_space<semaphore_mem>>
          %dma_start3A_85 = arith.constant 0 : i32
          %dma_start3A_86 = tpu.memref_slice %arg9[%scan3A_74, %dma_start3A_85] : memref<96x120xi32, #tpu.memory_space<vmem>> -> memref<1x120xi32, #tpu.memory_space<vmem>>
          %dma_start3A_87 = tpu.memref_squeeze %dma_start3A_86 : memref<1x120xi32, #tpu.memory_space<vmem>> -> memref<120xi32, #tpu.memory_space<vmem>>
          %dma_start3A_88 = arith.constant 0 : i32
          %dma_start3A_89 = arith.constant 0 : i32
          %dma_start3A_90 = tpu.memref_slice %arg11[%dma_start3A_88, %dma_start3A_89] : memref<10112x64xf32, #tpu.memory_space<vmem_shared>> -> memref<10112x64xf32, #tpu.memory_space<vmem_shared>>
          tpu.enqueue_indirect_dma source(%arg10 : memref<120x64xf32, #tpu.memory_space<vmem>>) target(%dma_start3A_90 : memref<10112x64xf32, #tpu.memory_space<vmem_shared>>) offsets(%dma_start3A_87 : memref<120xi32, #tpu.memory_space<vmem>>) semaphore(%run_scoped3A : memref<!tpu.dma_semaphore, #tpu.memory_space<semaphore_mem>>) {add = true}
          %dma_wait3A_91 = arith.constant 0 : i32
          %dma_wait3A_92 = tpu.memref_slice %arg9[%scan3A_74, %dma_wait3A_91] : memref<96x120xi32, #tpu.memory_space<vmem>> -> memref<1x120xi32, #tpu.memory_space<vmem>>
          %dma_wait3A_93 = tpu.memref_squeeze %dma_wait3A_92 : memref<1x120xi32, #tpu.memory_space<vmem>> -> memref<120xi32, #tpu.memory_space<vmem>>
          %dma_wait3A_94 = arith.constant 0 : i32
          %dma_wait3A_95 = arith.constant 0 : i32
          %dma_wait3A_96 = tpu.memref_slice %arg11[%dma_wait3A_94, %dma_wait3A_95] : memref<10112x64xf32, #tpu.memory_space<vmem_shared>> -> memref<10112x64xf32, #tpu.memory_space<vmem_shared>>
          tpu.wait_indirect_dma semaphore(%run_scoped3A : memref<!tpu.dma_semaphore, #tpu.memory_space<semaphore_mem>>) src(%arg10 : memref<120x64xf32, #tpu.memory_space<vmem>>) dst(%dma_wait3A_96 : memref<10112x64xf32, #tpu.memory_space<vmem_shared>>)
          tpu.yield
        }) : () -> ()
      }
      %scan3A_73 = arith.constant 24 : i32
    } else {
    }
    %barrier3A_29 = arith.constant 0 : index
    tpu.barrier barrier_id(%barrier3A_29)
    %mul3A_30 = arith.constant 10112 : i32
    %mul3A_31 = arith.muli %arg0, %mul3A_30 : i32
    %add3A_32 = arith.addi %mul3A_31, %mul3A_3 : i32
    "tpu.region"() ({
      %run_scoped3A = tpu.sem_alloc : memref<!tpu.dma_semaphore, #tpu.memory_space<semaphore_mem>>
      %dma_start3A = arith.constant 0 : i32
      %dma_start3A_68 = tpu.memref_slice %arg6[%add3A_32, %dma_start3A] : memref<20224x64xf32, #tpu.memory_space<hbm>> -> memref<632x64xf32, #tpu.memory_space<hbm>>
      %dma_start3A_69 = arith.constant 0 : i32
      %dma_start3A_70 = tpu.memref_slice %arg11[%mul3A_3, %dma_start3A_69] : memref<10112x64xf32, #tpu.memory_space<vmem_shared>> -> memref<632x64xf32, #tpu.memory_space<vmem_shared>>
      tpu.enqueue_dma source(%dma_start3A_70 : memref<632x64xf32, #tpu.memory_space<vmem_shared>>) target(%dma_start3A_68 : memref<632x64xf32, #tpu.memory_space<hbm>>) target_semaphore(%run_scoped3A : memref<!tpu.dma_semaphore, #tpu.memory_space<semaphore_mem>>)
      %dma_wait3A = arith.constant 0 : i32
      %dma_wait3A_71 = tpu.memref_slice %arg6[%add3A_32, %dma_wait3A] : memref<20224x64xf32, #tpu.memory_space<hbm>> -> memref<632x64xf32, #tpu.memory_space<hbm>>
      %dma_wait3A_72 = arith.constant 0 : i32
      %dma_wait3A_73 = tpu.memref_slice %arg11[%mul3A_3, %dma_wait3A_72] : memref<10112x64xf32, #tpu.memory_space<vmem_shared>> -> memref<632x64xf32, #tpu.memory_space<vmem_shared>>
      tpu.wait_dma2 semaphore(%run_scoped3A : memref<!tpu.dma_semaphore, #tpu.memory_space<semaphore_mem>>) src(%dma_wait3A_73 : memref<632x64xf32, #tpu.memory_space<vmem_shared>>) dst(%dma_wait3A_71 : memref<632x64xf32, #tpu.memory_space<hbm>>)
      tpu.yield
    }) : () -> ()
    %barrier3A_33 = arith.constant 0 : index
    tpu.barrier barrier_id(%barrier3A_33)
    %scan3A_34 = arith.constant 0 : i32
    %scan3A_35 = arith.constant 0 : i32
    %scan3A_36 = arith.constant 120 : i32
    %scan3A_37 = arith.addi %scan3A_35, %scan3A_36 : i32
    %scan3A_38 = arith.constant 1 : i32
    scf.for %scan3A_68 = %scan3A_35 to %scan3A_37 step %scan3A_38  : i32 {
      %swap3A = arith.index_cast %scan3A_68 : i32 to index
      %swap3A_69 = arith.constant 0 : index
      %swap3A_70 = tpu.vector_load %arg10[%swap3A, %swap3A_69] {strides = array<i32>} : memref<120x64xf32, #tpu.memory_space<vmem>>, vector<16xf32>,
      tpu.vector_store %arg10[%swap3A, %swap3A_69], %broadcast_in_dim3A_1 {strides = array<i32>} : memref<120x64xf32, #tpu.memory_space<vmem>>, vector<16xf32>,
      %swap3A_71 = arith.index_cast %scan3A_68 : i32 to index
      %swap3A_72 = arith.constant 16 : index
      %swap3A_73 = tpu.vector_load %arg10[%swap3A_71, %swap3A_72] {strides = array<i32>} : memref<120x64xf32, #tpu.memory_space<vmem>>, vector<16xf32>,
      tpu.vector_store %arg10[%swap3A_71, %swap3A_72], %broadcast_in_dim3A_1 {strides = array<i32>} : memref<120x64xf32, #tpu.memory_space<vmem>>, vector<16xf32>,
      %swap3A_74 = arith.index_cast %scan3A_68 : i32 to index
      %swap3A_75 = arith.constant 32 : index
      %swap3A_76 = tpu.vector_load %arg10[%swap3A_74, %swap3A_75] {strides = array<i32>} : memref<120x64xf32, #tpu.memory_space<vmem>>, vector<16xf32>,
      tpu.vector_store %arg10[%swap3A_74, %swap3A_75], %broadcast_in_dim3A_1 {strides = array<i32>} : memref<120x64xf32, #tpu.memory_space<vmem>>, vector<16xf32>,
      %swap3A_77 = arith.index_cast %scan3A_68 : i32 to index
      %swap3A_78 = arith.constant 48 : index
      %swap3A_79 = tpu.vector_load %arg10[%swap3A_77, %swap3A_78] {strides = array<i32>} : memref<120x64xf32, #tpu.memory_space<vmem>>, vector<16xf32>,
      tpu.vector_store %arg10[%swap3A_77, %swap3A_78], %broadcast_in_dim3A_1 {strides = array<i32>} : memref<120x64xf32, #tpu.memory_space<vmem>>, vector<16xf32>,
    }
    %scan3A_39 = arith.constant 120 : i32
    %add3A_40 = arith.constant 0 : i32
    %add3A_41 = arith.addi %mul3A_3, %add3A_40 : i32
    "tpu.region"() ({
      %run_scoped3A = tpu.sem_alloc : memref<!tpu.dma_semaphore, #tpu.memory_space<semaphore_mem>>
      %dma_start3A = arith.constant 0 : i32
      %dma_start3A_68 = tpu.memref_slice %arg11[%add3A_41, %dma_start3A] : memref<10112x64xf32, #tpu.memory_space<vmem_shared>> -> memref<120x64xf32, #tpu.memory_space<vmem_shared>>
      %dma_start3A_69 = arith.constant 0 : i32
      %dma_start3A_70 = tpu.memref_slice %arg11[%add3A_41, %dma_start3A_69] : memref<10112x64xf32, #tpu.memory_space<vmem_shared>> -> memref<120x64xf32, #tpu.memory_space<vmem_shared>>
      tpu.enqueue_dma source(%arg10 : memref<120x64xf32, #tpu.memory_space<vmem>>) target(%dma_start3A_70 : memref<120x64xf32, #tpu.memory_space<vmem_shared>>) target_semaphore(%run_scoped3A : memref<!tpu.dma_semaphore, #tpu.memory_space<semaphore_mem>>)
      %dma_wait3A = arith.constant 0 : i32
      %dma_wait3A_71 = tpu.memref_slice %arg11[%add3A_41, %dma_wait3A] : memref<10112x64xf32, #tpu.memory_space<vmem_shared>> -> memref<120x64xf32, #tpu.memory_space<vmem_shared>>
      %dma_wait3A_72 = arith.constant 0 : i32
      %dma_wait3A_73 = tpu.memref_slice %arg11[%add3A_41, %dma_wait3A_72] : memref<10112x64xf32, #tpu.memory_space<vmem_shared>> -> memref<120x64xf32, #tpu.memory_space<vmem_shared>>
      tpu.wait_dma2 semaphore(%run_scoped3A : memref<!tpu.dma_semaphore, #tpu.memory_space<semaphore_mem>>) src(%arg10 : memref<120x64xf32, #tpu.memory_space<vmem>>) dst(%dma_wait3A_73 : memref<120x64xf32, #tpu.memory_space<vmem_shared>>)
      tpu.yield
    }) : () -> ()
    %add3A_42 = arith.constant 120 : i32
    %add3A_43 = arith.addi %mul3A_3, %add3A_42 : i32
    "tpu.region"() ({
      %run_scoped3A = tpu.sem_alloc : memref<!tpu.dma_semaphore, #tpu.memory_space<semaphore_mem>>
      %dma_start3A = arith.constant 0 : i32
      %dma_start3A_68 = tpu.memref_slice %arg11[%add3A_43, %dma_start3A] : memref<10112x64xf32, #tpu.memory_space<vmem_shared>> -> memref<120x64xf32, #tpu.memory_space<vmem_shared>>
      %dma_start3A_69 = arith.constant 0 : i32
      %dma_start3A_70 = tpu.memref_slice %arg11[%add3A_43, %dma_start3A_69] : memref<10112x64xf32, #tpu.memory_space<vmem_shared>> -> memref<120x64xf32, #tpu.memory_space<vmem_shared>>
      tpu.enqueue_dma source(%arg10 : memref<120x64xf32, #tpu.memory_space<vmem>>) target(%dma_start3A_70 : memref<120x64xf32, #tpu.memory_space<vmem_shared>>) target_semaphore(%run_scoped3A : memref<!tpu.dma_semaphore, #tpu.memory_space<semaphore_mem>>)
      %dma_wait3A = arith.constant 0 : i32
      %dma_wait3A_71 = tpu.memref_slice %arg11[%add3A_43, %dma_wait3A] : memref<10112x64xf32, #tpu.memory_space<vmem_shared>> -> memref<120x64xf32, #tpu.memory_space<vmem_shared>>
      %dma_wait3A_72 = arith.constant 0 : i32
      %dma_wait3A_73 = tpu.memref_slice %arg11[%add3A_43, %dma_wait3A_72] : memref<10112x64xf32, #tpu.memory_space<vmem_shared>> -> memref<120x64xf32, #tpu.memory_space<vmem_shared>>
      tpu.wait_dma2 semaphore(%run_scoped3A : memref<!tpu.dma_semaphore, #tpu.memory_space<semaphore_mem>>) src(%arg10 : memref<120x64xf32, #tpu.memory_space<vmem>>) dst(%dma_wait3A_73 : memref<120x64xf32, #tpu.memory_space<vmem_shared>>)
      tpu.yield
    }) : () -> ()
    %add3A_44 = arith.constant 240 : i32
    %add3A_45 = arith.addi %mul3A_3, %add3A_44 : i32
    "tpu.region"() ({
      %run_scoped3A = tpu.sem_alloc : memref<!tpu.dma_semaphore, #tpu.memory_space<semaphore_mem>>
      %dma_start3A = arith.constant 0 : i32
      %dma_start3A_68 = tpu.memref_slice %arg11[%add3A_45, %dma_start3A] : memref<10112x64xf32, #tpu.memory_space<vmem_shared>> -> memref<120x64xf32, #tpu.memory_space<vmem_shared>>
      %dma_start3A_69 = arith.constant 0 : i32
      %dma_start3A_70 = tpu.memref_slice %arg11[%add3A_45, %dma_start3A_69] : memref<10112x64xf32, #tpu.memory_space<vmem_shared>> -> memref<120x64xf32, #tpu.memory_space<vmem_shared>>
      tpu.enqueue_dma source(%arg10 : memref<120x64xf32, #tpu.memory_space<vmem>>) target(%dma_start3A_70 : memref<120x64xf32, #tpu.memory_space<vmem_shared>>) target_semaphore(%run_scoped3A : memref<!tpu.dma_semaphore, #tpu.memory_space<semaphore_mem>>)
      %dma_wait3A = arith.constant 0 : i32
      %dma_wait3A_71 = tpu.memref_slice %arg11[%add3A_45, %dma_wait3A] : memref<10112x64xf32, #tpu.memory_space<vmem_shared>> -> memref<120x64xf32, #tpu.memory_space<vmem_shared>>
      %dma_wait3A_72 = arith.constant 0 : i32
      %dma_wait3A_73 = tpu.memref_slice %arg11[%add3A_45, %dma_wait3A_72] : memref<10112x64xf32, #tpu.memory_space<vmem_shared>> -> memref<120x64xf32, #tpu.memory_space<vmem_shared>>
      tpu.wait_dma2 semaphore(%run_scoped3A : memref<!tpu.dma_semaphore, #tpu.memory_space<semaphore_mem>>) src(%arg10 : memref<120x64xf32, #tpu.memory_space<vmem>>) dst(%dma_wait3A_73 : memref<120x64xf32, #tpu.memory_space<vmem_shared>>)
      tpu.yield
    }) : () -> ()
    %add3A_46 = arith.constant 360 : i32
    %add3A_47 = arith.addi %mul3A_3, %add3A_46 : i32
    "tpu.region"() ({
      %run_scoped3A = tpu.sem_alloc : memref<!tpu.dma_semaphore, #tpu.memory_space<semaphore_mem>>
      %dma_start3A = arith.constant 0 : i32
      %dma_start3A_68 = tpu.memref_slice %arg11[%add3A_47, %dma_start3A] : memref<10112x64xf32, #tpu.memory_space<vmem_shared>> -> memref<120x64xf32, #tpu.memory_space<vmem_shared>>
      %dma_start3A_69 = arith.constant 0 : i32
      %dma_start3A_70 = tpu.memref_slice %arg11[%add3A_47, %dma_start3A_69] : memref<10112x64xf32, #tpu.memory_space<vmem_shared>> -> memref<120x64xf32, #tpu.memory_space<vmem_shared>>
      tpu.enqueue_dma source(%arg10 : memref<120x64xf32, #tpu.memory_space<vmem>>) target(%dma_start3A_70 : memref<120x64xf32, #tpu.memory_space<vmem_shared>>) target_semaphore(%run_scoped3A : memref<!tpu.dma_semaphore, #tpu.memory_space<semaphore_mem>>)
      %dma_wait3A = arith.constant 0 : i32
      %dma_wait3A_71 = tpu.memref_slice %arg11[%add3A_47, %dma_wait3A] : memref<10112x64xf32, #tpu.memory_space<vmem_shared>> -> memref<120x64xf32, #tpu.memory_space<vmem_shared>>
      %dma_wait3A_72 = arith.constant 0 : i32
      %dma_wait3A_73 = tpu.memref_slice %arg11[%add3A_47, %dma_wait3A_72] : memref<10112x64xf32, #tpu.memory_space<vmem_shared>> -> memref<120x64xf32, #tpu.memory_space<vmem_shared>>
      tpu.wait_dma2 semaphore(%run_scoped3A : memref<!tpu.dma_semaphore, #tpu.memory_space<semaphore_mem>>) src(%arg10 : memref<120x64xf32, #tpu.memory_space<vmem>>) dst(%dma_wait3A_73 : memref<120x64xf32, #tpu.memory_space<vmem_shared>>)
      tpu.yield
    }) : () -> ()
    %add3A_48 = arith.constant 480 : i32
    %add3A_49 = arith.addi %mul3A_3, %add3A_48 : i32
    "tpu.region"() ({
      %run_scoped3A = tpu.sem_alloc : memref<!tpu.dma_semaphore, #tpu.memory_space<semaphore_mem>>
      %dma_start3A = arith.constant 0 : i32
      %dma_start3A_68 = tpu.memref_slice %arg11[%add3A_49, %dma_start3A] : memref<10112x64xf32, #tpu.memory_space<vmem_shared>> -> memref<120x64xf32, #tpu.memory_space<vmem_shared>>
      %dma_start3A_69 = arith.constant 0 : i32
      %dma_start3A_70 = tpu.memref_slice %arg11[%add3A_49, %dma_start3A_69] : memref<10112x64xf32, #tpu.memory_space<vmem_shared>> -> memref<120x64xf32, #tpu.memory_space<vmem_shared>>
      tpu.enqueue_dma source(%arg10 : memref<120x64xf32, #tpu.memory_space<vmem>>) target(%dma_start3A_70 : memref<120x64xf32, #tpu.memory_space<vmem_shared>>) target_semaphore(%run_scoped3A : memref<!tpu.dma_semaphore, #tpu.memory_space<semaphore_mem>>)
      %dma_wait3A = arith.constant 0 : i32
      %dma_wait3A_71 = tpu.memref_slice %arg11[%add3A_49, %dma_wait3A] : memref<10112x64xf32, #tpu.memory_space<vmem_shared>> -> memref<120x64xf32, #tpu.memory_space<vmem_shared>>
      %dma_wait3A_72 = arith.constant 0 : i32
      %dma_wait3A_73 = tpu.memref_slice %arg11[%add3A_49, %dma_wait3A_72] : memref<10112x64xf32, #tpu.memory_space<vmem_shared>> -> memref<120x64xf32, #tpu.memory_space<vmem_shared>>
      tpu.wait_dma2 semaphore(%run_scoped3A : memref<!tpu.dma_semaphore, #tpu.memory_space<semaphore_mem>>) src(%arg10 : memref<120x64xf32, #tpu.memory_space<vmem>>) dst(%dma_wait3A_73 : memref<120x64xf32, #tpu.memory_space<vmem_shared>>)
      tpu.yield
    }) : () -> ()
    %add3A_50 = arith.constant 600 : i32
    %add3A_51 = arith.addi %mul3A_3, %add3A_50 : i32
    "tpu.region"() ({
      %run_scoped3A = tpu.sem_alloc : memref<!tpu.dma_semaphore, #tpu.memory_space<semaphore_mem>>
      %dma_start3A = arith.constant 0 : i32
      %dma_start3A_68 = arith.constant 0 : i32
      %dma_start3A_69 = tpu.memref_slice %arg10[%dma_start3A, %dma_start3A_68] : memref<120x64xf32, #tpu.memory_space<vmem>> -> memref<32x64xf32, #tpu.memory_space<vmem>>
      %dma_start3A_70 = arith.constant 0 : i32
      %dma_start3A_71 = tpu.memref_slice %arg11[%add3A_51, %dma_start3A_70] : memref<10112x64xf32, #tpu.memory_space<vmem_shared>> -> memref<32x64xf32, #tpu.memory_space<vmem_shared>>
      %dma_start3A_72 = arith.constant 0 : i32
      %dma_start3A_73 = tpu.memref_slice %arg11[%add3A_51, %dma_start3A_72] : memref<10112x64xf32, #tpu.memory_space<vmem_shared>> -> memref<32x64xf32, #tpu.memory_space<vmem_shared>>
      %dma_start3A_74 = arith.constant 0 : i32
      %dma_start3A_75 = arith.constant 0 : i32
      %dma_start3A_76 = tpu.memref_slice %arg10[%dma_start3A_74, %dma_start3A_75] : memref<120x64xf32, #tpu.memory_space<vmem>> -> memref<32x64xf32, #tpu.memory_space<vmem>>
      tpu.enqueue_dma source(%dma_start3A_76 : memref<32x64xf32, #tpu.memory_space<vmem>>) target(%dma_start3A_73 : memref<32x64xf32, #tpu.memory_space<vmem_shared>>) target_semaphore(%run_scoped3A : memref<!tpu.dma_semaphore, #tpu.memory_space<semaphore_mem>>)
      %dma_wait3A = arith.constant 0 : i32
      %dma_wait3A_77 = arith.constant 0 : i32
      %dma_wait3A_78 = tpu.memref_slice %arg10[%dma_wait3A, %dma_wait3A_77] : memref<120x64xf32, #tpu.memory_space<vmem>> -> memref<32x64xf32, #tpu.memory_space<vmem>>
      %dma_wait3A_79 = arith.constant 0 : i32
      %dma_wait3A_80 = tpu.memref_slice %arg11[%add3A_51, %dma_wait3A_79] : memref<10112x64xf32, #tpu.memory_space<vmem_shared>> -> memref<32x64xf32, #tpu.memory_space<vmem_shared>>
      %dma_wait3A_81 = arith.constant 0 : i32
      %dma_wait3A_82 = tpu.memref_slice %arg11[%add3A_51, %dma_wait3A_81] : memref<10112x64xf32, #tpu.memory_space<vmem_shared>> -> memref<32x64xf32, #tpu.memory_space<vmem_shared>>
      %dma_wait3A_83 = arith.constant 0 : i32
      %dma_wait3A_84 = arith.constant 0 : i32
      %dma_wait3A_85 = tpu.memref_slice %arg10[%dma_wait3A_83, %dma_wait3A_84] : memref<120x64xf32, #tpu.memory_space<vmem>> -> memref<32x64xf32, #tpu.memory_space<vmem>>
      tpu.wait_dma2 semaphore(%run_scoped3A : memref<!tpu.dma_semaphore, #tpu.memory_space<semaphore_mem>>) src(%dma_wait3A_85 : memref<32x64xf32, #tpu.memory_space<vmem>>) dst(%dma_wait3A_82 : memref<32x64xf32, #tpu.memory_space<vmem_shared>>)
      tpu.yield
    }) : () -> ()
    %barrier3A_52 = arith.constant 0 : index
    tpu.barrier barrier_id(%barrier3A_52)
    %scan3A_53 = arith.constant 0 : i32
    %scan3A_54 = arith.constant 0 : i32
    %scan3A_55 = arith.constant 72 : i32
    %scan3A_56 = arith.addi %scan3A_54, %scan3A_55 : i32
    %scan3A_57 = arith.constant 1 : i32
    scf.for %scan3A_68 = %scan3A_54 to %scan3A_56 step %scan3A_57  : i32 {
      %dma_start3A = arith.constant 0 : i32
      %dma_start3A_69 = tpu.memref_slice %arg8[%scan3A_68, %dma_start3A] : memref<96x120xi32, #tpu.memory_space<vmem>> -> memref<1x120xi32, #tpu.memory_space<vmem>>
      %dma_start3A_70 = tpu.memref_squeeze %dma_start3A_69 : memref<1x120xi32, #tpu.memory_space<vmem>> -> memref<120xi32, #tpu.memory_space<vmem>>
      %dma_start3A_71 = arith.constant 0 : i32
      %dma_start3A_72 = arith.constant 0 : i32
      %dma_start3A_73 = tpu.memref_slice %arg3[%dma_start3A_71, %dma_start3A_72] : memref<10000x64xf32, #tpu.memory_space<hbm>> -> memref<10000x64xf32, #tpu.memory_space<hbm>>
      tpu.enqueue_indirect_dma source(%dma_start3A_73 : memref<10000x64xf32, #tpu.memory_space<hbm>>) target(%arg10 : memref<120x64xf32, #tpu.memory_space<vmem>>) offsets(%dma_start3A_70 : memref<120xi32, #tpu.memory_space<vmem>>) semaphore(%arg12 : memref<!tpu.dma_semaphore, #tpu.memory_space<semaphore_mem>>)
      %dma_wait3A = arith.constant 0 : i32
      %dma_wait3A_74 = tpu.memref_slice %arg8[%scan3A_68, %dma_wait3A] : memref<96x120xi32, #tpu.memory_space<vmem>> -> memref<1x120xi32, #tpu.memory_space<vmem>>
      %dma_wait3A_75 = tpu.memref_squeeze %dma_wait3A_74 : memref<1x120xi32, #tpu.memory_space<vmem>> -> memref<120xi32, #tpu.memory_space<vmem>>
      %dma_wait3A_76 = arith.constant 0 : i32
      %dma_wait3A_77 = arith.constant 0 : i32
      %dma_wait3A_78 = tpu.memref_slice %arg3[%dma_wait3A_76, %dma_wait3A_77] : memref<10000x64xf32, #tpu.memory_space<hbm>> -> memref<10000x64xf32, #tpu.memory_space<hbm>>
      tpu.wait_indirect_dma semaphore(%arg12 : memref<!tpu.dma_semaphore, #tpu.memory_space<semaphore_mem>>) src(%dma_wait3A_78 : memref<10000x64xf32, #tpu.memory_space<hbm>>) dst(%arg10 : memref<120x64xf32, #tpu.memory_space<vmem>>)
      "tpu.region"() ({
        %run_scoped3A = tpu.sem_alloc : memref<!tpu.dma_semaphore, #tpu.memory_space<semaphore_mem>>
        %dma_start3A_79 = arith.constant 0 : i32
        %dma_start3A_80 = tpu.memref_slice %arg9[%scan3A_68, %dma_start3A_79] : memref<96x120xi32, #tpu.memory_space<vmem>> -> memref<1x120xi32, #tpu.memory_space<vmem>>
        %dma_start3A_81 = tpu.memref_squeeze %dma_start3A_80 : memref<1x120xi32, #tpu.memory_space<vmem>> -> memref<120xi32, #tpu.memory_space<vmem>>
        %dma_start3A_82 = arith.constant 0 : i32
        %dma_start3A_83 = arith.constant 0 : i32
        %dma_start3A_84 = tpu.memref_slice %arg11[%dma_start3A_82, %dma_start3A_83] : memref<10112x64xf32, #tpu.memory_space<vmem_shared>> -> memref<10112x64xf32, #tpu.memory_space<vmem_shared>>
        tpu.enqueue_indirect_dma source(%arg10 : memref<120x64xf32, #tpu.memory_space<vmem>>) target(%dma_start3A_84 : memref<10112x64xf32, #tpu.memory_space<vmem_shared>>) offsets(%dma_start3A_81 : memref<120xi32, #tpu.memory_space<vmem>>) semaphore(%run_scoped3A : memref<!tpu.dma_semaphore, #tpu.memory_space<semaphore_mem>>) {add = true}
        %dma_wait3A_85 = arith.constant 0 : i32
        %dma_wait3A_86 = tpu.memref_slice %arg9[%scan3A_68, %dma_wait3A_85] : memref<96x120xi32, #tpu.memory_space<vmem>> -> memref<1x120xi32, #tpu.memory_space<vmem>>
        %dma_wait3A_87 = tpu.memref_squeeze %dma_wait3A_86 : memref<1x120xi32, #tpu.memory_space<vmem>> -> memref<120xi32, #tpu.memory_space<vmem>>
        %dma_wait3A_88 = arith.constant 0 : i32
        %dma_wait3A_89 = arith.constant 0 : i32
        %dma_wait3A_90 = tpu.memref_slice %arg11[%dma_wait3A_88, %dma_wait3A_89] : memref<10112x64xf32, #tpu.memory_space<vmem_shared>> -> memref<10112x64xf32, #tpu.memory_space<vmem_shared>>
        tpu.wait_indirect_dma semaphore(%run_scoped3A : memref<!tpu.dma_semaphore, #tpu.memory_space<semaphore_mem>>) src(%arg10 : memref<120x64xf32, #tpu.memory_space<vmem>>) dst(%dma_wait3A_90 : memref<10112x64xf32, #tpu.memory_space<vmem_shared>>)
        tpu.yield
      }) : () -> ()
    }
    %scan3A_58 = arith.constant 72 : i32
    %eq3A_59 = arith.constant 0 : i32
    %eq3A_60 = arith.cmpi eq, %arg0, %eq3A_59 : i32
    %convert_element_type3A_61 = arith.extui %eq3A_60 : i1 to i32
    %cond3A_62 = arith.constant 0 : i32
    %cond3A_63 = arith.cmpi ne, %convert_element_type3A_61, %cond3A_62 : i32
    scf.if %cond3A_63 {
      %scan3A_68 = arith.constant 0 : i32
      %scan3A_69 = arith.constant 72 : i32
      %scan3A_70 = arith.constant 24 : i32
      %scan3A_71 = arith.addi %scan3A_69, %scan3A_70 : i32
      %scan3A_72 = arith.constant 1 : i32
      scf.for %scan3A_74 = %scan3A_69 to %scan3A_71 step %scan3A_72  : i32 {
        %dma_start3A = arith.constant 0 : i32
        %dma_start3A_75 = tpu.memref_slice %arg8[%scan3A_74, %dma_start3A] : memref<96x120xi32, #tpu.memory_space<vmem>> -> memref<1x120xi32, #tpu.memory_space<vmem>>
        %dma_start3A_76 = tpu.memref_squeeze %dma_start3A_75 : memref<1x120xi32, #tpu.memory_space<vmem>> -> memref<120xi32, #tpu.memory_space<vmem>>
        %dma_start3A_77 = arith.constant 0 : i32
        %dma_start3A_78 = arith.constant 0 : i32
        %dma_start3A_79 = tpu.memref_slice %arg3[%dma_start3A_77, %dma_start3A_78] : memref<10000x64xf32, #tpu.memory_space<hbm>> -> memref<10000x64xf32, #tpu.memory_space<hbm>>
        tpu.enqueue_indirect_dma source(%dma_start3A_79 : memref<10000x64xf32, #tpu.memory_space<hbm>>) target(%arg10 : memref<120x64xf32, #tpu.memory_space<vmem>>) offsets(%dma_start3A_76 : memref<120xi32, #tpu.memory_space<vmem>>) semaphore(%arg12 : memref<!tpu.dma_semaphore, #tpu.memory_space<semaphore_mem>>)
        %dma_wait3A = arith.constant 0 : i32
        %dma_wait3A_80 = tpu.memref_slice %arg8[%scan3A_74, %dma_wait3A] : memref<96x120xi32, #tpu.memory_space<vmem>> -> memref<1x120xi32, #tpu.memory_space<vmem>>
        %dma_wait3A_81 = tpu.memref_squeeze %dma_wait3A_80 : memref<1x120xi32, #tpu.memory_space<vmem>> -> memref<120xi32, #tpu.memory_space<vmem>>
        %dma_wait3A_82 = arith.constant 0 : i32
        %dma_wait3A_83 = arith.constant 0 : i32
        %dma_wait3A_84 = tpu.memref_slice %arg3[%dma_wait3A_82, %dma_wait3A_83] : memref<10000x64xf32, #tpu.memory_space<hbm>> -> memref<10000x64xf32, #tpu.memory_space<hbm>>
        tpu.wait_indirect_dma semaphore(%arg12 : memref<!tpu.dma_semaphore, #tpu.memory_space<semaphore_mem>>) src(%dma_wait3A_84 : memref<10000x64xf32, #tpu.memory_space<hbm>>) dst(%arg10 : memref<120x64xf32, #tpu.memory_space<vmem>>)
        "tpu.region"() ({
          %run_scoped3A = tpu.sem_alloc : memref<!tpu.dma_semaphore, #tpu.memory_space<semaphore_mem>>
          %dma_start3A_85 = arith.constant 0 : i32
          %dma_start3A_86 = tpu.memref_slice %arg9[%scan3A_74, %dma_start3A_85] : memref<96x120xi32, #tpu.memory_space<vmem>> -> memref<1x120xi32, #tpu.memory_space<vmem>>
          %dma_start3A_87 = tpu.memref_squeeze %dma_start3A_86 : memref<1x120xi32, #tpu.memory_space<vmem>> -> memref<120xi32, #tpu.memory_space<vmem>>
          %dma_start3A_88 = arith.constant 0 : i32
          %dma_start3A_89 = arith.constant 0 : i32
          %dma_start3A_90 = tpu.memref_slice %arg11[%dma_start3A_88, %dma_start3A_89] : memref<10112x64xf32, #tpu.memory_space<vmem_shared>> -> memref<10112x64xf32, #tpu.memory_space<vmem_shared>>
          tpu.enqueue_indirect_dma source(%arg10 : memref<120x64xf32, #tpu.memory_space<vmem>>) target(%dma_start3A_90 : memref<10112x64xf32, #tpu.memory_space<vmem_shared>>) offsets(%dma_start3A_87 : memref<120xi32, #tpu.memory_space<vmem>>) semaphore(%run_scoped3A : memref<!tpu.dma_semaphore, #tpu.memory_space<semaphore_mem>>) {add = true}
          %dma_wait3A_91 = arith.constant 0 : i32
          %dma_wait3A_92 = tpu.memref_slice %arg9[%scan3A_74, %dma_wait3A_91] : memref<96x120xi32, #tpu.memory_space<vmem>> -> memref<1x120xi32, #tpu.memory_space<vmem>>
          %dma_wait3A_93 = tpu.memref_squeeze %dma_wait3A_92 : memref<1x120xi32, #tpu.memory_space<vmem>> -> memref<120xi32, #tpu.memory_space<vmem>>
          %dma_wait3A_94 = arith.constant 0 : i32
          %dma_wait3A_95 = arith.constant 0 : i32
          %dma_wait3A_96 = tpu.memref_slice %arg11[%dma_wait3A_94, %dma_wait3A_95] : memref<10112x64xf32, #tpu.memory_space<vmem_shared>> -> memref<10112x64xf32, #tpu.memory_space<vmem_shared>>
          tpu.wait_indirect_dma semaphore(%run_scoped3A : memref<!tpu.dma_semaphore, #tpu.memory_space<semaphore_mem>>) src(%arg10 : memref<120x64xf32, #tpu.memory_space<vmem>>) dst(%dma_wait3A_96 : memref<10112x64xf32, #tpu.memory_space<vmem_shared>>)
          tpu.yield
        }) : () -> ()
      }
      %scan3A_73 = arith.constant 24 : i32
    } else {
    }
    %barrier3A_64 = arith.constant 0 : index
    tpu.barrier barrier_id(%barrier3A_64)
    %mul3A_65 = arith.constant 10112 : i32
    %mul3A_66 = arith.muli %arg0, %mul3A_65 : i32
    %add3A_67 = arith.addi %mul3A_66, %mul3A_3 : i32
    "tpu.region"() ({
      %run_scoped3A = tpu.sem_alloc : memref<!tpu.dma_semaphore, #tpu.memory_space<semaphore_mem>>
      %dma_start3A = arith.constant 0 : i32
      %dma_start3A_68 = tpu.memref_slice %arg7[%add3A_67, %dma_start3A] : memref<20224x64xf32, #tpu.memory_space<hbm>> -> memref<632x64xf32, #tpu.memory_space<hbm>>
      %dma_start3A_69 = arith.constant 0 : i32
      %dma_start3A_70 = tpu.memref_slice %arg11[%mul3A_3, %dma_start3A_69] : memref<10112x64xf32, #tpu.memory_space<vmem_shared>> -> memref<632x64xf32, #tpu.memory_space<vmem_shared>>
      tpu.enqueue_dma source(%dma_start3A_70 : memref<632x64xf32, #tpu.memory_space<vmem_shared>>) target(%dma_start3A_68 : memref<632x64xf32, #tpu.memory_space<hbm>>) target_semaphore(%run_scoped3A : memref<!tpu.dma_semaphore, #tpu.memory_space<semaphore_mem>>)
      %dma_wait3A = arith.constant 0 : i32
      %dma_wait3A_71 = tpu.memref_slice %arg7[%add3A_67, %dma_wait3A] : memref<20224x64xf32, #tpu.memory_space<hbm>> -> memref<632x64xf32, #tpu.memory_space<hbm>>
      %dma_wait3A_72 = arith.constant 0 : i32
      %dma_wait3A_73 = tpu.memref_slice %arg11[%mul3A_3, %dma_wait3A_72] : memref<10112x64xf32, #tpu.memory_space<vmem_shared>> -> memref<632x64xf32, #tpu.memory_space<vmem_shared>>
      tpu.wait_dma2 semaphore(%run_scoped3A : memref<!tpu.dma_semaphore, #tpu.memory_space<semaphore_mem>>) src(%dma_wait3A_73 : memref<632x64xf32, #tpu.memory_space<vmem_shared>>) dst(%dma_wait3A_71 : memref<632x64xf32, #tpu.memory_space<hbm>>)
      tpu.yield
    }) : () -> ()
    return
  }
}

module attributes {stable_mosaic.version = 14 : i64} {
  func.func @_tc_a_body(%arg0: memref<32x10112xf32, #tpu.memory_space<vmem>>, %arg1: memref<10000x128xf32, #tpu.memory_space<vmem>>, %arg2: memref<128x128xf32, #tpu.memory_space<vmem>>, %arg3: memref<10000x64xf32, #tpu.memory_space<vmem>>, %arg4: memref<10000x64xf32, #tpu.memory_space<vmem>>, %arg5: memref<10000xf32, #tpu.memory_space<vmem>>) attributes {dimension_semantics = [], scalar_prefetch = 0 : i64, scratch_operands = 0 : i64, tpu.core_type = #tpu.core_type<tc>} {
    %get3A = arith.constant 0 : index
    %get3A_0 = arith.constant 0 : index
    %get3A_1 = vector.load %arg0[%get3A, %get3A_0] : memref<32x10112xf32, #tpu.memory_space<vmem>>, vector<32x10112xf32>
    %reduce_sum3A = arith.constant dense<0.000000e+00> : vector<10112xf32>
    %reduce_sum3A_2 = vector.multi_reduction <add>, %get3A_1, %reduce_sum3A [0] : vector<32x10112xf32> to vector<10112xf32>
    %slice3A = vector.extract_strided_slice %reduce_sum3A_2 {offsets = [0], sizes = [10000], strides = [1]} : vector<10112xf32> to vector<10000xf32>
    %add3A = arith.constant 1.000000e+00 : f32
    %add3A_3 = vector.broadcast %add3A : f32 to vector<10000xf32>
    %add3A_4 = arith.addf %slice3A, %add3A_3 : vector<10000xf32>
    %rsqrt3A = math.rsqrt %add3A_4 : vector<10000xf32>
    %swap3A = arith.constant 0 : index
    %swap3A_5 = vector.load %arg5[%swap3A] : memref<10000xf32, #tpu.memory_space<vmem>>, vector<10000xf32>
    tpu.vector_store %arg5[%swap3A], %rsqrt3A {strides = array<i32>} : memref<10000xf32, #tpu.memory_space<vmem>>, vector<10000xf32>,
    %get3A_6 = arith.constant 0 : index
    %get3A_7 = arith.constant 0 : index
    %get3A_8 = vector.load %arg1[%get3A_6, %get3A_7] : memref<10000x128xf32, #tpu.memory_space<vmem>>, vector<10000x128xf32>
    %get3A_9 = arith.constant 0 : index
    %get3A_10 = arith.constant 0 : index
    %get3A_11 = vector.load %arg2[%get3A_9, %get3A_10] : memref<128x128xf32, #tpu.memory_space<vmem>>, vector<128x128xf32>
    %dot_general3A = arith.constant dense<0.000000e+00> : vector<10000x128xf32>
    %dot_general3A_12 = tpu.matmul %get3A_8, %get3A_11, %dot_general3A {dimension_numbers = #tpu.dot_dimension_numbers<[1], [0], [0], [1], [0, 0, 1, 1], [], []>, transpose_lhs_hint = false} : vector<10000x128xf32>, vector<128x128xf32>, vector<10000x128xf32> -> vector<10000x128xf32>
    %broadcast_in_dim3A = vector.shape_cast %rsqrt3A : vector<10000xf32> to vector<10000x1xf32>
    %mul3A = vector.broadcast %broadcast_in_dim3A : vector<10000x1xf32> to vector<10000x128xf32>
    %mul3A_13 = arith.mulf %dot_general3A_12, %mul3A : vector<10000x128xf32>
    %slice3A_14 = vector.extract_strided_slice %mul3A_13 {offsets = [0, 0], sizes = [10000, 64], strides = [1, 1]} : vector<10000x128xf32> to vector<10000x64xf32>
    %swap3A_15 = arith.constant 0 : index
    %swap3A_16 = arith.constant 0 : index
    %swap3A_17 = vector.load %arg3[%swap3A_15, %swap3A_16] : memref<10000x64xf32, #tpu.memory_space<vmem>>, vector<10000x64xf32>
    tpu.vector_store %arg3[%swap3A_15, %swap3A_16], %slice3A_14 {strides = array<i32>} : memref<10000x64xf32, #tpu.memory_space<vmem>>, vector<10000x64xf32>,
    %slice3A_18 = vector.extract_strided_slice %mul3A_13 {offsets = [0, 64], sizes = [10000, 64], strides = [1, 1]} : vector<10000x128xf32> to vector<10000x64xf32>
    %swap3A_19 = arith.constant 0 : index
    %swap3A_20 = arith.constant 0 : index
    %swap3A_21 = vector.load %arg4[%swap3A_19, %swap3A_20] : memref<10000x64xf32, #tpu.memory_space<vmem>>, vector<10000x64xf32>
    tpu.vector_store %arg4[%swap3A_19, %swap3A_20], %slice3A_18 {strides = array<i32>} : memref<10000x64xf32, #tpu.memory_space<vmem>>, vector<10000x64xf32>,
    return
  }
}

module attributes {stable_mosaic.version = 14 : i64} {
  func.func @_tc_b_body(%arg0: memref<20224x64xf32, #tpu.memory_space<vmem>>, %arg1: memref<20224x64xf32, #tpu.memory_space<vmem>>, %arg2: memref<10000x64xf32, #tpu.memory_space<vmem>>, %arg3: memref<10000x64xf32, #tpu.memory_space<vmem>>, %arg4: memref<10000xf32, #tpu.memory_space<vmem>>, %arg5: memref<128x128xf32, #tpu.memory_space<vmem>>, %arg6: memref<128xf32, #tpu.memory_space<vmem>>, %arg7: memref<10000x64xf32, #tpu.memory_space<vmem>>, %arg8: memref<10000x64xf32, #tpu.memory_space<vmem>>) attributes {dimension_semantics = [], scalar_prefetch = 0 : i64, scratch_operands = 0 : i64, tpu.core_type = #tpu.core_type<tc>} {
    %get3A = arith.constant 0 : index
    %get3A_0 = vector.load %arg4[%get3A] : memref<10000xf32, #tpu.memory_space<vmem>>, vector<10000xf32>
    %get3A_1 = arith.constant 0 : index
    %get3A_2 = arith.constant 0 : index
    %get3A_3 = vector.load %arg0[%get3A_1, %get3A_2] : memref<20224x64xf32, #tpu.memory_space<vmem>>, vector<10000x64xf32>
    %get3A_4 = arith.constant 10112 : index
    %get3A_5 = arith.constant 0 : index
    %get3A_6 = vector.load %arg0[%get3A_4, %get3A_5] : memref<20224x64xf32, #tpu.memory_space<vmem>>, vector<10000x64xf32>
    %add3A = arith.addf %get3A_3, %get3A_6 : vector<10000x64xf32>
    %get3A_7 = arith.constant 0 : index
    %get3A_8 = arith.constant 0 : index
    %get3A_9 = vector.load %arg2[%get3A_7, %get3A_8] : memref<10000x64xf32, #tpu.memory_space<vmem>>, vector<10000x64xf32>
    %add3A_10 = arith.addf %add3A, %get3A_9 : vector<10000x64xf32>
    %get3A_11 = arith.constant 0 : index
    %get3A_12 = arith.constant 0 : index
    %get3A_13 = vector.load %arg1[%get3A_11, %get3A_12] : memref<20224x64xf32, #tpu.memory_space<vmem>>, vector<10000x64xf32>
    %get3A_14 = arith.constant 10112 : index
    %get3A_15 = arith.constant 0 : index
    %get3A_16 = vector.load %arg1[%get3A_14, %get3A_15] : memref<20224x64xf32, #tpu.memory_space<vmem>>, vector<10000x64xf32>
    %add3A_17 = arith.addf %get3A_13, %get3A_16 : vector<10000x64xf32>
    %get3A_18 = arith.constant 0 : index
    %get3A_19 = arith.constant 0 : index
    %get3A_20 = vector.load %arg3[%get3A_18, %get3A_19] : memref<10000x64xf32, #tpu.memory_space<vmem>>, vector<10000x64xf32>
    %add3A_21 = arith.addf %add3A_17, %get3A_20 : vector<10000x64xf32>
    %get3A_22 = arith.constant 0 : index
    %get3A_23 = vector.load %arg6[%get3A_22] : memref<128xf32, #tpu.memory_space<vmem>>, vector<128xf32>
    %broadcast_in_dim3A = vector.shape_cast %get3A_0 : vector<10000xf32> to vector<10000x1xf32>
    %mul3A = vector.broadcast %broadcast_in_dim3A : vector<10000x1xf32> to vector<10000x64xf32>
    %mul3A_24 = arith.mulf %add3A_10, %mul3A : vector<10000x64xf32>
    %slice3A = vector.extract_strided_slice %get3A_23 {offsets = [0], sizes = [64], strides = [1]} : vector<128xf32> to vector<64xf32>
    %broadcast_in_dim3A_25 = vector.shape_cast %slice3A : vector<64xf32> to vector<1x64xf32>
    %add3A_26 = vector.broadcast %broadcast_in_dim3A_25 : vector<1x64xf32> to vector<10000x64xf32>
    %add3A_27 = arith.addf %mul3A_24, %add3A_26 : vector<10000x64xf32>
    %max3A = arith.constant 0.000000e+00 : f32
    %max3A_28 = vector.broadcast %max3A : f32 to vector<10000x64xf32>
    %max3A_29 = arith.maximumf %add3A_27, %max3A_28 : vector<10000x64xf32>
    %broadcast_in_dim3A_30 = vector.shape_cast %get3A_0 : vector<10000xf32> to vector<10000x1xf32>
    %mul3A_31 = vector.broadcast %broadcast_in_dim3A_30 : vector<10000x1xf32> to vector<10000x64xf32>
    %mul3A_32 = arith.mulf %add3A_21, %mul3A_31 : vector<10000x64xf32>
    %slice3A_33 = vector.extract_strided_slice %get3A_23 {offsets = [64], sizes = [64], strides = [1]} : vector<128xf32> to vector<64xf32>
    %broadcast_in_dim3A_34 = vector.shape_cast %slice3A_33 : vector<64xf32> to vector<1x64xf32>
    %add3A_35 = vector.broadcast %broadcast_in_dim3A_34 : vector<1x64xf32> to vector<10000x64xf32>
    %add3A_36 = arith.addf %mul3A_32, %add3A_35 : vector<10000x64xf32>
    %max3A_37 = arith.constant 0.000000e+00 : f32
    %max3A_38 = vector.broadcast %max3A_37 : f32 to vector<10000x64xf32>
    %max3A_39 = arith.maximumf %add3A_36, %max3A_38 : vector<10000x64xf32>
    %get3A_40 = arith.constant 0 : index
    %get3A_41 = arith.constant 0 : index
    %get3A_42 = vector.load %arg5[%get3A_40, %get3A_41] : memref<128x128xf32, #tpu.memory_space<vmem>>, vector<64x128xf32>
    %dot_general3A = arith.constant dense<0.000000e+00> : vector<10000x128xf32>
    %dot_general3A_43 = tpu.matmul %max3A_29, %get3A_42, %dot_general3A {dimension_numbers = #tpu.dot_dimension_numbers<[1], [0], [0], [1], [0, 0, 1, 1], [], []>, transpose_lhs_hint = false} : vector<10000x64xf32>, vector<64x128xf32>, vector<10000x128xf32> -> vector<10000x128xf32>
    %get3A_44 = arith.constant 64 : index
    %get3A_45 = arith.constant 0 : index
    %get3A_46 = vector.load %arg5[%get3A_44, %get3A_45] : memref<128x128xf32, #tpu.memory_space<vmem>>, vector<64x128xf32>
    %dot_general3A_47 = arith.constant dense<0.000000e+00> : vector<10000x128xf32>
    %dot_general3A_48 = tpu.matmul %max3A_39, %get3A_46, %dot_general3A_47 {dimension_numbers = #tpu.dot_dimension_numbers<[1], [0], [0], [1], [0, 0, 1, 1], [], []>, transpose_lhs_hint = false} : vector<10000x64xf32>, vector<64x128xf32>, vector<10000x128xf32> -> vector<10000x128xf32>
    %add3A_49 = arith.addf %dot_general3A_43, %dot_general3A_48 : vector<10000x128xf32>
    %broadcast_in_dim3A_50 = vector.shape_cast %get3A_0 : vector<10000xf32> to vector<10000x1xf32>
    %mul3A_51 = vector.broadcast %broadcast_in_dim3A_50 : vector<10000x1xf32> to vector<10000x128xf32>
    %mul3A_52 = arith.mulf %add3A_49, %mul3A_51 : vector<10000x128xf32>
    %slice3A_53 = vector.extract_strided_slice %mul3A_52 {offsets = [0, 0], sizes = [10000, 64], strides = [1, 1]} : vector<10000x128xf32> to vector<10000x64xf32>
    %swap3A = arith.constant 0 : index
    %swap3A_54 = arith.constant 0 : index
    %swap3A_55 = vector.load %arg7[%swap3A, %swap3A_54] : memref<10000x64xf32, #tpu.memory_space<vmem>>, vector<10000x64xf32>
    tpu.vector_store %arg7[%swap3A, %swap3A_54], %slice3A_53 {strides = array<i32>} : memref<10000x64xf32, #tpu.memory_space<vmem>>, vector<10000x64xf32>,
    %slice3A_56 = vector.extract_strided_slice %mul3A_52 {offsets = [0, 64], sizes = [10000, 64], strides = [1, 1]} : vector<10000x128xf32> to vector<10000x64xf32>
    %swap3A_57 = arith.constant 0 : index
    %swap3A_58 = arith.constant 0 : index
    %swap3A_59 = vector.load %arg8[%swap3A_57, %swap3A_58] : memref<10000x64xf32, #tpu.memory_space<vmem>>, vector<10000x64xf32>
    tpu.vector_store %arg8[%swap3A_57, %swap3A_58], %slice3A_56 {strides = array<i32>} : memref<10000x64xf32, #tpu.memory_space<vmem>>, vector<10000x64xf32>,
    return
  }
}

module attributes {stable_mosaic.version = 14 : i64} {
  func.func @_tc_c_body(%arg0: memref<20224x64xf32, #tpu.memory_space<vmem>>, %arg1: memref<20224x64xf32, #tpu.memory_space<vmem>>, %arg2: memref<10000x64xf32, #tpu.memory_space<vmem>>, %arg3: memref<10000x64xf32, #tpu.memory_space<vmem>>, %arg4: memref<10000xf32, #tpu.memory_space<vmem>>, %arg5: memref<128xf32, #tpu.memory_space<vmem>>, %arg6: memref<10000x128xf32, #tpu.memory_space<vmem>>) attributes {dimension_semantics = [], scalar_prefetch = 0 : i64, scratch_operands = 0 : i64, tpu.core_type = #tpu.core_type<tc>} {
    %get3A = arith.constant 0 : index
    %get3A_0 = vector.load %arg4[%get3A] : memref<10000xf32, #tpu.memory_space<vmem>>, vector<10000xf32>
    %get3A_1 = arith.constant 0 : index
    %get3A_2 = arith.constant 0 : index
    %get3A_3 = vector.load %arg0[%get3A_1, %get3A_2] : memref<20224x64xf32, #tpu.memory_space<vmem>>, vector<10000x64xf32>
    %get3A_4 = arith.constant 10112 : index
    %get3A_5 = arith.constant 0 : index
    %get3A_6 = vector.load %arg0[%get3A_4, %get3A_5] : memref<20224x64xf32, #tpu.memory_space<vmem>>, vector<10000x64xf32>
    %add3A = arith.addf %get3A_3, %get3A_6 : vector<10000x64xf32>
    %get3A_7 = arith.constant 0 : index
    %get3A_8 = arith.constant 0 : index
    %get3A_9 = vector.load %arg2[%get3A_7, %get3A_8] : memref<10000x64xf32, #tpu.memory_space<vmem>>, vector<10000x64xf32>
    %add3A_10 = arith.addf %add3A, %get3A_9 : vector<10000x64xf32>
    %get3A_11 = arith.constant 0 : index
    %get3A_12 = arith.constant 0 : index
    %get3A_13 = vector.load %arg1[%get3A_11, %get3A_12] : memref<20224x64xf32, #tpu.memory_space<vmem>>, vector<10000x64xf32>
    %get3A_14 = arith.constant 10112 : index
    %get3A_15 = arith.constant 0 : index
    %get3A_16 = vector.load %arg1[%get3A_14, %get3A_15] : memref<20224x64xf32, #tpu.memory_space<vmem>>, vector<10000x64xf32>
    %add3A_17 = arith.addf %get3A_13, %get3A_16 : vector<10000x64xf32>
    %get3A_18 = arith.constant 0 : index
    %get3A_19 = arith.constant 0 : index
    %get3A_20 = vector.load %arg3[%get3A_18, %get3A_19] : memref<10000x64xf32, #tpu.memory_space<vmem>>, vector<10000x64xf32>
    %add3A_21 = arith.addf %add3A_17, %get3A_20 : vector<10000x64xf32>
    %concatenate3A = tpu.concatenate %add3A_10, %add3A_21 in 1 : vector<10000x64xf32>, vector<10000x64xf32> -> vector<10000x128xf32>
    %get3A_22 = arith.constant 0 : index
    %get3A_23 = vector.load %arg5[%get3A_22] : memref<128xf32, #tpu.memory_space<vmem>>, vector<128xf32>
    %broadcast_in_dim3A = vector.shape_cast %get3A_0 : vector<10000xf32> to vector<10000x1xf32>
    %mul3A = vector.broadcast %broadcast_in_dim3A : vector<10000x1xf32> to vector<10000x128xf32>
    %mul3A_24 = arith.mulf %concatenate3A, %mul3A : vector<10000x128xf32>
    %broadcast_in_dim3A_25 = vector.shape_cast %get3A_23 : vector<128xf32> to vector<1x128xf32>
    %add3A_26 = vector.broadcast %broadcast_in_dim3A_25 : vector<1x128xf32> to vector<10000x128xf32>
    %add3A_27 = arith.addf %mul3A_24, %add3A_26 : vector<10000x128xf32>
    %neg3A = arith.constant 0.000000e+00 : f32
    %neg3A_28 = vector.broadcast %neg3A : f32 to vector<10000x128xf32>
    %neg3A_29 = arith.subf %neg3A_28, %add3A_27 : vector<10000x128xf32>
    %exp3A = math.exp %neg3A_29 : vector<10000x128xf32>
    %add3A_30 = arith.constant 1.000000e+00 : f32
    %add3A_31 = vector.broadcast %add3A_30 : f32 to vector<10000x128xf32>
    %add3A_32 = arith.addf %add3A_31, %exp3A : vector<10000x128xf32>
    %div3A = arith.constant 1.000000e+00 : f32
    %div3A_33 = vector.broadcast %div3A : f32 to vector<10000x128xf32>
    %div3A_34 = arith.divf %div3A_33, %add3A_32 : vector<10000x128xf32>
    %iota3A = tpu.iota {dimensions = array<i32: 1>} : vector<10000x128xi32>
    %ge3A = arith.constant 123 : i32
    %ge3A_35 = vector.broadcast %ge3A : i32 to vector<10000x128xi32>
    %ge3A_36 = arith.cmpi sge, %iota3A, %ge3A_35 : vector<10000x128xi32>
    %jit3A = arith.constant 1.000000e+00 : f32
    %broadcast_in_dim3A_37 = vector.broadcast %jit3A : f32 to vector<10000x128xf32>
    %select_n3A = arith.select %ge3A_36, %broadcast_in_dim3A_37, %div3A_34 : vector<10000x128xi1>, vector<10000x128xf32>
    %swap3A = arith.constant 0 : index
    %swap3A_38 = arith.constant 0 : index
    %swap3A_39 = vector.load %arg6[%swap3A, %swap3A_38] : memref<10000x128xf32, #tpu.memory_space<vmem>>, vector<10000x128xf32>
    tpu.vector_store %arg6[%swap3A, %swap3A_38], %select_n3A {strides = array<i32>} : memref<10000x128xf32, #tpu.memory_space<vmem>>, vector<10000x128xf32>,
    return
  }
}

</mosaic_0001>

<sc_bundles>
// kernel: kernel.11.cloned.1.call-start
scs
__scs_entry_jumppad:
0x0: {  	(pc) =	sbr.rel $0x88, $3  }
0x1: {  	(tag) =	ssettag $0x0;
	lr =	simm.s32 $0x1  }
0x2: {  	[smem:$0x3F9B] =	sst lr;
	_ =	strace $0xD0000000  }
0x3: {  	_ = 	snop  }
0x4: {  	_ = 	snop  }
0x5: {  	_ = 	snop  }
0x6: {  	_ = 	snop  }
0x7: {  	_ = 	snop  }
__scs_overlays_trampoline_lowered:
0x8: {  	[smem:$0x3FAA] =	sst s0  }
0x9: {  	[smem:$0x3FAB] =	sst s1  }
0xa: {  	[smem:$0x3FAC] =	sst s2  }
0xb: {  	[smem:$0x3FAD] =	sst s3  }
0xc: {  	[smem:$0x3FAE] =	sst s4  }
0xd: {  	[smem:$0x3FAF] =	sst s5  }
0xe: {  	[smem:$0x3FB0] =	sst s6  }
0xf: {  	[smem:$0x3FB1] =	sst s7  }
0x10: {  	[smem:$0x3FB2] =	sst s8  }
0x11: {  	[smem:$0x3FB3] =	sst s9;
	s0 =	simm.s32 @!p0 $0x0  }
0x12: {  	s1 =	sld [smem:$0x3F99];
	s0 =	simm.s32 @p0 $0x1  }
0x13: {  	[smem:$0x3FB4] =	sst s0;
	s0 =	simm.s32 @!p1 $0x0  }
0x14: {  	s2 =	sld [smem:$0x3F98];
	s0 =	simm.s32 @p1 $0x1  }
0x15: {  	[smem:$0x3FB5] =	sst s0;
	s0 =	simm.s32 @!p2 $0x0  }
0x16: {  	s3 =	sld [smem:$0x3FDB];
	s0 =	simm.s32 @p2 $0x1  }
0x17: {  	s4 =	simm.s32 $0x1BF5;
	[smem:$0x3FB7] =	sst s0  }
0x18: {  	s0 =	sld [smem:$0x3F9A];
	_ =	swait.ge [sflag:s4], $0x0  }
0x19: {  	s7 =	sld [smem:$0x3F9B]  }
0x1a: {  	s8 =	sadd.s32 $0xFFFFE003, lr  }
0x1b: {  	s9 =	sadd.s32 $0xFFFFFEF7, lr;
	s5 =	simm.s32 $0xFFFFFFFF;
	p2 =	slt.u32 s8, $0xFFFFF086  }
0x1c: {  	p1 =	slt.u32 s9, $0xF7A;
	s5 =	simm.s32 @!p2 $0x0  }
0x1d: {  	s5 =	simm.s32 @p1 $0x1;
	p0 =	seq.s32 s7, s2  }
0x1e: {  	s7 =	smul.u32 @!p0 $0xF7A, s2;
	p2 =	seq.s32 @!p0 s5, $0x0  }
0x1f: {  	s9 =	smul.u32 $0xF7A, s1;
	s8 =	simm.s32 @!p0 $0x1BF5;
	p2 =	por !p2, p0  }
0x20: {  	[sflag:s8] =	ssyncset.s32 @!p0 $0xFFFFF086;
	s6 =	sadd.s32 @!p0 s3, s7;
	s7 =	simm.s32 @!p0 $0x108  }
0x21: {  	s3 =	sadd.s32 s3, s9;
	s6 =	sadd.s32 @!p0 $0x88, s6;
	s7 =	simm.s32 @p2 $0x1082  }
0x22: {  	[simem:s7], [sflag:s8] =	dma.local @!p0 [hbm:s6], $0xF7A  }
0x23: {  	s9 =	sor.u32 $0xD0000000, s2;
	s6 =	simm.s32 $0x108;
	_ =	swait.ge @!p0 [sflag:s8], $0x0  }
0x24: {  	s3 =	sadd.s32 $0x88, s3;
	s6 =	simm.s32 @!p1 $0x1082;
	[sflag:s4] =	ssyncset.s32 $0xFFFFF086  }
0x25: {  	[simem:s6], [sflag:s4] =	dma.local [hbm:s3], $0xF7A  }
0x26: {  	[smem:$0x3F9B] =	sst s1;
	(tag) =	ssettag s2;
	_ =	strace s9  }
0x27: {  	s1 =	sld [smem:$0x3FAB]  }
0x28: {  	s2 =	sld [smem:$0x3FAC]  }
0x29: {  	s4 =	sld [smem:$0x3FAE]  }
0x2a: {  	p0 =	seq.s32 s5, $0x0;
	s5 =	sld [smem:$0x3FAF]  }
0x2b: {  	s6 =	sld [smem:$0x3FB0]  }
0x2c: {  	s7 =	sld [smem:$0x3FB1]  }
0x2d: {  	s3 =	simm.s32 $0x108;
	s8 =	sld [smem:$0x3FB2]  }
0x2e: {  	s3 =	simm.s32 @!p0 $0x1082;
	s9 =	sld [smem:$0x3FB3]  }
0x2f: {  	lr =	sadd.s32 s0, s3;
	s0 =	sld [smem:$0x3FAA]  }
0x30: {  	s3 =	sld [smem:$0x3FAD]  }
0x31: {  	[smem:$0x3FB6] =	sst s10  }
0x32: {  	s10 =	sld [smem:$0x3FB4];
	_ =	sdelay $0x3  }
0x33: {  	p0 =	seq.s32 s10, $0x1;
	s10 =	sld [smem:$0x3FB6];
	_ =	sdelay $0x3  }
0x34: {  	[smem:$0x3FB6] =	sst s10  }
0x35: {  	s10 =	sld [smem:$0x3FB5];
	_ =	sdelay $0x3  }
0x36: {  	p1 =	seq.s32 s10, $0x1;
	s10 =	sld [smem:$0x3FB6];
	_ =	sdelay $0x3  }
0x37: {  	[smem:$0x3FB6] =	sst s10  }
0x38: {  	s10 =	sld [smem:$0x3FB7]  }
0x39: {  	_ = 	snop;
	(pc) =	sbr.ind lr, $3  }
0x3a: {  	_ = 	snop  }
0x3b: {  	_ = 	snop  }
0x3c: {  	p2 =	seq.s32 s10, $0x1;
	s10 =	sld [smem:$0x3FB6]  }
0x3d: {  	_ =	shalt  }
0x3e: {  	_ =	shalt  }
0x3f: {  	_ =	shalt  }
0x40: {  	_ =	shalt  }
0x41: {  	_ =	shalt  }
0x42: {  	_ =	shalt  }
0x43: {  	_ =	shalt  }
0x44: {  	_ =	shalt  }
0x45: {  	_ =	shalt  }
0x46: {  	_ =	shalt  }
0x47: {  	_ =	shalt  }
0x48: {  	_ =	shalt  }
0x49: {  	_ =	shalt  }
0x4a: {  	_ =	shalt  }
0x4b: {  	_ =	shalt  }
0x4c: {  	_ =	shalt  }
0x4d: {  	_ =	shalt  }
0x4e: {  	_ =	shalt  }
0x4f: {  	_ =	shalt  }
0x50: {  	_ =	shalt  }
0x51: {  	_ =	shalt  }
0x52: {  	_ =	shalt  }
0x53: {  	_ =	shalt  }
0x54: {  	_ =	shalt  }
0x55: {  	_ =	shalt  }
0x56: {  	_ =	shalt  }
0x57: {  	_ =	shalt  }
0x58: {  	_ =	shalt  }
0x59: {  	_ =	shalt  }
0x5a: {  	_ =	shalt  }
0x5b: {  	_ =	shalt  }
0x5c: {  	_ =	shalt  }
0x5d: {  	_ =	shalt  }
0x5e: {  	_ =	shalt  }
0x5f: {  	_ =	shalt  }
0x60: {  	_ =	shalt  }
0x61: {  	_ =	shalt  }
0x62: {  	_ =	shalt  }
0x63: {  	_ =	shalt  }
0x64: {  	_ =	shalt  }
0x65: {  	_ =	shalt  }
0x66: {  	_ =	shalt  }
0x67: {  	_ =	shalt  }
0x68: {  	_ =	shalt  }
0x69: {  	_ =	shalt  }
0x6a: {  	_ =	shalt  }
0x6b: {  	_ =	shalt  }
0x6c: {  	_ =	shalt  }
0x6d: {  	_ =	shalt  }
0x6e: {  	_ =	shalt  }
0x6f: {  	_ =	shalt  }
0x70: {  	_ =	shalt  }
0x71: {  	_ =	shalt  }
0x72: {  	_ =	shalt  }
0x73: {  	_ =	shalt  }
0x74: {  	_ =	shalt  }
0x75: {  	_ =	shalt  }
0x76: {  	_ =	shalt  }
0x77: {  	_ =	shalt  }
0x78: {  	_ =	shalt  }
0x79: {  	_ =	shalt  }
0x7a: {  	_ =	shalt  }
0x7b: {  	_ =	shalt  }
0x7c: {  	_ =	shalt  }
0x7d: {  	_ =	shalt  }
0x7e: {  	_ =	shalt  }
0x7f: {  	_ =	shalt  }
0x80: {  	_ =	shalt  }
0x81: {  	_ =	shalt  }
0x82: {  	_ =	shalt  }
0x83: {  	_ =	shalt  }
0x84: {  	_ =	shalt  }
0x85: {  	_ =	shalt  }
0x86: {  	_ =	shalt  }
0x87: {  	_ =	shalt  }
.Lfunc_end0:
.L_simem_size_0:
called_computation.1_lowered:
.L_overlay_start_0:
0x88: {  	s2 =	sld [smem:$0x3FD9]  }
0x89: {  	s3 =	sld [smem:$0x3FFE];
	_ =	sdelay $0x1  }
0x8a: {  	s1 =	srdreg.scid  }
0x8b: {  	s0 =	sand.u32 $0x1, s1  }
0x8c: {  	s16 =	sshll.u32 s0, $0xA;
	s2 =	sadd.s32 s3, s2  }
0x8d: {  	s2 =	sadd.s32 s2, s16  }
0x8e: {  	[smem:$0x3FC2] =	sst s2  }
0x8f: {  	_ = 	snop  }
0x90: {  	(tm) =	ssettm $0x1  }
0x91: {  	s17 =	sld [smem:$0x3FFB];
	_ =	sdelay $0x3  }
0x92: {  	_ =	strace s17  }
0x93: {  	s2 =	sld [smem:$0x3FFC];
	_ =	sdelay $0x3  }
0x94: {  	_ =	strace s2  }
0x95: {  	s2 =	sld [smem:$0x3FFD];
	_ =	sdelay $0x3  }
0x96: {  	_ =	strace s2  }
0x97: {  	_ =	strace $0x8FFFFFFF  }
0x98: {  	s18 =	sld [smem:$0x3FDB];
	_ =	sdelay $0x1  }
0x99: {  	s19 =	simm.s32 $_scs_section_size  }
0x9a: {  	s4 =	simm.s32 $_size__tile_overlayer_lowered;
	s5 =	simm.s32 $_tile_overlayer_lowered  }
0x9b: {  	s22 =	simm.s32 $0x1BFF;
	s21 =	sshll.u32 s5, $0x1;
	s2 =	sadd.s32 s19, s18  }
0x9c: {  	s6 =	simm.s32 $0x0;
	s20 =	sshll.u32 s4, $0x1;
	s4 =	sadd.s32 s21, s2  }
0x9d: {  	[timem:s6], [sflag:s22] =	dma.local [hbm:s4], s20  }
0x9e: {  	_ =	swait.ge [sflag:s22], s20  }
0x9f: {  	s3 =	ssub.s32 $0x0, s20;
	[sflag:s22] =	ssyncset.done $0x0  }
0xa0: {  	[sflag:s22] =	ssyncadd.s32 s3;
	_ =	sdelay $0x1  }
0xa1: {  	s23 =	simm.s32 $0x1B8B  }
0xa2: {  	_ =	swait.ge [sflag:s23], $0x1  }
0xa3: {  	[sflag:s23] =	ssyncset.done $0x0  }
0xa4: {  	s25 =	simm.s32 $0x1B8E;
	s24 =	sld [smem:$0x3FFE];
	[sflag:s23] =	ssyncadd.s32 $0xFFFFFFFF  }
0xa5: {  	s26 =	simm.s32 $execute0_lowered;
	[smem:$0x3FD2] =	sst s25  }
0xa6: {  	s4 =	sshll.u32 s26, $0x1;
	_ =	strace $0x80000049;
	[dreg:$0x1] =	wrdreg $0xFFFFFFFF  }
0xa7: {  	s28 =	simm.s32 $_size_execute0_lowered;
	s2 =	sadd.s32 s2, s4;
	[dreg:$0x0] =	wrdreg $0x0  }
0xa8: {  	s4 =	sshll.u32 s28, $0x1;
	[dreg:$0x2] =	wrdreg s2  }
0xa9: {  	[dreg:$0x3] =	wrdreg s4  }
0xaa: {  	[dreg:$0x4] =	wrdreg $0xC0  }
0xab: {  	_ =	task [dreg:s6], $0x5FFFF  }
0xac: {  	[dreg:$0x1] =	wrdreg $0xFFFFFFFF  }
0xad: {  	[dreg:$0x0] =	wrdreg $0x60  }
0xae: {  	[dreg:$0x2] =	wrdreg s24  }
0xaf: {  	[dreg:$0x3] =	wrdreg $0x78000  }
0xb0: {  	[dreg:$0x4] =	wrdreg $0x9  }
0xb1: {  	_ =	task.clear_ibuf [dreg:s6], $0x5FFFF;
	_ =	strace $0x90000049  }
0xb2: {  	s29 =	simm.s32 $0x9;
	_ =	strace $0x8000004B  }
0xb3: {  	_ =	swait.ge [sflag:s29], $0x1  }
0xb4: {  	[sflag:s29] =	ssyncadd.s32 $0xFFFFFFFF  }
0xb5: {  	_ =	strace $0x9000004B  }
0xb6: {  	_ =	sfence  }
0xb7: {  	s30 =	sld [smem:$0x0];
	_ =	sdelay $0x2  }
0xb8: {  	s31 =	sshll.u32 s1, $0xD;
	s1 =	sshrl.u32 s1, $0x2  }
0xb9: {  	s3 =	sand.u32 $0x4000, s31;
	s1 =	sadd.s32 s1, s30  }
0xba: {  	s0 =	sor.u32 s3, s0;
	s1 =	sshll.u32 s1, $0x11  }
0xbb: {  	s0 =	sor.u32 s1, s0  }
0xbc: {  	s0 =	sadd.s32 $0x8F2B, s0  }
0xbd: {  	[sflag:s0] =	ssyncadd.remote.s32 $0x1  }
0xbe: {  	_ =	sfence.sel $0xFFFF  }
0xbf: {  	[dreg:$0x0] =	wrdreg $0xFFFFFFFF;
	(pc) =	sbr.abs _section_cstart, $3  }
0xc0: {  	[dreg:$0x1] =	wrdreg $0xFFFFFFFF  }
0xc1: {  	_ =	task.clear_ibuf [dreg:s6], $0x2FFFF;
	_ =	strace $0x9FFFFFFF  }
0xc2: {  	(tm) =	ssettm $0x7FFFFFFF  }
0xc3: {  	_ =	shalt  }
tec
execute0_lowered:
.L_overlay_start_1:
0x0: {  	(tag) =	ssettag $0x1  }
0x1: {  	s6 =	rddreg [dreg:$0x0]  }
0x2: {  	s2 =	rddreg [dreg:$0x1]  }
0x3: {  	s0 =	rddreg [dreg:$0x2];
	s4 =	srdreg.scid;
	s3 =	simm.s32 $0x0  }
0x4: {  	s1 =	stileid.u32;
	s17 =	simm.s32 $0x2;
	s18 =	simm.s32 $0x2D00  }
0x5: {  	s19 =	simm.s32 $0x5A00;
	s20 =	simm.s32 $0x78;
	s21 =	simm.s32 $0x1  }
0x6: {  	s22 =	sand.u32 $0x1, s4;
	[smem:$0x7FF] =	sst s3;
	s7 =	smul.u32 $0x278, s1  }
0x7: {  	s5 =	sadd.s32 $0x36C00, s6;
	s10 =	smul.u32 $0x27800, s1;
	s4 =	sshll.u32 s22, $0x4  }
0x8: {  	_ =	strace $0x8000004A;
	s9 =	smul.u32 $0x2780, s22;
	s30 =	ssub.s32 $0x2, s22  }
0x9: {  	p0 =	sne.s32 s22, $0x0;
	s22 =	simm.s32 $0x0;
	s8 =	sor.u32 s1, s4  }
0xa: {  	s4 =	sadd.s32 $0x23200, s6;
	s11 =	sshrl.u32 s30, $0x1;
	s8 =	smul.u32 $0x5A0, s8  }
0xb: {  	s31 =	sshrl.u32 s10, $0x2;
	s7 =	sadd.s32 s7, s9;
	s16 =	ssub.s32 s30, s11  }
.Ltmp0:
0xc: {  	s7 =	sshll.u32 s7, $0x3;
	s8 =	sadd.s32 s8, s6;
	(pc) =	sbr.rel .LBB2_1-.Ltmp0, $4  }
0xd: {  	s16 =	smax.u32 s16, $0x1;
	s15 =	sadd.s32 s7, s6;
	s6 =	sadd.s32 $0xCA00, s8  }
0xe: {  	s7 =	sadd.s32 $0x17E00, s8;
	s8 =	sadd.s32 s31, s2;
	s14 =	sadd.s32 $0x71E00, s15  }
0xf: {  	s15 =	sadd.s32 $0x4A600, s15;
	s9 =	sadd.s32 $0x1E00, s8;
	s10 =	sadd.s32 $0x3C00, s8  }
0x10: {  	v0 =	vimm.f32 $0.0e+00;
	s11 =	sadd.s32 $0x5A00, s8;
	s12 =	sadd.s32 $0x7800, s8;
	s13 =	sadd.s32 $0x9600, s8  }
.LBB2_16:
0x11: {  	s26 =	sadd.s32 $0x21C0, s25;
	[sflag:s17] =	ssyncadd.s32 $0xFFFFE200  }
0x12: {  	[tilespmem:s19], [sflag:$0x1] =	stream.indirect.gather [hbm4b:s5+s20], $0x40, s26, s20, $0xb8;
	[tilespmem:$0x11600] =	vst v63  }
0x13: {  	_ =	swait.ge [sflag:s21], $0x1E00  }
0x14: {  	[sflag:s21] =	ssyncset.done $0x0  }
0x15: {  	s31 =	sadd.s32 $0x4EC0, s25;
	[sflag:s21] =	ssyncadd.s32 $0xFFFFE200  }
0x16: {  	[spmem:s2] =	stream.indirect.scatter.add.f32 [tilespmem:s19], [sflag:$0x2], $0x40, s31, s20, $0xb8;
	[tilespmem:$0x11600] =	vst v63  }
0x17: {  	_ =	swait.ge [sflag:s17], $0x1E00  }
0x18: {  	[sflag:s17] =	ssyncset.done $0x0  }
0x19: {  	[sflag:s17] =	ssyncadd.s32 $0xFFFFE200  }
.LBB2_17:
0x1a: {  	s22 =	sadd.s32 $0x1, s22  }
0x1b: {  	p1 =	sne.s32 s22, s16  }
.Ltmp1:
0x1c: {  	[bflag:$0x0] =	sbarrier.arrive $0xFFFF;
	(pc) =	sbr.rel @!p1 .LBB2_18-.Ltmp1, $4  }
0x1d: {  	[hbm:s15], [sflag:s23] =	dma.local [spmem:s24], $0x13C0  }
0x1e: {  	_ =	swait.ge [sflag:s17], $0x13C0  }
0x1f: {  	[sflag:s17] =	ssyncset.done $0x0  }
0x20: {  	[sflag:s17] =	ssyncadd.s32 $0xFFFFEC40  }
.LBB2_1:
0x21: {  	[tilespmem:s3], [sflag:$0x2] =	stream.linear.gather [hbm4b:s6+s3], $0x2D00, $0x38;
	[tilespmem:$0x11600] =	vst v63  }
0x22: {  	_ =	swait.ge [sflag:s17], $0x2D00  }
0x23: {  	[sflag:s17] =	ssyncset.done $0x0  }
0x24: {  	[sflag:s17] =	ssyncadd.s32 $0xFFFFD300  }
0x25: {  	[tilespmem:s18], [sflag:$0x2] =	stream.linear.gather [hbm4b:s7+s3], $0x2D00, $0x38;
	[tilespmem:$0x11600] =	vst v63  }
0x26: {  	_ =	swait.ge [sflag:s17], $0x2D00  }
0x27: {  	[sflag:s17] =	ssyncset.done $0x0  }
0x28: {  	s24 =	simm.s32 $0x100;
	s23 =	simm.s32 $0x0;
	[sflag:s17] =	ssyncadd.s32 $0xFFFFD300  }
.LBB2_2:
0x29: {  	p1 =	sne.s32 s24, $0x7700;
	[tilespmem:s23+$0x5A30] =	vst v0;
	s25 =	smov.u32 s24;
	s24 =	sadd.s32 $0x100, s24  }
.Ltmp2:
0x2a: {  	[tilespmem:s23+$0x5A20] =	vst v0;
	(pc) =	sbr.rel @p1 .LBB2_2-.Ltmp2, $3  }
0x2b: {  	[tilespmem:s23+$0x5A00] =	vst v0  }
0x2c: {  	[tilespmem:s23+$0x5A10] =	vst v0;
	_ =	sdelay $0x1  }
0x2d: {  	s23 =	sshra.s32 s25, $0x2  }
0x2e: {  	[tilespmem:s23+$0x5A30] =	vst v0  }
0x2f: {  	[tilespmem:s23+$0x5A20] =	vst v0  }
0x30: {  	[tilespmem:s23+$0x5A00] =	vst v0  }
0x31: {  	[tilespmem:s23+$0x5A10] =	vst v0  }
0x32: {  	[spmem:s8] =	stream.linear.scatter [tilespmem:s19], [sflag:$0x2], $0x1E00, $0x38;
	[tilespmem:$0x11600] =	vst v63  }
0x33: {  	_ =	swait.ge [sflag:s17], $0x1E00  }
0x34: {  	[sflag:s17] =	ssyncset.done $0x0  }
0x35: {  	[sflag:s17] =	ssyncadd.s32 $0xFFFFE200  }
0x36: {  	[spmem:s9] =	stream.linear.scatter [tilespmem:s19], [sflag:$0x2], $0x1E00, $0x38;
	[tilespmem:$0x11600] =	vst v63  }
0x37: {  	_ =	swait.ge [sflag:s17], $0x1E00  }
0x38: {  	[sflag:s17] =	ssyncset.done $0x0  }
0x39: {  	[sflag:s17] =	ssyncadd.s32 $0xFFFFE200  }
0x3a: {  	[spmem:s10] =	stream.linear.scatter [tilespmem:s19], [sflag:$0x2], $0x1E00, $0x38;
	[tilespmem:$0x11600] =	vst v63  }
0x3b: {  	_ =	swait.ge [sflag:s17], $0x1E00  }
0x3c: {  	[sflag:s17] =	ssyncset.done $0x0  }
0x3d: {  	[sflag:s17] =	ssyncadd.s32 $0xFFFFE200  }
0x3e: {  	[spmem:s11] =	stream.linear.scatter [tilespmem:s19], [sflag:$0x2], $0x1E00, $0x38;
	[tilespmem:$0x11600] =	vst v63  }
0x3f: {  	_ =	swait.ge [sflag:s17], $0x1E00  }
0x40: {  	[sflag:s17] =	ssyncset.done $0x0  }
0x41: {  	[sflag:s17] =	ssyncadd.s32 $0xFFFFE200  }
0x42: {  	[spmem:s12] =	stream.linear.scatter [tilespmem:s19], [sflag:$0x2], $0x1E00, $0x38;
	[tilespmem:$0x11600] =	vst v63  }
0x43: {  	_ =	swait.ge [sflag:s17], $0x1E00  }
0x44: {  	[sflag:s17] =	ssyncset.done $0x0  }
0x45: {  	[sflag:s17] =	ssyncadd.s32 $0xFFFFE200  }
0x46: {  	[spmem:s13] =	stream.linear.scatter [tilespmem:s19], [sflag:$0x2], $0x800, $0x38;
	[tilespmem:$0x11600] =	vst v63  }
0x47: {  	_ =	swait.ge [sflag:s17], $0x800  }
0x48: {  	[sflag:s17] =	ssyncset.done $0x0  }
0x49: {  	[sflag:s17] =	ssyncadd.s32 $0xFFFFF800  }
0x4a: {  	s30 =	simm.s32 $0x0;
	[bflag:$0x0] =	sbarrier.arrive $0xFFFF  }
0x4b: {  	[tilespmem:s19], [sflag:$0x1] =	stream.indirect.gather [hbm4b:s4+s20], $0x40, s30, s20, $0xb8;
	[tilespmem:$0x11600] =	vst v63  }
0x4c: {  	_ =	swait.ge [sflag:s21], $0x1E00  }
0x4d: {  	[sflag:s21] =	ssyncset.done $0x0  }
0x4e: {  	s31 =	simm.s32 $0x2D00;
	[sflag:s21] =	ssyncadd.s32 $0xFFFFE200  }
0x4f: {  	[spmem:s2] =	stream.indirect.scatter.add.f32 [tilespmem:s19], [sflag:$0x2], $0x40, s31, s20, $0xb8;
	[tilespmem:$0x11600] =	vst v63  }
0x50: {  	_ =	swait.ge [sflag:s17], $0x1E00  }
0x51: {  	s23 =	simm.s32 $0x1E0;
	s24 =	simm.s32 $0x3C0;
	[sflag:s17] =	ssyncset.done $0x0  }
.LBB2_4:
0x52: {  	s25 =	sshra.s32 s23, $0x2  }
0x53: {  	[sflag:s17] =	ssyncadd.s32 $0xFFFFE200;
	s23 =	smov.u32 s24;
	s26 =	sadd.s32 $0x1E0, s24  }
0x54: {  	[tilespmem:s19], [sflag:$0x1] =	stream.indirect.gather [hbm4b:s4+s20], $0x40, s25, s20, $0xb8;
	[tilespmem:$0x11600] =	vst v63  }
0x55: {  	p1 =	sne.s32 s24, $0x8520;
	_ =	swait.ge [sflag:s21], $0x1E00  }
.Ltmp3:
0x56: {  	[sflag:s21] =	ssyncset.done $0x0;
	(pc) =	sbr.rel @p1 .LBB2_4-.Ltmp3, $4  }
0x57: {  	s24 =	sadd.s32 $0x2D00, s25;
	[sflag:s21] =	ssyncadd.s32 $0xFFFFE200  }
0x58: {  	[spmem:s2] =	stream.indirect.scatter.add.f32 [tilespmem:s19], [sflag:$0x2], $0x40, s24, s20, $0xb8;
	[tilespmem:$0x11600] =	vst v63  }
0x59: {  	_ =	swait.ge [sflag:s17], $0x1E00  }
0x5a: {  	s24 =	smov.u32 s26;
	[sflag:s17] =	ssyncset.done $0x0  }
0x5b: {  	s23 =	sshra.s32 s23, $0x2;
	[sflag:s17] =	ssyncadd.s32 $0xFFFFE200  }
0x5c: {  	[tilespmem:s19], [sflag:$0x1] =	stream.indirect.gather [hbm4b:s4+s20], $0x40, s23, s20, $0xb8;
	[tilespmem:$0x11600] =	vst v63  }
0x5d: {  	_ =	swait.ge [sflag:s21], $0x1E00  }
0x5e: {  	[sflag:s21] =	ssyncset.done $0x0  }
.Ltmp4:
0x5f: {  	s23 =	sadd.s32 $0x2D00, s23;
	[sflag:s21] =	ssyncadd.s32 $0xFFFFE200;
	(pc) =	sbr.rel @p0 .LBB2_9-.Ltmp4, $4  }
0x60: {  	[spmem:s2] =	stream.indirect.scatter.add.f32 [tilespmem:s19], [sflag:$0x2], $0x40, s23, s20, $0xb8;
	[tilespmem:$0x11600] =	vst v63  }
0x61: {  	_ =	swait.ge [sflag:s17], $0x1E00  }
0x62: {  	[sflag:s17] =	ssyncset.done $0x0  }
0x63: {  	[sflag:s17] =	ssyncadd.s32 $0xFFFFE200  }
0x64: {  	s23 =	simm.s32 $0x21C0  }
0x65: {  	[tilespmem:s19], [sflag:$0x1] =	stream.indirect.gather [hbm4b:s4+s20], $0x40, s23, s20, $0xb8;
	[tilespmem:$0x11600] =	vst v63  }
0x66: {  	_ =	swait.ge [sflag:s21], $0x1E00  }
0x67: {  	[sflag:s21] =	ssyncset.done $0x0  }
0x68: {  	s31 =	simm.s32 $0x4EC0;
	[sflag:s21] =	ssyncadd.s32 $0xFFFFE200  }
0x69: {  	[spmem:s2] =	stream.indirect.scatter.add.f32 [tilespmem:s19], [sflag:$0x2], $0x40, s31, s20, $0xb8;
	[tilespmem:$0x11600] =	vst v63  }
0x6a: {  	_ =	swait.ge [sflag:s17], $0x1E00  }
0x6b: {  	s24 =	simm.s32 $0x3C0;
	s23 =	simm.s32 $0x78;
	[sflag:s17] =	ssyncset.done $0x0  }
.LBB2_7:
0x6c: {  	s25 =	sadd.s32 $0x21C0, s23  }
0x6d: {  	[sflag:s17] =	ssyncadd.s32 $0xFFFFE200;
	s26 =	smov.u32 s24;
	s28 =	sadd.s32 $0x1E0, s24  }
0x6e: {  	[tilespmem:s19], [sflag:$0x1] =	stream.indirect.gather [hbm4b:s4+s20], $0x40, s25, s20, $0xb8;
	[tilespmem:$0x11600] =	vst v63  }
0x6f: {  	p1 =	sne.s32 s24, $0x2B20;
	_ =	swait.ge [sflag:s21], $0x1E00  }
.Ltmp5:
0x70: {  	[sflag:s21] =	ssyncset.done $0x0;
	(pc) =	sbr.rel @p1 .LBB2_7-.Ltmp5, $4  }
0x71: {  	s23 =	sadd.s32 $0x4EC0, s23;
	[sflag:s21] =	ssyncadd.s32 $0xFFFFE200  }
0x72: {  	[spmem:s2] =	stream.indirect.scatter.add.f32 [tilespmem:s19], [sflag:$0x2], $0x40, s23, s20, $0xb8;
	[tilespmem:$0x11600] =	vst v63  }
0x73: {  	_ =	swait.ge [sflag:s17], $0x1E00  }
0x74: {  	s24 =	smov.u32 s28;
	s23 =	sshra.s32 s26, $0x2;
	[sflag:s17] =	ssyncset.done $0x0  }
0x75: {  	s24 =	sadd.s32 $0x21C0, s23;
	[sflag:s17] =	ssyncadd.s32 $0xFFFFE200  }
0x76: {  	[tilespmem:s19], [sflag:$0x1] =	stream.indirect.gather [hbm4b:s4+s20], $0x40, s24, s20, $0xb8;
	[tilespmem:$0x11600] =	vst v63  }
0x77: {  	_ =	swait.ge [sflag:s21], $0x1E00  }
0x78: {  	[sflag:s21] =	ssyncset.done $0x0  }
0x79: {  	s31 =	sadd.s32 $0x4EC0, s23;
	[sflag:s21] =	ssyncadd.s32 $0xFFFFE200  }
0x7a: {  	[spmem:s2] =	stream.indirect.scatter.add.f32 [tilespmem:s19], [sflag:$0x2], $0x40, s31, s20, $0xb8;
	[tilespmem:$0x11600] =	vst v63  }
0x7b: {  	_ =	swait.ge [sflag:s17], $0x1E00  }
0x7c: {  	[sflag:s17] =	ssyncset.done $0x0  }
0x7d: {  	[sflag:s17] =	ssyncadd.s32 $0xFFFFE200  }
.LBB2_9:
0x7e: {  	s23 =	sshll.u32 s1, $0x6  }
0x7f: {  	[bflag:$0x0] =	sbarrier.arrive $0xFFFF;
	s24 =	sshrl.u32 s8, $0x3;
	s23 =	sor.u32 $0x1C02, s23  }
0x80: {  	[hbm:s14], [sflag:s23] =	dma.local [spmem:s24], $0x13C0  }
0x81: {  	_ =	swait.ge [sflag:s17], $0x13C0  }
0x82: {  	[sflag:s17] =	ssyncset.done $0x0  }
0x83: {  	[sflag:s17] =	ssyncadd.s32 $0xFFFFEC40  }
0x84: {  	s26 =	simm.s32 $0x100;
	s25 =	simm.s32 $0x0;
	[bflag:$0x0] =	sbarrier.arrive $0xFFFF  }
.LBB2_10:
0x85: {  	p1 =	sne.s32 s26, $0x7700;
	[tilespmem:s25+$0x5A30] =	vst v0;
	s28 =	smov.u32 s26;
	s26 =	sadd.s32 $0x100, s26  }
.Ltmp6:
0x86: {  	[tilespmem:s25+$0x5A20] =	vst v0;
	(pc) =	sbr.rel @p1 .LBB2_10-.Ltmp6, $3  }
0x87: {  	[tilespmem:s25+$0x5A00] =	vst v0  }
0x88: {  	[tilespmem:s25+$0x5A10] =	vst v0;
	_ =	sdelay $0x1  }
0x89: {  	s25 =	sshra.s32 s28, $0x2  }
0x8a: {  	[tilespmem:s25+$0x5A30] =	vst v0  }
0x8b: {  	[tilespmem:s25+$0x5A20] =	vst v0  }
0x8c: {  	[tilespmem:s25+$0x5A00] =	vst v0  }
0x8d: {  	[tilespmem:s25+$0x5A10] =	vst v0  }
0x8e: {  	[spmem:s8] =	stream.linear.scatter [tilespmem:s19], [sflag:$0x2], $0x1E00, $0x38;
	[tilespmem:$0x11600] =	vst v63  }
0x8f: {  	_ =	swait.ge [sflag:s17], $0x1E00  }
0x90: {  	[sflag:s17] =	ssyncset.done $0x0  }
0x91: {  	[sflag:s17] =	ssyncadd.s32 $0xFFFFE200  }
0x92: {  	[spmem:s9] =	stream.linear.scatter [tilespmem:s19], [sflag:$0x2], $0x1E00, $0x38;
	[tilespmem:$0x11600] =	vst v63  }
0x93: {  	_ =	swait.ge [sflag:s17], $0x1E00  }
0x94: {  	[sflag:s17] =	ssyncset.done $0x0  }
0x95: {  	[sflag:s17] =	ssyncadd.s32 $0xFFFFE200  }
0x96: {  	[spmem:s10] =	stream.linear.scatter [tilespmem:s19], [sflag:$0x2], $0x1E00, $0x38;
	[tilespmem:$0x11600] =	vst v63  }
0x97: {  	_ =	swait.ge [sflag:s17], $0x1E00  }
0x98: {  	[sflag:s17] =	ssyncset.done $0x0  }
0x99: {  	[sflag:s17] =	ssyncadd.s32 $0xFFFFE200  }
0x9a: {  	[spmem:s11] =	stream.linear.scatter [tilespmem:s19], [sflag:$0x2], $0x1E00, $0x38;
	[tilespmem:$0x11600] =	vst v63  }
0x9b: {  	_ =	swait.ge [sflag:s17], $0x1E00  }
0x9c: {  	[sflag:s17] =	ssyncset.done $0x0  }
0x9d: {  	[sflag:s17] =	ssyncadd.s32 $0xFFFFE200  }
0x9e: {  	[spmem:s12] =	stream.linear.scatter [tilespmem:s19], [sflag:$0x2], $0x1E00, $0x38;
	[tilespmem:$0x11600] =	vst v63  }
0x9f: {  	_ =	swait.ge [sflag:s17], $0x1E00  }
0xa0: {  	[sflag:s17] =	ssyncset.done $0x0  }
0xa1: {  	[sflag:s17] =	ssyncadd.s32 $0xFFFFE200  }
0xa2: {  	[spmem:s13] =	stream.linear.scatter [tilespmem:s19], [sflag:$0x2], $0x800, $0x38;
	[tilespmem:$0x11600] =	vst v63  }
0xa3: {  	_ =	swait.ge [sflag:s17], $0x800  }
0xa4: {  	[sflag:s17] =	ssyncset.done $0x0  }
0xa5: {  	[sflag:s17] =	ssyncadd.s32 $0xFFFFF800  }
0xa6: {  	s30 =	simm.s32 $0x0;
	[bflag:$0x0] =	sbarrier.arrive $0xFFFF  }
0xa7: {  	[tilespmem:s19], [sflag:$0x1] =	stream.indirect.gather [hbm4b:s5+s20], $0x40, s30, s20, $0xb8;
	[tilespmem:$0x11600] =	vst v63  }
0xa8: {  	_ =	swait.ge [sflag:s21], $0x1E00  }
0xa9: {  	[sflag:s21] =	ssyncset.done $0x0  }
0xaa: {  	s31 =	simm.s32 $0x2D00;
	[sflag:s21] =	ssyncadd.s32 $0xFFFFE200  }
0xab: {  	[spmem:s2] =	stream.indirect.scatter.add.f32 [tilespmem:s19], [sflag:$0x2], $0x40, s31, s20, $0xb8;
	[tilespmem:$0x11600] =	vst v63  }
0xac: {  	_ =	swait.ge [sflag:s17], $0x1E00  }
0xad: {  	s25 =	simm.s32 $0x1E0;
	s26 =	simm.s32 $0x3C0;
	[sflag:s17] =	ssyncset.done $0x0  }
.LBB2_12:
0xae: {  	s28 =	sshra.s32 s25, $0x2  }
0xaf: {  	[sflag:s17] =	ssyncadd.s32 $0xFFFFE200;
	s25 =	smov.u32 s26;
	s29 =	sadd.s32 $0x1E0, s26  }
0xb0: {  	[tilespmem:s19], [sflag:$0x1] =	stream.indirect.gather [hbm4b:s5+s20], $0x40, s28, s20, $0xb8;
	[tilespmem:$0x11600] =	vst v63  }
0xb1: {  	p1 =	sne.s32 s26, $0x8520;
	_ =	swait.ge [sflag:s21], $0x1E00  }
.Ltmp7:
0xb2: {  	[sflag:s21] =	ssyncset.done $0x0;
	(pc) =	sbr.rel @p1 .LBB2_12-.Ltmp7, $4  }
0xb3: {  	s26 =	sadd.s32 $0x2D00, s28;
	[sflag:s21] =	ssyncadd.s32 $0xFFFFE200  }
0xb4: {  	[spmem:s2] =	stream.indirect.scatter.add.f32 [tilespmem:s19], [sflag:$0x2], $0x40, s26, s20, $0xb8;
	[tilespmem:$0x11600] =	vst v63  }
0xb5: {  	_ =	swait.ge [sflag:s17], $0x1E00  }
0xb6: {  	s26 =	smov.u32 s29;
	[sflag:s17] =	ssyncset.done $0x0  }
0xb7: {  	s25 =	sshra.s32 s25, $0x2;
	[sflag:s17] =	ssyncadd.s32 $0xFFFFE200  }
0xb8: {  	[tilespmem:s19], [sflag:$0x1] =	stream.indirect.gather [hbm4b:s5+s20], $0x40, s25, s20, $0xb8;
	[tilespmem:$0x11600] =	vst v63  }
0xb9: {  	_ =	swait.ge [sflag:s21], $0x1E00  }
0xba: {  	[sflag:s21] =	ssyncset.done $0x0  }
.Ltmp8:
0xbb: {  	s25 =	sadd.s32 $0x2D00, s25;
	[sflag:s21] =	ssyncadd.s32 $0xFFFFE200;
	(pc) =	sbr.rel @p0 .LBB2_17-.Ltmp8, $4  }
0xbc: {  	[spmem:s2] =	stream.indirect.scatter.add.f32 [tilespmem:s19], [sflag:$0x2], $0x40, s25, s20, $0xb8;
	[tilespmem:$0x11600] =	vst v63  }
0xbd: {  	_ =	swait.ge [sflag:s17], $0x1E00  }
0xbe: {  	[sflag:s17] =	ssyncset.done $0x0  }
0xbf: {  	[sflag:s17] =	ssyncadd.s32 $0xFFFFE200  }
0xc0: {  	s25 =	simm.s32 $0x21C0  }
0xc1: {  	[tilespmem:s19], [sflag:$0x1] =	stream.indirect.gather [hbm4b:s5+s20], $0x40, s25, s20, $0xb8;
	[tilespmem:$0x11600] =	vst v63  }
0xc2: {  	_ =	swait.ge [sflag:s21], $0x1E00  }
0xc3: {  	[sflag:s21] =	ssyncset.done $0x0  }
0xc4: {  	s31 =	simm.s32 $0x4EC0;
	[sflag:s21] =	ssyncadd.s32 $0xFFFFE200  }
0xc5: {  	[spmem:s2] =	stream.indirect.scatter.add.f32 [tilespmem:s19], [sflag:$0x2], $0x40, s31, s20, $0xb8;
	[tilespmem:$0x11600] =	vst v63  }
0xc6: {  	_ =	swait.ge [sflag:s17], $0x1E00  }
0xc7: {  	s26 =	simm.s32 $0x3C0;
	s25 =	simm.s32 $0x78;
	[sflag:s17] =	ssyncset.done $0x0  }
.LBB2_15:
0xc8: {  	s28 =	sadd.s32 $0x21C0, s25  }
0xc9: {  	[sflag:s17] =	ssyncadd.s32 $0xFFFFE200;
	s29 =	smov.u32 s26;
	s30 =	sadd.s32 $0x1E0, s26  }
0xca: {  	[tilespmem:s19], [sflag:$0x1] =	stream.indirect.gather [hbm4b:s5+s20], $0x40, s28, s20, $0xb8;
	[tilespmem:$0x11600] =	vst v63  }
0xcb: {  	p1 =	sne.s32 s26, $0x2B20;
	_ =	swait.ge [sflag:s21], $0x1E00  }
.Ltmp9:
0xcc: {  	[sflag:s21] =	ssyncset.done $0x0;
	(pc) =	sbr.rel @p1 .LBB2_15-.Ltmp9, $4  }
0xcd: {  	s25 =	sadd.s32 $0x4EC0, s25;
	[sflag:s21] =	ssyncadd.s32 $0xFFFFE200  }
0xce: {  	[spmem:s2] =	stream.indirect.scatter.add.f32 [tilespmem:s19], [sflag:$0x2], $0x40, s25, s20, $0xb8;
	[tilespmem:$0x11600] =	vst v63  }
0xcf: {  	_ =	swait.ge [sflag:s17], $0x1E00  }
0xd0: {  	s26 =	smov.u32 s30;
	s25 =	sshra.s32 s29, $0x2;
	[sflag:s17] =	ssyncset.done $0x0  }
.Ltmp10:
0xd1: {  	_ = 	snop;
	(pc) =	sbr.rel .LBB2_16-.Ltmp10, $1  }
0xd2: {  	_ =	sdelay $0x3  }
.LBB2_18:
0xd3: {  	_ =	sfence.sel $0x180000  }
0xd4: {  	[bflag:$0x0] =	sbarrier.arrive $0xFFFF  }
0xd5: {  	p0 =	sne.s32 s1, $0x0;
	_ =	strace $0x9000004A  }
0xd6: {  	s0 =	sadd.s32 @!p0 $0x100000, s0;
	[bflag:$0x2] =	sbarrier.arrive $0xFFFF  }
0xd7: {  	[sflag:s0] =	ssyncadd.tile.s32 @!p0 $0x1;
	_ =	shalt  }
.Lfunc_end2:
_tile_overlayer_lowered:
.L_overlay_start_2:
0xd8: {  	(tag) =	ssettag $0x2  }
0xd9: {  	s0 =	rddreg [dreg:$0x0];
	s2 =	stileid.u32  }
0xda: {  	s1 =	rddreg [dreg:$0x1];
	p0 =	sne.s32 s2, $0x0  }
0xdb: {  	s3 =	rddreg [dreg:$0x2];
	[bflag:$0x3] =	sbarrier.arrive $0xFFFF;
	s2 =	simm.s32 @!p0 $0x1C02  }
0xdc: {  	[timem:s3], [sflag:s2] =	dma.local @!p0 [hbm:s0], s1  }
0xdd: {  	s0 =	simm.s32 @!p0 $0x2  }
0xde: {  	_ =	swait.ge @!p0 [sflag:s0], s1  }
0xdf: {  	s1 =	ssub.s32 @!p0 $0x0, s1;
	[sflag:s0] =	ssyncset.done @!p0 $0x0  }
0xe0: {  	[sflag:s0] =	ssyncadd.s32 @!p0 s1  }
0xe1: {  	[bflag:$0x3] =	sbarrier.arrive $0xFFFF  }
0xe2: {  	_ =	shalt  }

// kernel: kernel.14.cloned.1.call-start
scs
__scs_entry_jumppad:
0x0: {  	(pc) =	sbr.rel $0x88, $3  }
0x1: {  	(tag) =	ssettag $0x0;
	lr =	simm.s32 $0x1  }
0x2: {  	[smem:$0x3F9B] =	sst lr;
	_ =	strace $0xD0000000  }
0x3: {  	_ = 	snop  }
0x4: {  	_ = 	snop  }
0x5: {  	_ = 	snop  }
0x6: {  	_ = 	snop  }
0x7: {  	_ = 	snop  }
__scs_overlays_trampoline_lowered:
0x8: {  	[smem:$0x3FAA] =	sst s0  }
0x9: {  	[smem:$0x3FAB] =	sst s1  }
0xa: {  	[smem:$0x3FAC] =	sst s2  }
0xb: {  	[smem:$0x3FAD] =	sst s3  }
0xc: {  	[smem:$0x3FAE] =	sst s4  }
0xd: {  	[smem:$0x3FAF] =	sst s5  }
0xe: {  	[smem:$0x3FB0] =	sst s6  }
0xf: {  	[smem:$0x3FB1] =	sst s7  }
0x10: {  	[smem:$0x3FB2] =	sst s8  }
0x11: {  	[smem:$0x3FB3] =	sst s9;
	s0 =	simm.s32 @!p0 $0x0  }
0x12: {  	s1 =	sld [smem:$0x3F99];
	s0 =	simm.s32 @p0 $0x1  }
0x13: {  	[smem:$0x3FB4] =	sst s0;
	s0 =	simm.s32 @!p1 $0x0  }
0x14: {  	s2 =	sld [smem:$0x3F98];
	s0 =	simm.s32 @p1 $0x1  }
0x15: {  	[smem:$0x3FB5] =	sst s0;
	s0 =	simm.s32 @!p2 $0x0  }
0x16: {  	s3 =	sld [smem:$0x3FDB];
	s0 =	simm.s32 @p2 $0x1  }
0x17: {  	s4 =	simm.s32 $0x1BF5;
	[smem:$0x3FB7] =	sst s0  }
0x18: {  	s0 =	sld [smem:$0x3F9A];
	_ =	swait.ge [sflag:s4], $0x0  }
0x19: {  	s7 =	sld [smem:$0x3F9B]  }
0x1a: {  	s8 =	sadd.s32 $0xFFFFE003, lr  }
0x1b: {  	s9 =	sadd.s32 $0xFFFFFEF7, lr;
	s5 =	simm.s32 $0xFFFFFFFF;
	p2 =	slt.u32 s8, $0xFFFFF086  }
0x1c: {  	p1 =	slt.u32 s9, $0xF7A;
	s5 =	simm.s32 @!p2 $0x0  }
0x1d: {  	s5 =	simm.s32 @p1 $0x1;
	p0 =	seq.s32 s7, s2  }
0x1e: {  	s7 =	smul.u32 @!p0 $0xF7A, s2;
	p2 =	seq.s32 @!p0 s5, $0x0  }
0x1f: {  	s9 =	smul.u32 $0xF7A, s1;
	s8 =	simm.s32 @!p0 $0x1BF5;
	p2 =	por !p2, p0  }
0x20: {  	[sflag:s8] =	ssyncset.s32 @!p0 $0xFFFFF086;
	s6 =	sadd.s32 @!p0 s3, s7;
	s7 =	simm.s32 @!p0 $0x108  }
0x21: {  	s3 =	sadd.s32 s3, s9;
	s6 =	sadd.s32 @!p0 $0x88, s6;
	s7 =	simm.s32 @p2 $0x1082  }
0x22: {  	[simem:s7], [sflag:s8] =	dma.local @!p0 [hbm:s6], $0xF7A  }
0x23: {  	s9 =	sor.u32 $0xD0000000, s2;
	s6 =	simm.s32 $0x108;
	_ =	swait.ge @!p0 [sflag:s8], $0x0  }
0x24: {  	s3 =	sadd.s32 $0x88, s3;
	s6 =	simm.s32 @!p1 $0x1082;
	[sflag:s4] =	ssyncset.s32 $0xFFFFF086  }
0x25: {  	[simem:s6], [sflag:s4] =	dma.local [hbm:s3], $0xF7A  }
0x26: {  	[smem:$0x3F9B] =	sst s1;
	(tag) =	ssettag s2;
	_ =	strace s9  }
0x27: {  	s1 =	sld [smem:$0x3FAB]  }
0x28: {  	s2 =	sld [smem:$0x3FAC]  }
0x29: {  	s4 =	sld [smem:$0x3FAE]  }
0x2a: {  	p0 =	seq.s32 s5, $0x0;
	s5 =	sld [smem:$0x3FAF]  }
0x2b: {  	s6 =	sld [smem:$0x3FB0]  }
0x2c: {  	s7 =	sld [smem:$0x3FB1]  }
0x2d: {  	s3 =	simm.s32 $0x108;
	s8 =	sld [smem:$0x3FB2]  }
0x2e: {  	s3 =	simm.s32 @!p0 $0x1082;
	s9 =	sld [smem:$0x3FB3]  }
0x2f: {  	lr =	sadd.s32 s0, s3;
	s0 =	sld [smem:$0x3FAA]  }
0x30: {  	s3 =	sld [smem:$0x3FAD]  }
0x31: {  	[smem:$0x3FB6] =	sst s10  }
0x32: {  	s10 =	sld [smem:$0x3FB4];
	_ =	sdelay $0x3  }
0x33: {  	p0 =	seq.s32 s10, $0x1;
	s10 =	sld [smem:$0x3FB6];
	_ =	sdelay $0x3  }
0x34: {  	[smem:$0x3FB6] =	sst s10  }
0x35: {  	s10 =	sld [smem:$0x3FB5];
	_ =	sdelay $0x3  }
0x36: {  	p1 =	seq.s32 s10, $0x1;
	s10 =	sld [smem:$0x3FB6];
	_ =	sdelay $0x3  }
0x37: {  	[smem:$0x3FB6] =	sst s10  }
0x38: {  	s10 =	sld [smem:$0x3FB7]  }
0x39: {  	_ = 	snop;
	(pc) =	sbr.ind lr, $3  }
0x3a: {  	_ = 	snop  }
0x3b: {  	_ = 	snop  }
0x3c: {  	p2 =	seq.s32 s10, $0x1;
	s10 =	sld [smem:$0x3FB6]  }
0x3d: {  	_ =	shalt  }
0x3e: {  	_ =	shalt  }
0x3f: {  	_ =	shalt  }
0x40: {  	_ =	shalt  }
0x41: {  	_ =	shalt  }
0x42: {  	_ =	shalt  }
0x43: {  	_ =	shalt  }
0x44: {  	_ =	shalt  }
0x45: {  	_ =	shalt  }
0x46: {  	_ =	shalt  }
0x47: {  	_ =	shalt  }
0x48: {  	_ =	shalt  }
0x49: {  	_ =	shalt  }
0x4a: {  	_ =	shalt  }
0x4b: {  	_ =	shalt  }
0x4c: {  	_ =	shalt  }
0x4d: {  	_ =	shalt  }
0x4e: {  	_ =	shalt  }
0x4f: {  	_ =	shalt  }
0x50: {  	_ =	shalt  }
0x51: {  	_ =	shalt  }
0x52: {  	_ =	shalt  }
0x53: {  	_ =	shalt  }
0x54: {  	_ =	shalt  }
0x55: {  	_ =	shalt  }
0x56: {  	_ =	shalt  }
0x57: {  	_ =	shalt  }
0x58: {  	_ =	shalt  }
0x59: {  	_ =	shalt  }
0x5a: {  	_ =	shalt  }
0x5b: {  	_ =	shalt  }
0x5c: {  	_ =	shalt  }
0x5d: {  	_ =	shalt  }
0x5e: {  	_ =	shalt  }
0x5f: {  	_ =	shalt  }
0x60: {  	_ =	shalt  }
0x61: {  	_ =	shalt  }
0x62: {  	_ =	shalt  }
0x63: {  	_ =	shalt  }
0x64: {  	_ =	shalt  }
0x65: {  	_ =	shalt  }
0x66: {  	_ =	shalt  }
0x67: {  	_ =	shalt  }
0x68: {  	_ =	shalt  }
0x69: {  	_ =	shalt  }
0x6a: {  	_ =	shalt  }
0x6b: {  	_ =	shalt  }
0x6c: {  	_ =	shalt  }
0x6d: {  	_ =	shalt  }
0x6e: {  	_ =	shalt  }
0x6f: {  	_ =	shalt  }
0x70: {  	_ =	shalt  }
0x71: {  	_ =	shalt  }
0x72: {  	_ =	shalt  }
0x73: {  	_ =	shalt  }
0x74: {  	_ =	shalt  }
0x75: {  	_ =	shalt  }
0x76: {  	_ =	shalt  }
0x77: {  	_ =	shalt  }
0x78: {  	_ =	shalt  }
0x79: {  	_ =	shalt  }
0x7a: {  	_ =	shalt  }
0x7b: {  	_ =	shalt  }
0x7c: {  	_ =	shalt  }
0x7d: {  	_ =	shalt  }
0x7e: {  	_ =	shalt  }
0x7f: {  	_ =	shalt  }
0x80: {  	_ =	shalt  }
0x81: {  	_ =	shalt  }
0x82: {  	_ =	shalt  }
0x83: {  	_ =	shalt  }
0x84: {  	_ =	shalt  }
0x85: {  	_ =	shalt  }
0x86: {  	_ =	shalt  }
0x87: {  	_ =	shalt  }
.Lfunc_end0:
.L_simem_size_0:
called_computation.2_lowered:
.L_overlay_start_0:
0x88: {  	s2 =	sld [smem:$0x3FD9]  }
0x89: {  	s3 =	sld [smem:$0x3FFE];
	_ =	sdelay $0x1  }
0x8a: {  	s1 =	srdreg.scid  }
0x8b: {  	s0 =	sand.u32 $0x1, s1  }
0x8c: {  	s17 =	sshll.u32 s0, $0xA;
	s2 =	sadd.s32 s3, s2  }
0x8d: {  	s2 =	sadd.s32 s2, s17  }
0x8e: {  	[smem:$0x3FC2] =	sst s2  }
0x8f: {  	_ = 	snop  }
0x90: {  	s2 =	sld [smem:$0x3FD0];
	(tm) =	ssettm $0x1  }
0x91: {  	s18 =	sld [smem:$0x3FFB];
	_ =	sdelay $0x3  }
0x92: {  	_ =	strace s18  }
0x93: {  	s3 =	sld [smem:$0x3FFC];
	_ =	sdelay $0x3  }
0x94: {  	_ =	strace s3  }
0x95: {  	s3 =	sld [smem:$0x3FFD];
	_ =	sdelay $0x3  }
0x96: {  	_ =	strace s3  }
0x97: {  	_ =	strace $0x8FFFFFFF  }
0x98: {  	s19 =	sld [smem:$0x3FDB];
	_ =	sdelay $0x1  }
0x99: {  	s4 =	simm.s32 $_scs_section_size  }
0x9a: {  	s5 =	simm.s32 $_size__tile_overlayer_lowered;
	s6 =	simm.s32 $_tile_overlayer_lowered  }
0x9b: {  	s22 =	simm.s32 $0x1BFF;
	s21 =	sshll.u32 s6, $0x1;
	s3 =	sadd.s32 s4, s19  }
0x9c: {  	s7 =	simm.s32 $0x0;
	s20 =	sshll.u32 s5, $0x1;
	s5 =	sadd.s32 s21, s3  }
0x9d: {  	[timem:s7], [sflag:s22] =	dma.local [hbm:s5], s20  }
0x9e: {  	_ =	swait.ge [sflag:s22], s20  }
0x9f: {  	s4 =	ssub.s32 $0x0, s20;
	[sflag:s22] =	ssyncset.done $0x0  }
0xa0: {  	[sflag:s22] =	ssyncadd.s32 s4;
	_ =	sdelay $0x1  }
0xa1: {  	s23 =	simm.s32 $0x1B8B  }
0xa2: {  	_ =	swait.ge [sflag:s23], $0x1  }
0xa3: {  	[sflag:s23] =	ssyncset.done $0x0  }
0xa4: {  	s25 =	simm.s32 $0x1B8E;
	s24 =	sld [smem:$0x3FFE];
	[sflag:s23] =	ssyncadd.s32 $0xFFFFFFFF  }
0xa5: {  	s26 =	simm.s32 $execute0_lowered;
	[smem:$0x3FD2] =	sst s25  }
0xa6: {  	s5 =	sshll.u32 s26, $0x1;
	_ =	strace $0x8000004C;
	[dreg:$0x1] =	wrdreg $0xFFFFFFFF  }
0xa7: {  	s28 =	simm.s32 $_size_execute0_lowered;
	s3 =	sadd.s32 s3, s5;
	[dreg:$0x0] =	wrdreg $0x0  }
0xa8: {  	s5 =	sshll.u32 s28, $0x1;
	[dreg:$0x2] =	wrdreg s3  }
0xa9: {  	[dreg:$0x3] =	wrdreg s5  }
0xaa: {  	[dreg:$0x4] =	wrdreg $0xC0  }
0xab: {  	_ =	task [dreg:s7], $0x5FFFF  }
0xac: {  	[dreg:$0x1] =	wrdreg $0xFFFFFFFF  }
0xad: {  	[dreg:$0x0] =	wrdreg $0x60  }
0xae: {  	[dreg:$0x2] =	wrdreg s2  }
0xaf: {  	[dreg:$0x3] =	wrdreg s24  }
0xb0: {  	[dreg:$0x4] =	wrdreg $0x78000  }
0xb1: {  	[dreg:$0x5] =	wrdreg $0x9  }
0xb2: {  	_ =	task.clear_ibuf [dreg:s7], $0x6FFFF;
	_ =	strace $0x9000004C  }
0xb3: {  	s29 =	simm.s32 $0x9;
	_ =	strace $0x8000004E  }
0xb4: {  	_ =	swait.ge [sflag:s29], $0x1  }
0xb5: {  	[sflag:s29] =	ssyncadd.s32 $0xFFFFFFFF  }
0xb6: {  	_ =	strace $0x9000004E  }
0xb7: {  	_ =	sfence  }
0xb8: {  	s30 =	sld [smem:$0x0];
	_ =	sdelay $0x2  }
0xb9: {  	s31 =	sshll.u32 s1, $0xD;
	s1 =	sshrl.u32 s1, $0x2  }
0xba: {  	s3 =	sand.u32 $0x4000, s31;
	s1 =	sadd.s32 s1, s30  }
0xbb: {  	s0 =	sor.u32 s3, s0;
	s1 =	sshll.u32 s1, $0x11  }
0xbc: {  	s0 =	sor.u32 s1, s0  }
0xbd: {  	s0 =	sadd.s32 $0x8F2B, s0  }
0xbe: {  	[sflag:s0] =	ssyncadd.remote.s32 $0x1  }
0xbf: {  	_ =	sfence.sel $0xFFFF  }
0xc0: {  	[dreg:$0x0] =	wrdreg $0xFFFFFFFF;
	(pc) =	sbr.abs _section_cstart, $3  }
0xc1: {  	[dreg:$0x1] =	wrdreg $0xFFFFFFFF  }
0xc2: {  	_ =	task.clear_ibuf [dreg:s7], $0x2FFFF;
	_ =	strace $0x9FFFFFFF  }
0xc3: {  	(tm) =	ssettm $0x7FFFFFFF  }
tec
execute0_lowered:
.L_overlay_start_1:
0x0: {  	(tag) =	ssettag $0x1  }
0x1: {  	s1 =	rddreg [dreg:$0x0]  }
0x2: {  	s6 =	rddreg [dreg:$0x1]  }
0x3: {  	s3 =	rddreg [dreg:$0x2]  }
0x4: {  	s4 =	srdreg.scid;
	s0 =	rddreg [dreg:$0x3]  }
0x5: {  	s2 =	stileid.u32;
	s17 =	simm.s32 $0x2;
	s18 =	simm.s32 $0x2D00  }
0x6: {  	s19 =	simm.s32 $0x5A00;
	s20 =	simm.s32 $0x78;
	s21 =	simm.s32 $0x1  }
0x7: {  	s22 =	sand.u32 $0x1, s4;
	s4 =	simm.s32 $0x0;
	s7 =	smul.u32 $0x278, s2  }
0x8: {  	s10 =	smul.u32 $0x27800, s2;
	s5 =	sshll.u32 s22, $0x4;
	[smem:$0x7FF] =	sst s4  }
0x9: {  	s9 =	smul.u32 $0x2780, s22;
	s30 =	ssub.s32 $0x2, s22;
	p0 =	sne.s32 s22, $0x0  }
0xa: {  	s22 =	simm.s32 $0x0;
	s8 =	sor.u32 s2, s5;
	_ =	strace $0x8000004D  }
0xb: {  	s5 =	sadd.s32 $0x23200, s6;
	s11 =	sshrl.u32 s30, $0x1;
	s8 =	smul.u32 $0x5A0, s8  }
0xc: {  	s31 =	sshrl.u32 s10, $0x2;
	s7 =	sadd.s32 s7, s9;
	s16 =	ssub.s32 s30, s11  }
.Ltmp0:
0xd: {  	s7 =	sshll.u32 s7, $0x3;
	s8 =	sadd.s32 s8, s6;
	(pc) =	sbr.rel .LBB2_1-.Ltmp0, $4  }
0xe: {  	s16 =	smax.u32 s16, $0x1;
	s15 =	sadd.s32 s7, s6;
	s6 =	sadd.s32 $0xCA00, s8  }
0xf: {  	s7 =	sadd.s32 $0x17E00, s8;
	s8 =	sadd.s32 s31, s3;
	s14 =	sadd.s32 $0x5E400, s15  }
0x10: {  	s15 =	sadd.s32 $0x36C00, s15;
	s9 =	sadd.s32 $0x1E00, s8;
	s10 =	sadd.s32 $0x3C00, s8  }
0x11: {  	v0 =	vimm.f32 $0.0e+00;
	s11 =	sadd.s32 $0x5A00, s8;
	s12 =	sadd.s32 $0x7800, s8;
	s13 =	sadd.s32 $0x9600, s8  }
.LBB2_16:
0x12: {  	s26 =	sadd.s32 $0x21C0, s25;
	[sflag:s17] =	ssyncadd.s32 $0xFFFFE200  }
0x13: {  	[tilespmem:s19], [sflag:$0x1] =	stream.indirect.gather [hbm4b:s5+s20], $0x40, s26, s20, $0xb8;
	[tilespmem:$0x11600] =	vst v63  }
0x14: {  	_ =	swait.ge [sflag:s21], $0x1E00  }
0x15: {  	[sflag:s21] =	ssyncset.done $0x0  }
0x16: {  	s31 =	sadd.s32 $0x4EC0, s25;
	[sflag:s21] =	ssyncadd.s32 $0xFFFFE200  }
0x17: {  	[spmem:s3] =	stream.indirect.scatter.add.f32 [tilespmem:s19], [sflag:$0x2], $0x40, s31, s20, $0xb8;
	[tilespmem:$0x11600] =	vst v63  }
0x18: {  	_ =	swait.ge [sflag:s17], $0x1E00  }
0x19: {  	[sflag:s17] =	ssyncset.done $0x0  }
0x1a: {  	[sflag:s17] =	ssyncadd.s32 $0xFFFFE200  }
.LBB2_17:
0x1b: {  	s22 =	sadd.s32 $0x1, s22  }
0x1c: {  	p1 =	sne.s32 s22, s16  }
.Ltmp1:
0x1d: {  	[bflag:$0x0] =	sbarrier.arrive $0xFFFF;
	(pc) =	sbr.rel @!p1 .LBB2_18-.Ltmp1, $4  }
0x1e: {  	[hbm:s15], [sflag:s23] =	dma.local [spmem:s24], $0x13C0  }
0x1f: {  	_ =	swait.ge [sflag:s17], $0x13C0  }
0x20: {  	[sflag:s17] =	ssyncset.done $0x0  }
0x21: {  	[sflag:s17] =	ssyncadd.s32 $0xFFFFEC40  }
.LBB2_1:
0x22: {  	[tilespmem:s4], [sflag:$0x2] =	stream.linear.gather [hbm4b:s6+s4], $0x2D00, $0x38;
	[tilespmem:$0x11600] =	vst v63  }
0x23: {  	_ =	swait.ge [sflag:s17], $0x2D00  }
0x24: {  	[sflag:s17] =	ssyncset.done $0x0  }
0x25: {  	[sflag:s17] =	ssyncadd.s32 $0xFFFFD300  }
0x26: {  	[tilespmem:s18], [sflag:$0x2] =	stream.linear.gather [hbm4b:s7+s4], $0x2D00, $0x38;
	[tilespmem:$0x11600] =	vst v63  }
0x27: {  	_ =	swait.ge [sflag:s17], $0x2D00  }
0x28: {  	[sflag:s17] =	ssyncset.done $0x0  }
0x29: {  	s24 =	simm.s32 $0x100;
	s23 =	simm.s32 $0x0;
	[sflag:s17] =	ssyncadd.s32 $0xFFFFD300  }
.LBB2_2:
0x2a: {  	p1 =	sne.s32 s24, $0x7700;
	[tilespmem:s23+$0x5A30] =	vst v0;
	s25 =	smov.u32 s24;
	s24 =	sadd.s32 $0x100, s24  }
.Ltmp2:
0x2b: {  	[tilespmem:s23+$0x5A20] =	vst v0;
	(pc) =	sbr.rel @p1 .LBB2_2-.Ltmp2, $3  }
0x2c: {  	[tilespmem:s23+$0x5A00] =	vst v0  }
0x2d: {  	[tilespmem:s23+$0x5A10] =	vst v0;
	_ =	sdelay $0x1  }
0x2e: {  	s23 =	sshra.s32 s25, $0x2  }
0x2f: {  	[tilespmem:s23+$0x5A30] =	vst v0  }
0x30: {  	[tilespmem:s23+$0x5A20] =	vst v0  }
0x31: {  	[tilespmem:s23+$0x5A00] =	vst v0  }
0x32: {  	[tilespmem:s23+$0x5A10] =	vst v0  }
0x33: {  	[spmem:s8] =	stream.linear.scatter [tilespmem:s19], [sflag:$0x2], $0x1E00, $0x38;
	[tilespmem:$0x11600] =	vst v63  }
0x34: {  	_ =	swait.ge [sflag:s17], $0x1E00  }
0x35: {  	[sflag:s17] =	ssyncset.done $0x0  }
0x36: {  	[sflag:s17] =	ssyncadd.s32 $0xFFFFE200  }
0x37: {  	[spmem:s9] =	stream.linear.scatter [tilespmem:s19], [sflag:$0x2], $0x1E00, $0x38;
	[tilespmem:$0x11600] =	vst v63  }
0x38: {  	_ =	swait.ge [sflag:s17], $0x1E00  }
0x39: {  	[sflag:s17] =	ssyncset.done $0x0  }
0x3a: {  	[sflag:s17] =	ssyncadd.s32 $0xFFFFE200  }
0x3b: {  	[spmem:s10] =	stream.linear.scatter [tilespmem:s19], [sflag:$0x2], $0x1E00, $0x38;
	[tilespmem:$0x11600] =	vst v63  }
0x3c: {  	_ =	swait.ge [sflag:s17], $0x1E00  }
0x3d: {  	[sflag:s17] =	ssyncset.done $0x0  }
0x3e: {  	[sflag:s17] =	ssyncadd.s32 $0xFFFFE200  }
0x3f: {  	[spmem:s11] =	stream.linear.scatter [tilespmem:s19], [sflag:$0x2], $0x1E00, $0x38;
	[tilespmem:$0x11600] =	vst v63  }
0x40: {  	_ =	swait.ge [sflag:s17], $0x1E00  }
0x41: {  	[sflag:s17] =	ssyncset.done $0x0  }
0x42: {  	[sflag:s17] =	ssyncadd.s32 $0xFFFFE200  }
0x43: {  	[spmem:s12] =	stream.linear.scatter [tilespmem:s19], [sflag:$0x2], $0x1E00, $0x38;
	[tilespmem:$0x11600] =	vst v63  }
0x44: {  	_ =	swait.ge [sflag:s17], $0x1E00  }
0x45: {  	[sflag:s17] =	ssyncset.done $0x0  }
0x46: {  	[sflag:s17] =	ssyncadd.s32 $0xFFFFE200  }
0x47: {  	[spmem:s13] =	stream.linear.scatter [tilespmem:s19], [sflag:$0x2], $0x800, $0x38;
	[tilespmem:$0x11600] =	vst v63  }
0x48: {  	_ =	swait.ge [sflag:s17], $0x800  }
0x49: {  	[sflag:s17] =	ssyncset.done $0x0  }
0x4a: {  	[sflag:s17] =	ssyncadd.s32 $0xFFFFF800  }
0x4b: {  	s30 =	simm.s32 $0x0;
	[bflag:$0x0] =	sbarrier.arrive $0xFFFF  }
0x4c: {  	[tilespmem:s19], [sflag:$0x1] =	stream.indirect.gather [hbm4b:s1+s20], $0x40, s30, s20, $0xb8;
	[tilespmem:$0x11600] =	vst v63  }
0x4d: {  	_ =	swait.ge [sflag:s21], $0x1E00  }
0x4e: {  	[sflag:s21] =	ssyncset.done $0x0  }
0x4f: {  	s31 =	simm.s32 $0x2D00;
	[sflag:s21] =	ssyncadd.s32 $0xFFFFE200  }
0x50: {  	[spmem:s3] =	stream.indirect.scatter.add.f32 [tilespmem:s19], [sflag:$0x2], $0x40, s31, s20, $0xb8;
	[tilespmem:$0x11600] =	vst v63  }
0x51: {  	_ =	swait.ge [sflag:s17], $0x1E00  }
0x52: {  	s23 =	simm.s32 $0x1E0;
	s24 =	simm.s32 $0x3C0;
	[sflag:s17] =	ssyncset.done $0x0  }
.LBB2_4:
0x53: {  	s25 =	sshra.s32 s23, $0x2  }
0x54: {  	[sflag:s17] =	ssyncadd.s32 $0xFFFFE200;
	s23 =	smov.u32 s24;
	s26 =	sadd.s32 $0x1E0, s24  }
0x55: {  	[tilespmem:s19], [sflag:$0x1] =	stream.indirect.gather [hbm4b:s1+s20], $0x40, s25, s20, $0xb8;
	[tilespmem:$0x11600] =	vst v63  }
0x56: {  	p1 =	sne.s32 s24, $0x8520;
	_ =	swait.ge [sflag:s21], $0x1E00  }
.Ltmp3:
0x57: {  	[sflag:s21] =	ssyncset.done $0x0;
	(pc) =	sbr.rel @p1 .LBB2_4-.Ltmp3, $4  }
0x58: {  	s24 =	sadd.s32 $0x2D00, s25;
	[sflag:s21] =	ssyncadd.s32 $0xFFFFE200  }
0x59: {  	[spmem:s3] =	stream.indirect.scatter.add.f32 [tilespmem:s19], [sflag:$0x2], $0x40, s24, s20, $0xb8;
	[tilespmem:$0x11600] =	vst v63  }
0x5a: {  	_ =	swait.ge [sflag:s17], $0x1E00  }
0x5b: {  	s24 =	smov.u32 s26;
	[sflag:s17] =	ssyncset.done $0x0  }
0x5c: {  	s23 =	sshra.s32 s23, $0x2;
	[sflag:s17] =	ssyncadd.s32 $0xFFFFE200  }
0x5d: {  	[tilespmem:s19], [sflag:$0x1] =	stream.indirect.gather [hbm4b:s1+s20], $0x40, s23, s20, $0xb8;
	[tilespmem:$0x11600] =	vst v63  }
0x5e: {  	_ =	swait.ge [sflag:s21], $0x1E00  }
0x5f: {  	[sflag:s21] =	ssyncset.done $0x0  }
.Ltmp4:
0x60: {  	s23 =	sadd.s32 $0x2D00, s23;
	[sflag:s21] =	ssyncadd.s32 $0xFFFFE200;
	(pc) =	sbr.rel @p0 .LBB2_9-.Ltmp4, $4  }
0x61: {  	[spmem:s3] =	stream.indirect.scatter.add.f32 [tilespmem:s19], [sflag:$0x2], $0x40, s23, s20, $0xb8;
	[tilespmem:$0x11600] =	vst v63  }
0x62: {  	_ =	swait.ge [sflag:s17], $0x1E00  }
0x63: {  	[sflag:s17] =	ssyncset.done $0x0  }
0x64: {  	[sflag:s17] =	ssyncadd.s32 $0xFFFFE200  }
0x65: {  	s23 =	simm.s32 $0x21C0  }
0x66: {  	[tilespmem:s19], [sflag:$0x1] =	stream.indirect.gather [hbm4b:s1+s20], $0x40, s23, s20, $0xb8;
	[tilespmem:$0x11600] =	vst v63  }
0x67: {  	_ =	swait.ge [sflag:s21], $0x1E00  }
0x68: {  	[sflag:s21] =	ssyncset.done $0x0  }
0x69: {  	s31 =	simm.s32 $0x4EC0;
	[sflag:s21] =	ssyncadd.s32 $0xFFFFE200  }
0x6a: {  	[spmem:s3] =	stream.indirect.scatter.add.f32 [tilespmem:s19], [sflag:$0x2], $0x40, s31, s20, $0xb8;
	[tilespmem:$0x11600] =	vst v63  }
0x6b: {  	_ =	swait.ge [sflag:s17], $0x1E00  }
0x6c: {  	s24 =	simm.s32 $0x3C0;
	s23 =	simm.s32 $0x78;
	[sflag:s17] =	ssyncset.done $0x0  }
.LBB2_7:
0x6d: {  	s25 =	sadd.s32 $0x21C0, s23  }
0x6e: {  	[sflag:s17] =	ssyncadd.s32 $0xFFFFE200;
	s26 =	smov.u32 s24;
	s28 =	sadd.s32 $0x1E0, s24  }
0x6f: {  	[tilespmem:s19], [sflag:$0x1] =	stream.indirect.gather [hbm4b:s1+s20], $0x40, s25, s20, $0xb8;
	[tilespmem:$0x11600] =	vst v63  }
0x70: {  	p1 =	sne.s32 s24, $0x2B20;
	_ =	swait.ge [sflag:s21], $0x1E00  }
.Ltmp5:
0x71: {  	[sflag:s21] =	ssyncset.done $0x0;
	(pc) =	sbr.rel @p1 .LBB2_7-.Ltmp5, $4  }
0x72: {  	s23 =	sadd.s32 $0x4EC0, s23;
	[sflag:s21] =	ssyncadd.s32 $0xFFFFE200  }
0x73: {  	[spmem:s3] =	stream.indirect.scatter.add.f32 [tilespmem:s19], [sflag:$0x2], $0x40, s23, s20, $0xb8;
	[tilespmem:$0x11600] =	vst v63  }
0x74: {  	_ =	swait.ge [sflag:s17], $0x1E00  }
0x75: {  	s24 =	smov.u32 s28;
	s23 =	sshra.s32 s26, $0x2;
	[sflag:s17] =	ssyncset.done $0x0  }
0x76: {  	s24 =	sadd.s32 $0x21C0, s23;
	[sflag:s17] =	ssyncadd.s32 $0xFFFFE200  }
0x77: {  	[tilespmem:s19], [sflag:$0x1] =	stream.indirect.gather [hbm4b:s1+s20], $0x40, s24, s20, $0xb8;
	[tilespmem:$0x11600] =	vst v63  }
0x78: {  	_ =	swait.ge [sflag:s21], $0x1E00  }
0x79: {  	[sflag:s21] =	ssyncset.done $0x0  }
0x7a: {  	s31 =	sadd.s32 $0x4EC0, s23;
	[sflag:s21] =	ssyncadd.s32 $0xFFFFE200  }
0x7b: {  	[spmem:s3] =	stream.indirect.scatter.add.f32 [tilespmem:s19], [sflag:$0x2], $0x40, s31, s20, $0xb8;
	[tilespmem:$0x11600] =	vst v63  }
0x7c: {  	_ =	swait.ge [sflag:s17], $0x1E00  }
0x7d: {  	[sflag:s17] =	ssyncset.done $0x0  }
0x7e: {  	[sflag:s17] =	ssyncadd.s32 $0xFFFFE200  }
.LBB2_9:
0x7f: {  	s23 =	sshll.u32 s2, $0x6  }
0x80: {  	[bflag:$0x0] =	sbarrier.arrive $0xFFFF;
	s24 =	sshrl.u32 s8, $0x3;
	s23 =	sor.u32 $0x1C02, s23  }
0x81: {  	[hbm:s14], [sflag:s23] =	dma.local [spmem:s24], $0x13C0  }
0x82: {  	_ =	swait.ge [sflag:s17], $0x13C0  }
0x83: {  	[sflag:s17] =	ssyncset.done $0x0  }
0x84: {  	[sflag:s17] =	ssyncadd.s32 $0xFFFFEC40  }
0x85: {  	s26 =	simm.s32 $0x100;
	s25 =	simm.s32 $0x0;
	[bflag:$0x0] =	sbarrier.arrive $0xFFFF  }
.LBB2_10:
0x86: {  	p1 =	sne.s32 s26, $0x7700;
	[tilespmem:s25+$0x5A30] =	vst v0;
	s28 =	smov.u32 s26;
	s26 =	sadd.s32 $0x100, s26  }
.Ltmp6:
0x87: {  	[tilespmem:s25+$0x5A20] =	vst v0;
	(pc) =	sbr.rel @p1 .LBB2_10-.Ltmp6, $3  }
0x88: {  	[tilespmem:s25+$0x5A00] =	vst v0  }
0x89: {  	[tilespmem:s25+$0x5A10] =	vst v0;
	_ =	sdelay $0x1  }
0x8a: {  	s25 =	sshra.s32 s28, $0x2  }
0x8b: {  	[tilespmem:s25+$0x5A30] =	vst v0  }
0x8c: {  	[tilespmem:s25+$0x5A20] =	vst v0  }
0x8d: {  	[tilespmem:s25+$0x5A00] =	vst v0  }
0x8e: {  	[tilespmem:s25+$0x5A10] =	vst v0  }
0x8f: {  	[spmem:s8] =	stream.linear.scatter [tilespmem:s19], [sflag:$0x2], $0x1E00, $0x38;
	[tilespmem:$0x11600] =	vst v63  }
0x90: {  	_ =	swait.ge [sflag:s17], $0x1E00  }
0x91: {  	[sflag:s17] =	ssyncset.done $0x0  }
0x92: {  	[sflag:s17] =	ssyncadd.s32 $0xFFFFE200  }
0x93: {  	[spmem:s9] =	stream.linear.scatter [tilespmem:s19], [sflag:$0x2], $0x1E00, $0x38;
	[tilespmem:$0x11600] =	vst v63  }
0x94: {  	_ =	swait.ge [sflag:s17], $0x1E00  }
0x95: {  	[sflag:s17] =	ssyncset.done $0x0  }
0x96: {  	[sflag:s17] =	ssyncadd.s32 $0xFFFFE200  }
0x97: {  	[spmem:s10] =	stream.linear.scatter [tilespmem:s19], [sflag:$0x2], $0x1E00, $0x38;
	[tilespmem:$0x11600] =	vst v63  }
0x98: {  	_ =	swait.ge [sflag:s17], $0x1E00  }
0x99: {  	[sflag:s17] =	ssyncset.done $0x0  }
0x9a: {  	[sflag:s17] =	ssyncadd.s32 $0xFFFFE200  }
0x9b: {  	[spmem:s11] =	stream.linear.scatter [tilespmem:s19], [sflag:$0x2], $0x1E00, $0x38;
	[tilespmem:$0x11600] =	vst v63  }
0x9c: {  	_ =	swait.ge [sflag:s17], $0x1E00  }
0x9d: {  	[sflag:s17] =	ssyncset.done $0x0  }
0x9e: {  	[sflag:s17] =	ssyncadd.s32 $0xFFFFE200  }
0x9f: {  	[spmem:s12] =	stream.linear.scatter [tilespmem:s19], [sflag:$0x2], $0x1E00, $0x38;
	[tilespmem:$0x11600] =	vst v63  }
0xa0: {  	_ =	swait.ge [sflag:s17], $0x1E00  }
0xa1: {  	[sflag:s17] =	ssyncset.done $0x0  }
0xa2: {  	[sflag:s17] =	ssyncadd.s32 $0xFFFFE200  }
0xa3: {  	[spmem:s13] =	stream.linear.scatter [tilespmem:s19], [sflag:$0x2], $0x800, $0x38;
	[tilespmem:$0x11600] =	vst v63  }
0xa4: {  	_ =	swait.ge [sflag:s17], $0x800  }
0xa5: {  	[sflag:s17] =	ssyncset.done $0x0  }
0xa6: {  	[sflag:s17] =	ssyncadd.s32 $0xFFFFF800  }
0xa7: {  	s30 =	simm.s32 $0x0;
	[bflag:$0x0] =	sbarrier.arrive $0xFFFF  }
0xa8: {  	[tilespmem:s19], [sflag:$0x1] =	stream.indirect.gather [hbm4b:s5+s20], $0x40, s30, s20, $0xb8;
	[tilespmem:$0x11600] =	vst v63  }
0xa9: {  	_ =	swait.ge [sflag:s21], $0x1E00  }
0xaa: {  	[sflag:s21] =	ssyncset.done $0x0  }
0xab: {  	s31 =	simm.s32 $0x2D00;
	[sflag:s21] =	ssyncadd.s32 $0xFFFFE200  }
0xac: {  	[spmem:s3] =	stream.indirect.scatter.add.f32 [tilespmem:s19], [sflag:$0x2], $0x40, s31, s20, $0xb8;
	[tilespmem:$0x11600] =	vst v63  }
0xad: {  	_ =	swait.ge [sflag:s17], $0x1E00  }
0xae: {  	s25 =	simm.s32 $0x1E0;
	s26 =	simm.s32 $0x3C0;
	[sflag:s17] =	ssyncset.done $0x0  }
.LBB2_12:
0xaf: {  	s28 =	sshra.s32 s25, $0x2  }
0xb0: {  	[sflag:s17] =	ssyncadd.s32 $0xFFFFE200;
	s25 =	smov.u32 s26;
	s29 =	sadd.s32 $0x1E0, s26  }
0xb1: {  	[tilespmem:s19], [sflag:$0x1] =	stream.indirect.gather [hbm4b:s5+s20], $0x40, s28, s20, $0xb8;
	[tilespmem:$0x11600] =	vst v63  }
0xb2: {  	p1 =	sne.s32 s26, $0x8520;
	_ =	swait.ge [sflag:s21], $0x1E00  }
.Ltmp7:
0xb3: {  	[sflag:s21] =	ssyncset.done $0x0;
	(pc) =	sbr.rel @p1 .LBB2_12-.Ltmp7, $4  }
0xb4: {  	s26 =	sadd.s32 $0x2D00, s28;
	[sflag:s21] =	ssyncadd.s32 $0xFFFFE200  }
0xb5: {  	[spmem:s3] =	stream.indirect.scatter.add.f32 [tilespmem:s19], [sflag:$0x2], $0x40, s26, s20, $0xb8;
	[tilespmem:$0x11600] =	vst v63  }
0xb6: {  	_ =	swait.ge [sflag:s17], $0x1E00  }
0xb7: {  	s26 =	smov.u32 s29;
	[sflag:s17] =	ssyncset.done $0x0  }
0xb8: {  	s25 =	sshra.s32 s25, $0x2;
	[sflag:s17] =	ssyncadd.s32 $0xFFFFE200  }
0xb9: {  	[tilespmem:s19], [sflag:$0x1] =	stream.indirect.gather [hbm4b:s5+s20], $0x40, s25, s20, $0xb8;
	[tilespmem:$0x11600] =	vst v63  }
0xba: {  	_ =	swait.ge [sflag:s21], $0x1E00  }
0xbb: {  	[sflag:s21] =	ssyncset.done $0x0  }
.Ltmp8:
0xbc: {  	s25 =	sadd.s32 $0x2D00, s25;
	[sflag:s21] =	ssyncadd.s32 $0xFFFFE200;
	(pc) =	sbr.rel @p0 .LBB2_17-.Ltmp8, $4  }
0xbd: {  	[spmem:s3] =	stream.indirect.scatter.add.f32 [tilespmem:s19], [sflag:$0x2], $0x40, s25, s20, $0xb8;
	[tilespmem:$0x11600] =	vst v63  }
0xbe: {  	_ =	swait.ge [sflag:s17], $0x1E00  }
0xbf: {  	[sflag:s17] =	ssyncset.done $0x0  }
0xc0: {  	[sflag:s17] =	ssyncadd.s32 $0xFFFFE200  }
0xc1: {  	s25 =	simm.s32 $0x21C0  }
0xc2: {  	[tilespmem:s19], [sflag:$0x1] =	stream.indirect.gather [hbm4b:s5+s20], $0x40, s25, s20, $0xb8;
	[tilespmem:$0x11600] =	vst v63  }
0xc3: {  	_ =	swait.ge [sflag:s21], $0x1E00  }
0xc4: {  	[sflag:s21] =	ssyncset.done $0x0  }
0xc5: {  	s31 =	simm.s32 $0x4EC0;
	[sflag:s21] =	ssyncadd.s32 $0xFFFFE200  }
0xc6: {  	[spmem:s3] =	stream.indirect.scatter.add.f32 [tilespmem:s19], [sflag:$0x2], $0x40, s31, s20, $0xb8;
	[tilespmem:$0x11600] =	vst v63  }
0xc7: {  	_ =	swait.ge [sflag:s17], $0x1E00  }
0xc8: {  	s26 =	simm.s32 $0x3C0;
	s25 =	simm.s32 $0x78;
	[sflag:s17] =	ssyncset.done $0x0  }
.LBB2_15:
0xc9: {  	s28 =	sadd.s32 $0x21C0, s25  }
0xca: {  	[sflag:s17] =	ssyncadd.s32 $0xFFFFE200;
	s29 =	smov.u32 s26;
	s30 =	sadd.s32 $0x1E0, s26  }
0xcb: {  	[tilespmem:s19], [sflag:$0x1] =	stream.indirect.gather [hbm4b:s5+s20], $0x40, s28, s20, $0xb8;
	[tilespmem:$0x11600] =	vst v63  }
0xcc: {  	p1 =	sne.s32 s26, $0x2B20;
	_ =	swait.ge [sflag:s21], $0x1E00  }
.Ltmp9:
0xcd: {  	[sflag:s21] =	ssyncset.done $0x0;
	(pc) =	sbr.rel @p1 .LBB2_15-.Ltmp9, $4  }
0xce: {  	s25 =	sadd.s32 $0x4EC0, s25;
	[sflag:s21] =	ssyncadd.s32 $0xFFFFE200  }
0xcf: {  	[spmem:s3] =	stream.indirect.scatter.add.f32 [tilespmem:s19], [sflag:$0x2], $0x40, s25, s20, $0xb8;
	[tilespmem:$0x11600] =	vst v63  }
0xd0: {  	_ =	swait.ge [sflag:s17], $0x1E00  }
0xd1: {  	s26 =	smov.u32 s30;
	s25 =	sshra.s32 s29, $0x2;
	[sflag:s17] =	ssyncset.done $0x0  }
.Ltmp10:
0xd2: {  	_ = 	snop;
	(pc) =	sbr.rel .LBB2_16-.Ltmp10, $1  }
0xd3: {  	_ =	sdelay $0x3  }
.LBB2_18:
0xd4: {  	_ =	sfence.sel $0x180000  }
0xd5: {  	[bflag:$0x0] =	sbarrier.arrive $0xFFFF  }
0xd6: {  	p0 =	sne.s32 s2, $0x0;
	_ =	strace $0x9000004D  }
0xd7: {  	s0 =	sadd.s32 @!p0 $0x100000, s0;
	[bflag:$0x2] =	sbarrier.arrive $0xFFFF  }
0xd8: {  	[sflag:s0] =	ssyncadd.tile.s32 @!p0 $0x1;
	_ =	shalt  }
.Lfunc_end2:
_tile_overlayer_lowered:
.L_overlay_start_2:
0xd9: {  	(tag) =	ssettag $0x2  }
0xda: {  	s0 =	rddreg [dreg:$0x0];
	s2 =	stileid.u32  }
0xdb: {  	s1 =	rddreg [dreg:$0x1];
	p0 =	sne.s32 s2, $0x0  }
0xdc: {  	s3 =	rddreg [dreg:$0x2];
	[bflag:$0x3] =	sbarrier.arrive $0xFFFF;
	s2 =	simm.s32 @!p0 $0x1C02  }
0xdd: {  	[timem:s3], [sflag:s2] =	dma.local @!p0 [hbm:s0], s1  }
0xde: {  	s0 =	simm.s32 @!p0 $0x2  }
0xdf: {  	_ =	swait.ge @!p0 [sflag:s0], s1  }
0xe0: {  	s1 =	ssub.s32 @!p0 $0x0, s1;
	[sflag:s0] =	ssyncset.done @!p0 $0x0  }
0xe1: {  	[sflag:s0] =	ssyncadd.s32 @!p0 s1  }
0xe2: {  	[bflag:$0x3] =	sbarrier.arrive $0xFFFF  }
0xe3: {  	_ =	shalt  }

// kernel: kernel.8.cloned.1.call-start
scs
__scs_entry_jumppad:
0x0: {  	(pc) =	sbr.rel $0x88, $3  }
0x1: {  	(tag) =	ssettag $0x0;
	lr =	simm.s32 $0x1  }
0x2: {  	[smem:$0x3F9B] =	sst lr;
	_ =	strace $0xD0000000  }
0x3: {  	_ = 	snop  }
0x4: {  	_ = 	snop  }
0x5: {  	_ = 	snop  }
0x6: {  	_ = 	snop  }
0x7: {  	_ = 	snop  }
__scs_overlays_trampoline_lowered:
0x8: {  	[smem:$0x3FAA] =	sst s0  }
0x9: {  	[smem:$0x3FAB] =	sst s1  }
0xa: {  	[smem:$0x3FAC] =	sst s2  }
0xb: {  	[smem:$0x3FAD] =	sst s3  }
0xc: {  	[smem:$0x3FAE] =	sst s4  }
0xd: {  	[smem:$0x3FAF] =	sst s5  }
0xe: {  	[smem:$0x3FB0] =	sst s6  }
0xf: {  	[smem:$0x3FB1] =	sst s7  }
0x10: {  	[smem:$0x3FB2] =	sst s8  }
0x11: {  	[smem:$0x3FB3] =	sst s9;
	s0 =	simm.s32 @!p0 $0x0  }
0x12: {  	s1 =	sld [smem:$0x3F99];
	s0 =	simm.s32 @p0 $0x1  }
0x13: {  	[smem:$0x3FB4] =	sst s0;
	s0 =	simm.s32 @!p1 $0x0  }
0x14: {  	s2 =	sld [smem:$0x3F98];
	s0 =	simm.s32 @p1 $0x1  }
0x15: {  	[smem:$0x3FB5] =	sst s0;
	s0 =	simm.s32 @!p2 $0x0  }
0x16: {  	s3 =	sld [smem:$0x3FDB];
	s0 =	simm.s32 @p2 $0x1  }
0x17: {  	s4 =	simm.s32 $0x1BF5;
	[smem:$0x3FB7] =	sst s0  }
0x18: {  	s0 =	sld [smem:$0x3F9A];
	_ =	swait.ge [sflag:s4], $0x0  }
0x19: {  	s7 =	sld [smem:$0x3F9B]  }
0x1a: {  	s8 =	sadd.s32 $0xFFFFE003, lr  }
0x1b: {  	s9 =	sadd.s32 $0xFFFFFEF7, lr;
	s5 =	simm.s32 $0xFFFFFFFF;
	p2 =	slt.u32 s8, $0xFFFFF086  }
0x1c: {  	p1 =	slt.u32 s9, $0xF7A;
	s5 =	simm.s32 @!p2 $0x0  }
0x1d: {  	s5 =	simm.s32 @p1 $0x1;
	p0 =	seq.s32 s7, s2  }
0x1e: {  	s7 =	smul.u32 @!p0 $0xF7A, s2;
	p2 =	seq.s32 @!p0 s5, $0x0  }
0x1f: {  	s9 =	smul.u32 $0xF7A, s1;
	s8 =	simm.s32 @!p0 $0x1BF5;
	p2 =	por !p2, p0  }
0x20: {  	[sflag:s8] =	ssyncset.s32 @!p0 $0xFFFFF086;
	s6 =	sadd.s32 @!p0 s3, s7;
	s7 =	simm.s32 @!p0 $0x108  }
0x21: {  	s3 =	sadd.s32 s3, s9;
	s6 =	sadd.s32 @!p0 $0x88, s6;
	s7 =	simm.s32 @p2 $0x1082  }
0x22: {  	[simem:s7], [sflag:s8] =	dma.local @!p0 [hbm:s6], $0xF7A  }
0x23: {  	s9 =	sor.u32 $0xD0000000, s2;
	s6 =	simm.s32 $0x108;
	_ =	swait.ge @!p0 [sflag:s8], $0x0  }
0x24: {  	s3 =	sadd.s32 $0x88, s3;
	s6 =	simm.s32 @!p1 $0x1082;
	[sflag:s4] =	ssyncset.s32 $0xFFFFF086  }
0x25: {  	[simem:s6], [sflag:s4] =	dma.local [hbm:s3], $0xF7A  }
0x26: {  	[smem:$0x3F9B] =	sst s1;
	(tag) =	ssettag s2;
	_ =	strace s9  }
0x27: {  	s1 =	sld [smem:$0x3FAB]  }
0x28: {  	s2 =	sld [smem:$0x3FAC]  }
0x29: {  	s4 =	sld [smem:$0x3FAE]  }
0x2a: {  	p0 =	seq.s32 s5, $0x0;
	s5 =	sld [smem:$0x3FAF]  }
0x2b: {  	s6 =	sld [smem:$0x3FB0]  }
0x2c: {  	s7 =	sld [smem:$0x3FB1]  }
0x2d: {  	s3 =	simm.s32 $0x108;
	s8 =	sld [smem:$0x3FB2]  }
0x2e: {  	s3 =	simm.s32 @!p0 $0x1082;
	s9 =	sld [smem:$0x3FB3]  }
0x2f: {  	lr =	sadd.s32 s0, s3;
	s0 =	sld [smem:$0x3FAA]  }
0x30: {  	s3 =	sld [smem:$0x3FAD]  }
0x31: {  	[smem:$0x3FB6] =	sst s10  }
0x32: {  	s10 =	sld [smem:$0x3FB4];
	_ =	sdelay $0x3  }
0x33: {  	p0 =	seq.s32 s10, $0x1;
	s10 =	sld [smem:$0x3FB6];
	_ =	sdelay $0x3  }
0x34: {  	[smem:$0x3FB6] =	sst s10  }
0x35: {  	s10 =	sld [smem:$0x3FB5];
	_ =	sdelay $0x3  }
0x36: {  	p1 =	seq.s32 s10, $0x1;
	s10 =	sld [smem:$0x3FB6];
	_ =	sdelay $0x3  }
0x37: {  	[smem:$0x3FB6] =	sst s10  }
0x38: {  	s10 =	sld [smem:$0x3FB7]  }
0x39: {  	_ = 	snop;
	(pc) =	sbr.ind lr, $3  }
0x3a: {  	_ = 	snop  }
0x3b: {  	_ = 	snop  }
0x3c: {  	p2 =	seq.s32 s10, $0x1;
	s10 =	sld [smem:$0x3FB6]  }
0x3d: {  	_ =	shalt  }
0x3e: {  	_ =	shalt  }
0x3f: {  	_ =	shalt  }
0x40: {  	_ =	shalt  }
0x41: {  	_ =	shalt  }
0x42: {  	_ =	shalt  }
0x43: {  	_ =	shalt  }
0x44: {  	_ =	shalt  }
0x45: {  	_ =	shalt  }
0x46: {  	_ =	shalt  }
0x47: {  	_ =	shalt  }
0x48: {  	_ =	shalt  }
0x49: {  	_ =	shalt  }
0x4a: {  	_ =	shalt  }
0x4b: {  	_ =	shalt  }
0x4c: {  	_ =	shalt  }
0x4d: {  	_ =	shalt  }
0x4e: {  	_ =	shalt  }
0x4f: {  	_ =	shalt  }
0x50: {  	_ =	shalt  }
0x51: {  	_ =	shalt  }
0x52: {  	_ =	shalt  }
0x53: {  	_ =	shalt  }
0x54: {  	_ =	shalt  }
0x55: {  	_ =	shalt  }
0x56: {  	_ =	shalt  }
0x57: {  	_ =	shalt  }
0x58: {  	_ =	shalt  }
0x59: {  	_ =	shalt  }
0x5a: {  	_ =	shalt  }
0x5b: {  	_ =	shalt  }
0x5c: {  	_ =	shalt  }
0x5d: {  	_ =	shalt  }
0x5e: {  	_ =	shalt  }
0x5f: {  	_ =	shalt  }
0x60: {  	_ =	shalt  }
0x61: {  	_ =	shalt  }
0x62: {  	_ =	shalt  }
0x63: {  	_ =	shalt  }
0x64: {  	_ =	shalt  }
0x65: {  	_ =	shalt  }
0x66: {  	_ =	shalt  }
0x67: {  	_ =	shalt  }
0x68: {  	_ =	shalt  }
0x69: {  	_ =	shalt  }
0x6a: {  	_ =	shalt  }
0x6b: {  	_ =	shalt  }
0x6c: {  	_ =	shalt  }
0x6d: {  	_ =	shalt  }
0x6e: {  	_ =	shalt  }
0x6f: {  	_ =	shalt  }
0x70: {  	_ =	shalt  }
0x71: {  	_ =	shalt  }
0x72: {  	_ =	shalt  }
0x73: {  	_ =	shalt  }
0x74: {  	_ =	shalt  }
0x75: {  	_ =	shalt  }
0x76: {  	_ =	shalt  }
0x77: {  	_ =	shalt  }
0x78: {  	_ =	shalt  }
0x79: {  	_ =	shalt  }
0x7a: {  	_ =	shalt  }
0x7b: {  	_ =	shalt  }
0x7c: {  	_ =	shalt  }
0x7d: {  	_ =	shalt  }
0x7e: {  	_ =	shalt  }
0x7f: {  	_ =	shalt  }
0x80: {  	_ =	shalt  }
0x81: {  	_ =	shalt  }
0x82: {  	_ =	shalt  }
0x83: {  	_ =	shalt  }
0x84: {  	_ =	shalt  }
0x85: {  	_ =	shalt  }
0x86: {  	_ =	shalt  }
0x87: {  	_ =	shalt  }
.Lfunc_end0:
.L_simem_size_0:
called_computation_lowered:
.L_overlay_start_0:
0x88: {  	s2 =	sld [smem:$0x3FD9]  }
0x89: {  	s3 =	sld [smem:$0x3FFE];
	_ =	sdelay $0x1  }
0x8a: {  	s1 =	srdreg.scid  }
0x8b: {  	s0 =	sand.u32 $0x1, s1  }
0x8c: {  	s17 =	sshll.u32 s0, $0xA;
	s2 =	sadd.s32 s3, s2  }
0x8d: {  	s2 =	sadd.s32 s2, s17  }
0x8e: {  	[smem:$0x3FC2] =	sst s2  }
0x8f: {  	_ = 	snop  }
0x90: {  	s2 =	sld [smem:$0x3FD0];
	(tm) =	ssettm $0x1  }
0x91: {  	s18 =	sld [smem:$0x3FFB];
	_ =	sdelay $0x3  }
0x92: {  	_ =	strace s18  }
0x93: {  	s3 =	sld [smem:$0x3FFC];
	_ =	sdelay $0x3  }
0x94: {  	_ =	strace s3  }
0x95: {  	s3 =	sld [smem:$0x3FFD];
	_ =	sdelay $0x3  }
0x96: {  	_ =	strace s3  }
0x97: {  	_ =	strace $0x8FFFFFFF  }
0x98: {  	s19 =	sld [smem:$0x3FDB];
	_ =	sdelay $0x1  }
0x99: {  	s4 =	simm.s32 $_scs_section_size  }
0x9a: {  	s5 =	simm.s32 $_size__tile_overlayer_lowered;
	s6 =	simm.s32 $_tile_overlayer_lowered  }
0x9b: {  	s22 =	simm.s32 $0x1BFF;
	s21 =	sshll.u32 s6, $0x1;
	s3 =	sadd.s32 s4, s19  }
0x9c: {  	s7 =	simm.s32 $0x0;
	s20 =	sshll.u32 s5, $0x1;
	s5 =	sadd.s32 s21, s3  }
0x9d: {  	[timem:s7], [sflag:s22] =	dma.local [hbm:s5], s20  }
0x9e: {  	_ =	swait.ge [sflag:s22], s20  }
0x9f: {  	s4 =	ssub.s32 $0x0, s20;
	[sflag:s22] =	ssyncset.done $0x0  }
0xa0: {  	[sflag:s22] =	ssyncadd.s32 s4;
	_ =	sdelay $0x1  }
0xa1: {  	s23 =	simm.s32 $0x1B8B  }
0xa2: {  	_ =	swait.ge [sflag:s23], $0x1  }
0xa3: {  	[sflag:s23] =	ssyncset.done $0x0  }
0xa4: {  	s25 =	simm.s32 $0x1B8E;
	s24 =	sld [smem:$0x3FFE];
	[sflag:s23] =	ssyncadd.s32 $0xFFFFFFFF  }
0xa5: {  	s26 =	simm.s32 $execute0_lowered;
	[smem:$0x3FD2] =	sst s25  }
0xa6: {  	s5 =	sshll.u32 s26, $0x1;
	_ =	strace $0x80000046;
	[dreg:$0x1] =	wrdreg $0xFFFFFFFF  }
0xa7: {  	s28 =	simm.s32 $_size_execute0_lowered;
	s3 =	sadd.s32 s3, s5;
	[dreg:$0x0] =	wrdreg $0x0  }
0xa8: {  	s5 =	sshll.u32 s28, $0x1;
	[dreg:$0x2] =	wrdreg s3  }
0xa9: {  	[dreg:$0x3] =	wrdreg s5  }
0xaa: {  	[dreg:$0x4] =	wrdreg $0xC0  }
0xab: {  	_ =	task [dreg:s7], $0x5FFFF  }
0xac: {  	[dreg:$0x1] =	wrdreg $0xFFFFFFFF  }
0xad: {  	[dreg:$0x0] =	wrdreg $0x60  }
0xae: {  	[dreg:$0x2] =	wrdreg s2  }
0xaf: {  	[dreg:$0x3] =	wrdreg s24  }
0xb0: {  	[dreg:$0x4] =	wrdreg $0x9  }
0xb1: {  	_ =	task.clear_ibuf [dreg:s7], $0x5FFFF;
	_ =	strace $0x90000046  }
0xb2: {  	s29 =	simm.s32 $0x9;
	_ =	strace $0x80000048  }
0xb3: {  	_ =	swait.ge [sflag:s29], $0x1  }
0xb4: {  	[sflag:s29] =	ssyncadd.s32 $0xFFFFFFFF  }
0xb5: {  	_ =	strace $0x90000048  }
0xb6: {  	_ =	sfence  }
0xb7: {  	s30 =	sld [smem:$0x0];
	_ =	sdelay $0x2  }
0xb8: {  	s31 =	sshll.u32 s1, $0xD;
	s1 =	sshrl.u32 s1, $0x2  }
0xb9: {  	s3 =	sand.u32 $0x4000, s31;
	s1 =	sadd.s32 s1, s30  }
0xba: {  	s0 =	sor.u32 s3, s0;
	s1 =	sshll.u32 s1, $0x11  }
0xbb: {  	s0 =	sor.u32 s1, s0  }
0xbc: {  	s0 =	sadd.s32 $0x8F2B, s0  }
0xbd: {  	[sflag:s0] =	ssyncadd.remote.s32 $0x1  }
0xbe: {  	_ =	sfence.sel $0xFFFF  }
0xbf: {  	[dreg:$0x0] =	wrdreg $0xFFFFFFFF;
	(pc) =	sbr.abs _section_cstart, $3  }
0xc0: {  	[dreg:$0x1] =	wrdreg $0xFFFFFFFF  }
0xc1: {  	_ =	task.clear_ibuf [dreg:s7], $0x2FFFF;
	_ =	strace $0x9FFFFFFF  }
0xc2: {  	(tm) =	ssettm $0x7FFFFFFF  }
0xc3: {  	_ =	shalt  }
tec
execute0_lowered:
.L_overlay_start_1:
0x0: {  	(tag) =	ssettag $0x1  }
0x1: {  	s0 =	srdreg.scid;
	s3 =	rddreg [dreg:$0x0]  }
0x2: {  	s5 =	rddreg [dreg:$0x1];
	s4 =	sand.u32 $0x1, s0  }
0x3: {  	s1 =	stileid.u32;
	s8 =	simm.s32 $0x0;
	s2 =	sshll.u32 s4, $0x4  }
0x4: {  	s4 =	ssub.s32 $0x2, s4;
	s6 =	sor.u32 s1, s2;
	s2 =	simm.s32 $0x0  }
0x5: {  	s7 =	sshrl.u32 s4, $0x1;
	s6 =	smul.u32 $0x4F0, s6;
	[smem:$0x7FF] =	sst s2  }
0x6: {  	s0 =	rddreg [dreg:$0x2];
	s7 =	ssub.s32 s4, s7;
	_ =	strace $0x80000047  }
0x7: {  	s5 =	sadd.s32 s6, s5;
	s3 =	sadd.s32 s3, s6;
	s6 =	simm.s32 $0x1  }
0x8: {  	v0 =	vimm.f32 $0.0e+00;
	v1 =	vimm.f32 $1.000000000e+00;
	s4 =	sadd.s32 $0x2C00, s5;
	s5 =	smax.u32 s7, $0x1;
	s7 =	simm.s32 $0x2780  }
.LBB2_1:
0x9: {  	[tilespmem:s2], [sflag:$0x1] =	stream.linear.gather [hbm4b:s3+s2], $0x2780, $0x38;
	[tilespmem:$0x4F00] =	vst v63  }
0xa: {  	_ =	swait.ge [sflag:s6], $0x2780  }
0xb: {  	[sflag:s6] =	ssyncset.done $0x0  }
0xc: {  	s9 =	simm.s32 $0x0;
	[sflag:s6] =	ssyncadd.s32 $0xFFFFD880  }
.LBB2_2:
0xd: {  	p0 =	sne.s32 s9, $0x9DC0  }
.Ltmp0:
0xe: {  	_ = 	snop;
	(pc) =	sbr.rel @p0 .LBB2_2-.Ltmp0, $3  }
0xf: {  	_ =	sdelay $0x1  }
0x10: {  	s10 =	sshra.s32 s9, $0x2  }
0x11: {  	s9 =	sadd.s32 $0x40, s9;
	[tilespmem:s10+$0x2780] =	vst v0  }
0x12: {  	s9 =	simm.s32 $0x0  }
.LBB2_4:
0x13: {  	s10 =	sshra.s32 s9, $0x2  }
0x14: {  	v2 =	vld [tilespmem:s10+$0x0];
	_ =	sdelay $0x7  }
0x15: {  	[tilespmem:v2+s7+$0x0] =	vst.idx.add.f32.msk $0xffff, v1  }
0x16: {  	v2 =	vld [tilespmem:s10+$0x10];
	_ =	sdelay $0x7  }
0x17: {  	[tilespmem:v2+s7+$0x0] =	vst.idx.add.f32.msk $0xffff, v1  }
0x18: {  	v2 =	vld [tilespmem:s10+$0x20];
	_ =	sdelay $0x7  }
0x19: {  	[tilespmem:v2+s7+$0x0] =	vst.idx.add.f32.msk $0xffff, v1  }
0x1a: {  	v2 =	vld [tilespmem:s10+$0x30];
	_ =	sdelay $0x7  }
0x1b: {  	[tilespmem:v2+s7+$0x0] =	vst.idx.add.f32.msk $0xffff, v1  }
0x1c: {  	v2 =	vld [tilespmem:s10+$0x40];
	_ =	sdelay $0x7  }
0x1d: {  	[tilespmem:v2+s7+$0x0] =	vst.idx.add.f32.msk $0xffff, v1  }
0x1e: {  	v2 =	vld [tilespmem:s10+$0x50];
	_ =	sdelay $0x7  }
0x1f: {  	[tilespmem:v2+s7+$0x0] =	vst.idx.add.f32.msk $0xffff, v1  }
0x20: {  	v2 =	vld [tilespmem:s10+$0x60];
	_ =	sdelay $0x7  }
0x21: {  	[tilespmem:v2+s7+$0x0] =	vst.idx.add.f32.msk $0xffff, v1  }
0x22: {  	v2 =	vld [tilespmem:s10+$0x70];
	_ =	sdelay $0x2  }
0x23: {  	p0 =	sne.s32 s9, $0x9C00  }
.Ltmp1:
0x24: {  	_ = 	snop;
	(pc) =	sbr.rel @p0 .LBB2_4-.Ltmp1, $2  }
0x25: {  	_ =	sdelay $0x2  }
0x26: {  	s9 =	sadd.s32 $0x200, s9;
	[tilespmem:v2+s7+$0x0] =	vst.idx.add.f32.msk $0xffff, v1  }
0x27: {  	s8 =	sadd.s32 $0x1, s8  }
0x28: {  	p0 =	sne.s32 s8, s5  }
.Ltmp2:
0x29: {  	_ = 	snop;
	(pc) =	sbr.rel @p0 .LBB2_1-.Ltmp2, $4  }
0x2a: {  	[hbm4b:s4+s2] =	stream.linear.scatter [tilespmem:s7], [sflag:$0x1], $0x2780, $0x38;
	[tilespmem:$0x4F00] =	vst v63  }
0x2b: {  	_ =	swait.ge [sflag:s6], $0x2780  }
0x2c: {  	[sflag:s6] =	ssyncset.done $0x0  }
0x2d: {  	[sflag:s6] =	ssyncadd.s32 $0xFFFFD880  }
0x2e: {  	_ =	sfence.sel $0x180000  }
0x2f: {  	[bflag:$0x0] =	sbarrier.arrive $0xFFFF  }
0x30: {  	p0 =	sne.s32 s1, $0x0;
	_ =	strace $0x90000047  }
0x31: {  	s0 =	sadd.s32 @!p0 $0x100000, s0;
	[bflag:$0x2] =	sbarrier.arrive $0xFFFF  }
0x32: {  	[sflag:s0] =	ssyncadd.tile.s32 @!p0 $0x1;
	_ =	shalt  }
.Lfunc_end2:
_tile_overlayer_lowered:
.L_overlay_start_2:
0x33: {  	(tag) =	ssettag $0x2  }
0x34: {  	s0 =	rddreg [dreg:$0x0];
	s2 =	stileid.u32  }
0x35: {  	s1 =	rddreg [dreg:$0x1];
	p0 =	sne.s32 s2, $0x0  }
0x36: {  	s3 =	rddreg [dreg:$0x2];
	[bflag:$0x3] =	sbarrier.arrive $0xFFFF;
	s2 =	simm.s32 @!p0 $0x1C01  }
0x37: {  	[timem:s3], [sflag:s2] =	dma.local @!p0 [hbm:s0], s1  }
0x38: {  	s0 =	simm.s32 @!p0 $0x1  }
0x39: {  	_ =	swait.ge @!p0 [sflag:s0], s1  }
0x3a: {  	s1 =	ssub.s32 @!p0 $0x0, s1;
	[sflag:s0] =	ssyncset.done @!p0 $0x0  }
0x3b: {  	[sflag:s0] =	ssyncadd.s32 @!p0 s1  }
0x3c: {  	[bflag:$0x3] =	sbarrier.arrive $0xFFFF  }
0x3d: {  	_ =	shalt  }

</sc_bundles>
